<compile_context>
chip_gen: v7x
topology: tpu7x:2x2x1
jax: 0.10.2.dev20260603
libtpu: 0.0.44.dev20260713+nightly
codegen_flags: <defaults>
</compile_context>

<pallas_src>
import functools

import jax
import jax.numpy as jnp
from jax import lax
from jax.experimental import pallas as pl
from jax.experimental.pallas import tpu as pltpu
from jax.experimental.pallas import tpu_sc as plsc

B = 16384
NC, NS = 2, 16

D0, D1, D2 = 64, 32, 16
V0, V1, V2 = 100000, 1000, 100

QUE_DIM, PRO_DIM = 40, 30
QC_RAW = 33
PC_RAW = 26
QIN = D0 + D1 + D2 + QC_RAW
PIN = D0 + D1 + PC_RAW

MID = 256
LAT = 64

BLK = 4096

DPW = 2
HALF = B // 2
BPW = B // (NC * NS)


def _sc_big_body(idx_hbm, tabt, outt, idx_v, row_v, out_v):
    wid = lax.axis_index("s") * NC + lax.axis_index("c")
    dbase = wid * DPW
    pltpu.sync_copy(idx_hbm, idx_v)
    for k in range(DPW):
        d = dbase + k
        pltpu.sync_copy(tabt.at[d], row_v)
        for h in range(2):
            @pl.loop(0, HALF // 16, unroll=8)
            def _(j):
                iv = idx_v[pl.ds(h * HALF + j * 16, 16)]
                out_v[pl.ds(j * 16, 16)] = plsc.load_gather(row_v, [iv])
            pltpu.sync_copy(out_v, outt.at[d, pl.ds(h * HALF, HALF)])


@functools.lru_cache(maxsize=None)
def _get_sc_big():
    return functools.partial(
        pl.kernel,
        mesh=plsc.VectorSubcoreMesh(core_axis_name="c", subcore_axis_name="s"),
        compiler_params=pltpu.CompilerParams(needs_layout_passes=False),
        out_type=jax.ShapeDtypeStruct((D0, B), jnp.float32),
        scratch_types=[
            pltpu.VMEM((B,), jnp.int32),
            pltpu.VMEM((V0,), jnp.float32),
            pltpu.VMEM((HALF,), jnp.float32),
        ],
    )(_sc_big_body)


def _sc_small_body(q1, q2, p1, tq1, tq2, tp1,
                   oq1, oq2, op1,
                   i1, i2, i3, r1, r2, r3, sem):
    wid = lax.axis_index("s") * NC + lax.axis_index("c")
    base = wid * BPW
    sl = pl.ds(base, BPW)
    pltpu.sync_copy(q1.at[sl], i1)
    pltpu.sync_copy(q2.at[sl], i2)
    pltpu.sync_copy(p1.at[sl], i3)
    c1 = pltpu.async_copy(tq1.at[i1], r1, sem)
    c2 = pltpu.async_copy(tq2.at[i2], r2, sem)
    c3 = pltpu.async_copy(tp1.at[i3], r3, sem)
    c1.wait()
    c2.wait()
    c3.wait()
    pltpu.sync_copy(r1, oq1.at[sl])
    pltpu.sync_copy(r2, oq2.at[sl])
    pltpu.sync_copy(r3, op1.at[sl])


@functools.lru_cache(maxsize=None)
def _get_sc_small():
    return functools.partial(
        pl.kernel,
        mesh=plsc.VectorSubcoreMesh(core_axis_name="c", subcore_axis_name="s"),
        compiler_params=pltpu.CompilerParams(use_tc_tiling_on_sc=False,
                                             needs_layout_passes=False),
        out_type=[
            jax.ShapeDtypeStruct((B, D1), jnp.float32),
            jax.ShapeDtypeStruct((B, D2), jnp.float32),
            jax.ShapeDtypeStruct((B, D1), jnp.float32),
        ],
        scratch_types=[
            pltpu.VMEM((BPW,), jnp.int32),
            pltpu.VMEM((BPW,), jnp.int32),
            pltpu.VMEM((BPW,), jnp.int32),
            pltpu.VMEM((BPW, D1), jnp.float32),
            pltpu.VMEM((BPW, D2), jnp.float32),
            pltpu.VMEM((BPW, D1), jnp.float32),
            pltpu.SemaphoreType.DMA,
        ],
    )(_sc_small_body)


def _dot_t(lhs_t, rhs):
    return jax.lax.dot_general(lhs_t, rhs, (((0,), (0,)), ((), ())),
                               preferred_element_type=jnp.float32)


def _tc_que_body(eq0t, eq1, eq2, quet, wq1, wq1c, bq1, wq2, bq2, qe_ref):
    f32 = jnp.float32
    hq = (_dot_t(eq0t[...], wq1[0:D0, :])
          + jnp.dot(eq1[...], wq1[D0:D0 + D1, :], preferred_element_type=f32)
          + jnp.dot(eq2[...], wq1[D0 + D1:D0 + D1 + D2, :], preferred_element_type=f32)
          + _dot_t(quet[...], wq1c[...])
          + bq1[...])
    hq = jnp.tanh(hq)
    qe_ref[...] = jnp.dot(hq, wq2[...], preferred_element_type=f32) + bq2[...]


def _tc_pro_body(ep0t, ep1, prot, qe, wp1, wp1c, bp1, wp2, bp2, out_ref):
    f32 = jnp.float32
    hp = (_dot_t(ep0t[...], wp1[0:D0, :])
          + jnp.dot(ep1[...], wp1[D0:D0 + D1, :], preferred_element_type=f32)
          + _dot_t(prot[...], wp1c[...])
          + bp1[...])
    hp = jnp.tanh(hp)
    pe = jnp.dot(hp, wp2[...], preferred_element_type=f32) + bp2[...]
    d = jnp.sum(jnp.square(qe[...] - pe), axis=1, keepdims=True)
    out_ref[...] = jnp.exp(-d)


def kernel(que, pro, que_tab0, que_tab1, que_tab2, pro_tab0, pro_tab1,
           que_W1, que_b1, que_W2, que_b2, pro_W1, pro_b1, pro_W2, pro_b2):
    f32 = jnp.float32
    qi0 = que[:, 0].astype(jnp.int32)
    qi1 = que[:, 1].astype(jnp.int32)
    qi2 = que[:, 2].astype(jnp.int32)
    pi0 = pro[:, 0].astype(jnp.int32)
    pi1 = pro[:, 1].astype(jnp.int32)
    quet = que.T
    prot = pro.T
    wq1c = jnp.zeros((QUE_DIM, MID), f32).at[3:3 + QC_RAW].set(
        que_W1[D0 + D1 + D2:])
    wp1c = jnp.zeros((PRO_DIM, MID), f32).at[2:2 + PC_RAW].set(
        pro_W1[D0 + D1:])
    bq1 = que_b1.reshape(1, MID)
    bq2 = que_b2.reshape(1, LAT)
    bp1 = pro_b1.reshape(1, MID)
    bp2 = pro_b2.reshape(1, LAT)

    eq0t = _get_sc_big()(qi0, que_tab0.T)
    eq1, eq2, ep1 = _get_sc_small()(qi1, qi2, pi1, que_tab1, que_tab2, pro_tab1)
    ep0t = _get_sc_big()(pi0, pro_tab0.T)

    grid = (B // BLK,)
    col = lambda i: (0, i)
    row = lambda i: (i, 0)
    rep = lambda i: (0, 0)
    qe = pl.pallas_call(
        _tc_que_body,
        grid=grid,
        in_specs=[
            pl.BlockSpec((D0, BLK), col),
            pl.BlockSpec((BLK, D1), row),
            pl.BlockSpec((BLK, D2), row),
            pl.BlockSpec((QUE_DIM, BLK), col),
            pl.BlockSpec((QIN, MID), rep),
            pl.BlockSpec((QUE_DIM, MID), rep),
            pl.BlockSpec((1, MID), rep),
            pl.BlockSpec((MID, LAT), rep),
            pl.BlockSpec((1, LAT), rep),
        ],
        out_specs=pl.BlockSpec((BLK, LAT), row),
        out_shape=jax.ShapeDtypeStruct((B, LAT), f32),
    )(eq0t, eq1, eq2, quet, que_W1, wq1c, bq1, que_W2, bq2)

    out = pl.pallas_call(
        _tc_pro_body,
        grid=grid,
        in_specs=[
            pl.BlockSpec((D0, BLK), col),
            pl.BlockSpec((BLK, D1), row),
            pl.BlockSpec((PRO_DIM, BLK), col),
            pl.BlockSpec((BLK, LAT), row),
            pl.BlockSpec((PIN, MID), rep),
            pl.BlockSpec((PRO_DIM, MID), rep),
            pl.BlockSpec((1, MID), rep),
            pl.BlockSpec((MID, LAT), rep),
            pl.BlockSpec((1, LAT), rep),
        ],
        out_specs=pl.BlockSpec((BLK, 1), row),
        out_shape=jax.ShapeDtypeStruct((B, 1), f32),
    )(ep0t, ep1, prot, qe, pro_W1, wp1c, bp1, pro_W2, bp2)
    return out

# --- scband reference (transcript-rebuilt; emitter-appended) ---
"""Pipeline reference for scband-content-model-78580721648195 (READ-ONLY COPY).

The authoritative reference and input builder live on the scoring server;
editing this copy changes nothing except your own understanding.
"""

import jax, jax.numpy as jnp
import numpy as np

BATCH = 16384
QUE_DIM = 40
PRO_DIM = 30
QUE_N_FEAT = 36
PRO_N_FEAT = 28
QUE_VOCABS = [100000, 1000, 100]
QUE_EDIMS = [64, 32, 16]
PRO_VOCABS = [100000, 1000]
PRO_EDIMS = [64, 32]
MIDDLE = 256
LATENT = 64


def _make_side(key, dim, vocabs):
    # Mixed feature tensor: leading columns are categorical ids stored as floats
    # (Keras Embedding casts float inputs to int), remainder are continuous.
    n_cat = len(vocabs)
    ks = jax.random.split(key, n_cat + 1)
    cats = [jax.random.randint(ks[i], (BATCH,), 0, v).astype(jnp.float32) for i, v in enumerate(vocabs)]
    rest = jax.random.normal(ks[-1], (BATCH, dim - n_cat), dtype=jnp.float32)
    return jnp.concatenate([jnp.stack(cats, axis=1), rest], axis=1)


def setup_inputs(seed: int = 0):
    key = jax.random.key(seed)
    ks = jax.random.split(key, 16)
    inp = {}
    inp['que'] = _make_side(ks[0], QUE_DIM, QUE_VOCABS)
    inp['pro'] = _make_side(ks[1], PRO_DIM, PRO_VOCABS)
    for i, (v, d) in enumerate(zip(QUE_VOCABS, QUE_EDIMS)):
        inp['que_tab%d' % i] = jax.random.normal(ks[2 + i], (v, d), dtype=jnp.float32) * 0.05
    for i, (v, d) in enumerate(zip(PRO_VOCABS, PRO_EDIMS)):
        inp['pro_tab%d' % i] = jax.random.normal(ks[5 + i], (v, d), dtype=jnp.float32) * 0.05
    que_in = sum(QUE_EDIMS) + (QUE_N_FEAT - len(QUE_VOCABS))
    pro_in = sum(PRO_EDIMS) + (PRO_N_FEAT - len(PRO_VOCABS))
    inp['que_W1'] = jax.random.normal(ks[7], (que_in, MIDDLE), dtype=jnp.float32) / np.sqrt(que_in)
    inp['que_b1'] = jnp.zeros((MIDDLE,), dtype=jnp.float32)
    inp['que_W2'] = jax.random.normal(ks[8], (MIDDLE, LATENT), dtype=jnp.float32) / np.sqrt(MIDDLE)
    inp['que_b2'] = jnp.zeros((LATENT,), dtype=jnp.float32)
    inp['pro_W1'] = jax.random.normal(ks[9], (pro_in, MIDDLE), dtype=jnp.float32) / np.sqrt(pro_in)
    inp['pro_b1'] = jnp.zeros((MIDDLE,), dtype=jnp.float32)
    inp['pro_W2'] = jax.random.normal(ks[10], (MIDDLE, LATENT), dtype=jnp.float32) / np.sqrt(MIDDLE)
    inp['pro_b2'] = jnp.zeros((LATENT,), dtype=jnp.float32)
    return inp


def _encode(x, n_feat, tabs, W1, b1, W2, b2):
    # Extractor: date-mask columns are the trailing ones, so ~date_mask keeps x[:, :n_feat]
    f = x[:, :n_feat]
    n_cat = len(tabs)
    embs = []
    for i, tab in enumerate(tabs):
        idx = jax.lax.stop_gradient(f[:, i]).astype(jnp.int32)
        embs.append(jnp.take(tab, idx, axis=0))
    h = jnp.concatenate(embs + [f[:, n_cat:]], axis=1)
    h = jnp.tanh(h @ W1 + b1)
    return h @ W2 + b2


def reference(que, pro, que_tab0, que_tab1, que_tab2, pro_tab0, pro_tab1,
              que_W1, que_b1, que_W2, que_b2, pro_W1, pro_b1, pro_W2, pro_b2):
    qe = _encode(que, QUE_N_FEAT, [que_tab0, que_tab1, que_tab2], que_W1, que_b1, que_W2, que_b2)
    pe = _encode(pro, PRO_N_FEAT, [pro_tab0, pro_tab1], pro_W1, pro_b1, pro_W2, pro_b2)
    dist = jnp.sum(jnp.square(qe - pe), axis=-1)
    return jnp.reshape(jnp.exp(-dist), (-1, 1))

if __name__ == "__main__":
    import jax
    _d = setup_inputs()
    print(jax.jit(kernel)(*tuple(_d.values())))

</pallas_src>

<mosaic_0001>
#map = affine_map<(d0, d1) -> (0)>
#map1 = affine_map<(d0, d1) -> (0, 0)>
module attributes {stable_mosaic.version = 14 : i64} {
  func.func @_sc_big_body(%arg0: i32, %arg1: i32, %arg2: memref<16384xi32, #tpu.memory_space<hbm>>, %arg3: memref<64x100000xf32, #tpu.memory_space<hbm>>, %arg4: memref<64x16384xf32, #tpu.memory_space<hbm>>, %arg5: memref<16384xi32, #tpu.memory_space<vmem>>, %arg6: memref<100000xf32, #tpu.memory_space<vmem>>, %arg7: memref<8192xf32, #tpu.memory_space<vmem>>) attributes {dimension_semantics = [#tpu.dimension_semantics<core_parallel>, #tpu.dimension_semantics<subcore_parallel>], iteration_bounds = array<i64: 2, 16>, scalar_prefetch = 0 : i64, scratch_operands = 3 : i64, tpu.core_type = #tpu.core_type<sc_vector_subcore>, window_params = [{transform_indices = #map}, {transform_indices = #map1}, {transform_indices = #map1}]} {
    %mul3A = arith.constant 2 : i32
    %mul3A_0 = arith.muli %arg1, %mul3A : i32
    %add3A = arith.addi %mul3A_0, %arg0 : i32
    %mul3A_1 = arith.constant 2 : i32
    %mul3A_2 = arith.muli %add3A, %mul3A_1 : i32
    "tpu.region"() ({
      %run_scoped3A = tpu.sem_alloc : memref<!tpu.dma_semaphore, #tpu.memory_space<semaphore_mem>>
      tpu.enqueue_dma source(%arg2 : memref<16384xi32, #tpu.memory_space<hbm>>) target(%arg5 : memref<16384xi32, #tpu.memory_space<vmem>>) target_semaphore(%run_scoped3A : memref<!tpu.dma_semaphore, #tpu.memory_space<semaphore_mem>>)
      tpu.wait_dma2 semaphore(%run_scoped3A : memref<!tpu.dma_semaphore, #tpu.memory_space<semaphore_mem>>) src(%arg2 : memref<16384xi32, #tpu.memory_space<hbm>>) dst(%arg5 : memref<16384xi32, #tpu.memory_space<vmem>>)
      tpu.yield
    }) : () -> ()
    %add3A_3 = arith.constant 0 : i32
    %add3A_4 = arith.addi %mul3A_2, %add3A_3 : i32
    "tpu.region"() ({
      %run_scoped3A = tpu.sem_alloc : memref<!tpu.dma_semaphore, #tpu.memory_space<semaphore_mem>>
      %dma_start3A = arith.constant 0 : i32
      %dma_start3A_26 = tpu.memref_slice %arg3[%add3A_4, %dma_start3A] : memref<64x100000xf32, #tpu.memory_space<hbm>> -> memref<1x100000xf32, #tpu.memory_space<hbm>>
      %dma_start3A_27 = tpu.memref_squeeze %dma_start3A_26 : memref<1x100000xf32, #tpu.memory_space<hbm>> -> memref<100000xf32, #tpu.memory_space<hbm>>
      %dma_start3A_28 = arith.constant 0 : i32
      %dma_start3A_29 = tpu.memref_slice %arg3[%add3A_4, %dma_start3A_28] : memref<64x100000xf32, #tpu.memory_space<hbm>> -> memref<1x100000xf32, #tpu.memory_space<hbm>>
      %dma_start3A_30 = tpu.memref_squeeze %dma_start3A_29 : memref<1x100000xf32, #tpu.memory_space<hbm>> -> memref<100000xf32, #tpu.memory_space<hbm>>
      tpu.enqueue_dma source(%dma_start3A_30 : memref<100000xf32, #tpu.memory_space<hbm>>) target(%arg6 : memref<100000xf32, #tpu.memory_space<vmem>>) target_semaphore(%run_scoped3A : memref<!tpu.dma_semaphore, #tpu.memory_space<semaphore_mem>>)
      %dma_wait3A = arith.constant 0 : i32
      %dma_wait3A_31 = tpu.memref_slice %arg3[%add3A_4, %dma_wait3A] : memref<64x100000xf32, #tpu.memory_space<hbm>> -> memref<1x100000xf32, #tpu.memory_space<hbm>>
      %dma_wait3A_32 = tpu.memref_squeeze %dma_wait3A_31 : memref<1x100000xf32, #tpu.memory_space<hbm>> -> memref<100000xf32, #tpu.memory_space<hbm>>
      %dma_wait3A_33 = arith.constant 0 : i32
      %dma_wait3A_34 = tpu.memref_slice %arg3[%add3A_4, %dma_wait3A_33] : memref<64x100000xf32, #tpu.memory_space<hbm>> -> memref<1x100000xf32, #tpu.memory_space<hbm>>
      %dma_wait3A_35 = tpu.memref_squeeze %dma_wait3A_34 : memref<1x100000xf32, #tpu.memory_space<hbm>> -> memref<100000xf32, #tpu.memory_space<hbm>>
      tpu.wait_dma2 semaphore(%run_scoped3A : memref<!tpu.dma_semaphore, #tpu.memory_space<semaphore_mem>>) src(%dma_wait3A_35 : memref<100000xf32, #tpu.memory_space<hbm>>) dst(%arg6 : memref<100000xf32, #tpu.memory_space<vmem>>)
      tpu.yield
    }) : () -> ()
    %scan3A = arith.constant 0 : i32
    %scan3A_5 = arith.constant 512 : i32
    %scan3A_6 = arith.addi %scan3A, %scan3A_5 : i32
    %scan3A_7 = arith.constant 8 : i32
    scf.for %scan3A_26 = %scan3A to %scan3A_6 step %scan3A_7  : i32 {
      %mul3A_27 = arith.constant 1 : i32
      %mul3A_28 = arith.muli %scan3A_26, %mul3A_27 : i32
      %add3A_29 = arith.constant 0 : i32
      %add3A_30 = arith.addi %add3A_29, %mul3A_28 : i32
      %mul3A_31 = arith.constant 16 : i32
      %mul3A_32 = arith.muli %add3A_30, %mul3A_31 : i32
      %add3A_33 = arith.constant 0 : i32
      %add3A_34 = arith.addi %add3A_33, %mul3A_32 : i32
      %get3A = arith.index_cast %add3A_34 : i32 to index
      %get3A_35 = tpu.vector_load %arg5[%get3A] {strides = array<i32>} : memref<16384xi32, #tpu.memory_space<vmem>>, vector<16xi32>,
      %gather3A = tpu.vector_load_idx %arg6[%get3A_35] : memref<100000xf32, #tpu.memory_space<vmem>>[vector<16xi32>], vector<16xf32>,
      %mul3A_36 = arith.constant 16 : i32
      %mul3A_37 = arith.muli %add3A_30, %mul3A_36 : i32
      %swap3A = arith.index_cast %mul3A_37 : i32 to index
      %swap3A_38 = tpu.vector_load %arg7[%swap3A] {strides = array<i32>} : memref<8192xf32, #tpu.memory_space<vmem>>, vector<16xf32>,
      tpu.vector_store %arg7[%swap3A], %gather3A {strides = array<i32>} : memref<8192xf32, #tpu.memory_space<vmem>>, vector<16xf32>,
      %scan3A_39 = arith.constant 1 : i32
      %scan3A_40 = arith.addi %scan3A_26, %scan3A_39 : i32
      %mul3A_41 = arith.constant 1 : i32
      %mul3A_42 = arith.muli %scan3A_40, %mul3A_41 : i32
      %add3A_43 = arith.constant 0 : i32
      %add3A_44 = arith.addi %add3A_43, %mul3A_42 : i32
      %mul3A_45 = arith.constant 16 : i32
      %mul3A_46 = arith.muli %add3A_44, %mul3A_45 : i32
      %add3A_47 = arith.constant 0 : i32
      %add3A_48 = arith.addi %add3A_47, %mul3A_46 : i32
      %get3A_49 = arith.index_cast %add3A_48 : i32 to index
      %get3A_50 = tpu.vector_load %arg5[%get3A_49] {strides = array<i32>} : memref<16384xi32, #tpu.memory_space<vmem>>, vector<16xi32>,
      %gather3A_51 = tpu.vector_load_idx %arg6[%get3A_50] : memref<100000xf32, #tpu.memory_space<vmem>>[vector<16xi32>], vector<16xf32>,
      %mul3A_52 = arith.constant 16 : i32
      %mul3A_53 = arith.muli %add3A_44, %mul3A_52 : i32
      %swap3A_54 = arith.index_cast %mul3A_53 : i32 to index
      %swap3A_55 = tpu.vector_load %arg7[%swap3A_54] {strides = array<i32>} : memref<8192xf32, #tpu.memory_space<vmem>>, vector<16xf32>,
      tpu.vector_store %arg7[%swap3A_54], %gather3A_51 {strides = array<i32>} : memref<8192xf32, #tpu.memory_space<vmem>>, vector<16xf32>,
      %scan3A_56 = arith.constant 2 : i32
      %scan3A_57 = arith.addi %scan3A_26, %scan3A_56 : i32
      %mul3A_58 = arith.constant 1 : i32
      %mul3A_59 = arith.muli %scan3A_57, %mul3A_58 : i32
      %add3A_60 = arith.constant 0 : i32
      %add3A_61 = arith.addi %add3A_60, %mul3A_59 : i32
      %mul3A_62 = arith.constant 16 : i32
      %mul3A_63 = arith.muli %add3A_61, %mul3A_62 : i32
      %add3A_64 = arith.constant 0 : i32
      %add3A_65 = arith.addi %add3A_64, %mul3A_63 : i32
      %get3A_66 = arith.index_cast %add3A_65 : i32 to index
      %get3A_67 = tpu.vector_load %arg5[%get3A_66] {strides = array<i32>} : memref<16384xi32, #tpu.memory_space<vmem>>, vector<16xi32>,
      %gather3A_68 = tpu.vector_load_idx %arg6[%get3A_67] : memref<100000xf32, #tpu.memory_space<vmem>>[vector<16xi32>], vector<16xf32>,
      %mul3A_69 = arith.constant 16 : i32
      %mul3A_70 = arith.muli %add3A_61, %mul3A_69 : i32
      %swap3A_71 = arith.index_cast %mul3A_70 : i32 to index
      %swap3A_72 = tpu.vector_load %arg7[%swap3A_71] {strides = array<i32>} : memref<8192xf32, #tpu.memory_space<vmem>>, vector<16xf32>,
      tpu.vector_store %arg7[%swap3A_71], %gather3A_68 {strides = array<i32>} : memref<8192xf32, #tpu.memory_space<vmem>>, vector<16xf32>,
      %scan3A_73 = arith.constant 3 : i32
      %scan3A_74 = arith.addi %scan3A_26, %scan3A_73 : i32
      %mul3A_75 = arith.constant 1 : i32
      %mul3A_76 = arith.muli %scan3A_74, %mul3A_75 : i32
      %add3A_77 = arith.constant 0 : i32
      %add3A_78 = arith.addi %add3A_77, %mul3A_76 : i32
      %mul3A_79 = arith.constant 16 : i32
      %mul3A_80 = arith.muli %add3A_78, %mul3A_79 : i32
      %add3A_81 = arith.constant 0 : i32
      %add3A_82 = arith.addi %add3A_81, %mul3A_80 : i32
      %get3A_83 = arith.index_cast %add3A_82 : i32 to index
      %get3A_84 = tpu.vector_load %arg5[%get3A_83] {strides = array<i32>} : memref<16384xi32, #tpu.memory_space<vmem>>, vector<16xi32>,
      %gather3A_85 = tpu.vector_load_idx %arg6[%get3A_84] : memref<100000xf32, #tpu.memory_space<vmem>>[vector<16xi32>], vector<16xf32>,
      %mul3A_86 = arith.constant 16 : i32
      %mul3A_87 = arith.muli %add3A_78, %mul3A_86 : i32
      %swap3A_88 = arith.index_cast %mul3A_87 : i32 to index
      %swap3A_89 = tpu.vector_load %arg7[%swap3A_88] {strides = array<i32>} : memref<8192xf32, #tpu.memory_space<vmem>>, vector<16xf32>,
      tpu.vector_store %arg7[%swap3A_88], %gather3A_85 {strides = array<i32>} : memref<8192xf32, #tpu.memory_space<vmem>>, vector<16xf32>,
      %scan3A_90 = arith.constant 4 : i32
      %scan3A_91 = arith.addi %scan3A_26, %scan3A_90 : i32
      %mul3A_92 = arith.constant 1 : i32
      %mul3A_93 = arith.muli %scan3A_91, %mul3A_92 : i32
      %add3A_94 = arith.constant 0 : i32
      %add3A_95 = arith.addi %add3A_94, %mul3A_93 : i32
      %mul3A_96 = arith.constant 16 : i32
      %mul3A_97 = arith.muli %add3A_95, %mul3A_96 : i32
      %add3A_98 = arith.constant 0 : i32
      %add3A_99 = arith.addi %add3A_98, %mul3A_97 : i32
      %get3A_100 = arith.index_cast %add3A_99 : i32 to index
      %get3A_101 = tpu.vector_load %arg5[%get3A_100] {strides = array<i32>} : memref<16384xi32, #tpu.memory_space<vmem>>, vector<16xi32>,
      %gather3A_102 = tpu.vector_load_idx %arg6[%get3A_101] : memref<100000xf32, #tpu.memory_space<vmem>>[vector<16xi32>], vector<16xf32>,
      %mul3A_103 = arith.constant 16 : i32
      %mul3A_104 = arith.muli %add3A_95, %mul3A_103 : i32
      %swap3A_105 = arith.index_cast %mul3A_104 : i32 to index
      %swap3A_106 = tpu.vector_load %arg7[%swap3A_105] {strides = array<i32>} : memref<8192xf32, #tpu.memory_space<vmem>>, vector<16xf32>,
      tpu.vector_store %arg7[%swap3A_105], %gather3A_102 {strides = array<i32>} : memref<8192xf32, #tpu.memory_space<vmem>>, vector<16xf32>,
      %scan3A_107 = arith.constant 5 : i32
      %scan3A_108 = arith.addi %scan3A_26, %scan3A_107 : i32
      %mul3A_109 = arith.constant 1 : i32
      %mul3A_110 = arith.muli %scan3A_108, %mul3A_109 : i32
      %add3A_111 = arith.constant 0 : i32
      %add3A_112 = arith.addi %add3A_111, %mul3A_110 : i32
      %mul3A_113 = arith.constant 16 : i32
      %mul3A_114 = arith.muli %add3A_112, %mul3A_113 : i32
      %add3A_115 = arith.constant 0 : i32
      %add3A_116 = arith.addi %add3A_115, %mul3A_114 : i32
      %get3A_117 = arith.index_cast %add3A_116 : i32 to index
      %get3A_118 = tpu.vector_load %arg5[%get3A_117] {strides = array<i32>} : memref<16384xi32, #tpu.memory_space<vmem>>, vector<16xi32>,
      %gather3A_119 = tpu.vector_load_idx %arg6[%get3A_118] : memref<100000xf32, #tpu.memory_space<vmem>>[vector<16xi32>], vector<16xf32>,
      %mul3A_120 = arith.constant 16 : i32
      %mul3A_121 = arith.muli %add3A_112, %mul3A_120 : i32
      %swap3A_122 = arith.index_cast %mul3A_121 : i32 to index
      %swap3A_123 = tpu.vector_load %arg7[%swap3A_122] {strides = array<i32>} : memref<8192xf32, #tpu.memory_space<vmem>>, vector<16xf32>,
      tpu.vector_store %arg7[%swap3A_122], %gather3A_119 {strides = array<i32>} : memref<8192xf32, #tpu.memory_space<vmem>>, vector<16xf32>,
      %scan3A_124 = arith.constant 6 : i32
      %scan3A_125 = arith.addi %scan3A_26, %scan3A_124 : i32
      %mul3A_126 = arith.constant 1 : i32
      %mul3A_127 = arith.muli %scan3A_125, %mul3A_126 : i32
      %add3A_128 = arith.constant 0 : i32
      %add3A_129 = arith.addi %add3A_128, %mul3A_127 : i32
      %mul3A_130 = arith.constant 16 : i32
      %mul3A_131 = arith.muli %add3A_129, %mul3A_130 : i32
      %add3A_132 = arith.constant 0 : i32
      %add3A_133 = arith.addi %add3A_132, %mul3A_131 : i32
      %get3A_134 = arith.index_cast %add3A_133 : i32 to index
      %get3A_135 = tpu.vector_load %arg5[%get3A_134] {strides = array<i32>} : memref<16384xi32, #tpu.memory_space<vmem>>, vector<16xi32>,
      %gather3A_136 = tpu.vector_load_idx %arg6[%get3A_135] : memref<100000xf32, #tpu.memory_space<vmem>>[vector<16xi32>], vector<16xf32>,
      %mul3A_137 = arith.constant 16 : i32
      %mul3A_138 = arith.muli %add3A_129, %mul3A_137 : i32
      %swap3A_139 = arith.index_cast %mul3A_138 : i32 to index
      %swap3A_140 = tpu.vector_load %arg7[%swap3A_139] {strides = array<i32>} : memref<8192xf32, #tpu.memory_space<vmem>>, vector<16xf32>,
      tpu.vector_store %arg7[%swap3A_139], %gather3A_136 {strides = array<i32>} : memref<8192xf32, #tpu.memory_space<vmem>>, vector<16xf32>,
      %scan3A_141 = arith.constant 7 : i32
      %scan3A_142 = arith.addi %scan3A_26, %scan3A_141 : i32
      %mul3A_143 = arith.constant 1 : i32
      %mul3A_144 = arith.muli %scan3A_142, %mul3A_143 : i32
      %add3A_145 = arith.constant 0 : i32
      %add3A_146 = arith.addi %add3A_145, %mul3A_144 : i32
      %mul3A_147 = arith.constant 16 : i32
      %mul3A_148 = arith.muli %add3A_146, %mul3A_147 : i32
      %add3A_149 = arith.constant 0 : i32
      %add3A_150 = arith.addi %add3A_149, %mul3A_148 : i32
      %get3A_151 = arith.index_cast %add3A_150 : i32 to index
      %get3A_152 = tpu.vector_load %arg5[%get3A_151] {strides = array<i32>} : memref<16384xi32, #tpu.memory_space<vmem>>, vector<16xi32>,
      %gather3A_153 = tpu.vector_load_idx %arg6[%get3A_152] : memref<100000xf32, #tpu.memory_space<vmem>>[vector<16xi32>], vector<16xf32>,
      %mul3A_154 = arith.constant 16 : i32
      %mul3A_155 = arith.muli %add3A_146, %mul3A_154 : i32
      %swap3A_156 = arith.index_cast %mul3A_155 : i32 to index
      %swap3A_157 = tpu.vector_load %arg7[%swap3A_156] {strides = array<i32>} : memref<8192xf32, #tpu.memory_space<vmem>>, vector<16xf32>,
      tpu.vector_store %arg7[%swap3A_156], %gather3A_153 {strides = array<i32>} : memref<8192xf32, #tpu.memory_space<vmem>>, vector<16xf32>,
    }
    %scan3A_8 = arith.constant 512 : i32
    "tpu.region"() ({
      %run_scoped3A = tpu.sem_alloc : memref<!tpu.dma_semaphore, #tpu.memory_space<semaphore_mem>>
      %dma_start3A = arith.constant 0 : i32
      %dma_start3A_26 = tpu.memref_slice %arg4[%add3A_4, %dma_start3A] : memref<64x16384xf32, #tpu.memory_space<hbm>> -> memref<1x8192xf32, #tpu.memory_space<hbm>>
      %dma_start3A_27 = tpu.memref_squeeze %dma_start3A_26 : memref<1x8192xf32, #tpu.memory_space<hbm>> -> memref<8192xf32, #tpu.memory_space<hbm>>
      %dma_start3A_28 = arith.constant 0 : i32
      %dma_start3A_29 = tpu.memref_slice %arg4[%add3A_4, %dma_start3A_28] : memref<64x16384xf32, #tpu.memory_space<hbm>> -> memref<1x8192xf32, #tpu.memory_space<hbm>>
      %dma_start3A_30 = tpu.memref_squeeze %dma_start3A_29 : memref<1x8192xf32, #tpu.memory_space<hbm>> -> memref<8192xf32, #tpu.memory_space<hbm>>
      tpu.enqueue_dma source(%arg7 : memref<8192xf32, #tpu.memory_space<vmem>>) target(%dma_start3A_30 : memref<8192xf32, #tpu.memory_space<hbm>>) target_semaphore(%run_scoped3A : memref<!tpu.dma_semaphore, #tpu.memory_space<semaphore_mem>>)
      %dma_wait3A = arith.constant 0 : i32
      %dma_wait3A_31 = tpu.memref_slice %arg4[%add3A_4, %dma_wait3A] : memref<64x16384xf32, #tpu.memory_space<hbm>> -> memref<1x8192xf32, #tpu.memory_space<hbm>>
      %dma_wait3A_32 = tpu.memref_squeeze %dma_wait3A_31 : memref<1x8192xf32, #tpu.memory_space<hbm>> -> memref<8192xf32, #tpu.memory_space<hbm>>
      %dma_wait3A_33 = arith.constant 0 : i32
      %dma_wait3A_34 = tpu.memref_slice %arg4[%add3A_4, %dma_wait3A_33] : memref<64x16384xf32, #tpu.memory_space<hbm>> -> memref<1x8192xf32, #tpu.memory_space<hbm>>
      %dma_wait3A_35 = tpu.memref_squeeze %dma_wait3A_34 : memref<1x8192xf32, #tpu.memory_space<hbm>> -> memref<8192xf32, #tpu.memory_space<hbm>>
      tpu.wait_dma2 semaphore(%run_scoped3A : memref<!tpu.dma_semaphore, #tpu.memory_space<semaphore_mem>>) src(%arg7 : memref<8192xf32, #tpu.memory_space<vmem>>) dst(%dma_wait3A_35 : memref<8192xf32, #tpu.memory_space<hbm>>)
      tpu.yield
    }) : () -> ()
    %scan3A_9 = arith.constant 0 : i32
    %scan3A_10 = arith.constant 512 : i32
    %scan3A_11 = arith.addi %scan3A_9, %scan3A_10 : i32
    %scan3A_12 = arith.constant 8 : i32
    scf.for %scan3A_26 = %scan3A_9 to %scan3A_11 step %scan3A_12  : i32 {
      %mul3A_27 = arith.constant 1 : i32
      %mul3A_28 = arith.muli %scan3A_26, %mul3A_27 : i32
      %add3A_29 = arith.constant 0 : i32
      %add3A_30 = arith.addi %add3A_29, %mul3A_28 : i32
      %mul3A_31 = arith.constant 16 : i32
      %mul3A_32 = arith.muli %add3A_30, %mul3A_31 : i32
      %add3A_33 = arith.constant 8192 : i32
      %add3A_34 = arith.addi %add3A_33, %mul3A_32 : i32
      %get3A = arith.index_cast %add3A_34 : i32 to index
      %get3A_35 = tpu.vector_load %arg5[%get3A] {strides = array<i32>} : memref<16384xi32, #tpu.memory_space<vmem>>, vector<16xi32>,
      %gather3A = tpu.vector_load_idx %arg6[%get3A_35] : memref<100000xf32, #tpu.memory_space<vmem>>[vector<16xi32>], vector<16xf32>,
      %mul3A_36 = arith.constant 16 : i32
      %mul3A_37 = arith.muli %add3A_30, %mul3A_36 : i32
      %swap3A = arith.index_cast %mul3A_37 : i32 to index
      %swap3A_38 = tpu.vector_load %arg7[%swap3A] {strides = array<i32>} : memref<8192xf32, #tpu.memory_space<vmem>>, vector<16xf32>,
      tpu.vector_store %arg7[%swap3A], %gather3A {strides = array<i32>} : memref<8192xf32, #tpu.memory_space<vmem>>, vector<16xf32>,
      %scan3A_39 = arith.constant 1 : i32
      %scan3A_40 = arith.addi %scan3A_26, %scan3A_39 : i32
      %mul3A_41 = arith.constant 1 : i32
      %mul3A_42 = arith.muli %scan3A_40, %mul3A_41 : i32
      %add3A_43 = arith.constant 0 : i32
      %add3A_44 = arith.addi %add3A_43, %mul3A_42 : i32
      %mul3A_45 = arith.constant 16 : i32
      %mul3A_46 = arith.muli %add3A_44, %mul3A_45 : i32
      %add3A_47 = arith.constant 8192 : i32
      %add3A_48 = arith.addi %add3A_47, %mul3A_46 : i32
      %get3A_49 = arith.index_cast %add3A_48 : i32 to index
      %get3A_50 = tpu.vector_load %arg5[%get3A_49] {strides = array<i32>} : memref<16384xi32, #tpu.memory_space<vmem>>, vector<16xi32>,
      %gather3A_51 = tpu.vector_load_idx %arg6[%get3A_50] : memref<100000xf32, #tpu.memory_space<vmem>>[vector<16xi32>], vector<16xf32>,
      %mul3A_52 = arith.constant 16 : i32
      %mul3A_53 = arith.muli %add3A_44, %mul3A_52 : i32
      %swap3A_54 = arith.index_cast %mul3A_53 : i32 to index
      %swap3A_55 = tpu.vector_load %arg7[%swap3A_54] {strides = array<i32>} : memref<8192xf32, #tpu.memory_space<vmem>>, vector<16xf32>,
      tpu.vector_store %arg7[%swap3A_54], %gather3A_51 {strides = array<i32>} : memref<8192xf32, #tpu.memory_space<vmem>>, vector<16xf32>,
      %scan3A_56 = arith.constant 2 : i32
      %scan3A_57 = arith.addi %scan3A_26, %scan3A_56 : i32
      %mul3A_58 = arith.constant 1 : i32
      %mul3A_59 = arith.muli %scan3A_57, %mul3A_58 : i32
      %add3A_60 = arith.constant 0 : i32
      %add3A_61 = arith.addi %add3A_60, %mul3A_59 : i32
      %mul3A_62 = arith.constant 16 : i32
      %mul3A_63 = arith.muli %add3A_61, %mul3A_62 : i32
      %add3A_64 = arith.constant 8192 : i32
      %add3A_65 = arith.addi %add3A_64, %mul3A_63 : i32
      %get3A_66 = arith.index_cast %add3A_65 : i32 to index
      %get3A_67 = tpu.vector_load %arg5[%get3A_66] {strides = array<i32>} : memref<16384xi32, #tpu.memory_space<vmem>>, vector<16xi32>,
      %gather3A_68 = tpu.vector_load_idx %arg6[%get3A_67] : memref<100000xf32, #tpu.memory_space<vmem>>[vector<16xi32>], vector<16xf32>,
      %mul3A_69 = arith.constant 16 : i32
      %mul3A_70 = arith.muli %add3A_61, %mul3A_69 : i32
      %swap3A_71 = arith.index_cast %mul3A_70 : i32 to index
      %swap3A_72 = tpu.vector_load %arg7[%swap3A_71] {strides = array<i32>} : memref<8192xf32, #tpu.memory_space<vmem>>, vector<16xf32>,
      tpu.vector_store %arg7[%swap3A_71], %gather3A_68 {strides = array<i32>} : memref<8192xf32, #tpu.memory_space<vmem>>, vector<16xf32>,
      %scan3A_73 = arith.constant 3 : i32
      %scan3A_74 = arith.addi %scan3A_26, %scan3A_73 : i32
      %mul3A_75 = arith.constant 1 : i32
      %mul3A_76 = arith.muli %scan3A_74, %mul3A_75 : i32
      %add3A_77 = arith.constant 0 : i32
      %add3A_78 = arith.addi %add3A_77, %mul3A_76 : i32
      %mul3A_79 = arith.constant 16 : i32
      %mul3A_80 = arith.muli %add3A_78, %mul3A_79 : i32
      %add3A_81 = arith.constant 8192 : i32
      %add3A_82 = arith.addi %add3A_81, %mul3A_80 : i32
      %get3A_83 = arith.index_cast %add3A_82 : i32 to index
      %get3A_84 = tpu.vector_load %arg5[%get3A_83] {strides = array<i32>} : memref<16384xi32, #tpu.memory_space<vmem>>, vector<16xi32>,
      %gather3A_85 = tpu.vector_load_idx %arg6[%get3A_84] : memref<100000xf32, #tpu.memory_space<vmem>>[vector<16xi32>], vector<16xf32>,
      %mul3A_86 = arith.constant 16 : i32
      %mul3A_87 = arith.muli %add3A_78, %mul3A_86 : i32
      %swap3A_88 = arith.index_cast %mul3A_87 : i32 to index
      %swap3A_89 = tpu.vector_load %arg7[%swap3A_88] {strides = array<i32>} : memref<8192xf32, #tpu.memory_space<vmem>>, vector<16xf32>,
      tpu.vector_store %arg7[%swap3A_88], %gather3A_85 {strides = array<i32>} : memref<8192xf32, #tpu.memory_space<vmem>>, vector<16xf32>,
      %scan3A_90 = arith.constant 4 : i32
      %scan3A_91 = arith.addi %scan3A_26, %scan3A_90 : i32
      %mul3A_92 = arith.constant 1 : i32
      %mul3A_93 = arith.muli %scan3A_91, %mul3A_92 : i32
      %add3A_94 = arith.constant 0 : i32
      %add3A_95 = arith.addi %add3A_94, %mul3A_93 : i32
      %mul3A_96 = arith.constant 16 : i32
      %mul3A_97 = arith.muli %add3A_95, %mul3A_96 : i32
      %add3A_98 = arith.constant 8192 : i32
      %add3A_99 = arith.addi %add3A_98, %mul3A_97 : i32
      %get3A_100 = arith.index_cast %add3A_99 : i32 to index
      %get3A_101 = tpu.vector_load %arg5[%get3A_100] {strides = array<i32>} : memref<16384xi32, #tpu.memory_space<vmem>>, vector<16xi32>,
      %gather3A_102 = tpu.vector_load_idx %arg6[%get3A_101] : memref<100000xf32, #tpu.memory_space<vmem>>[vector<16xi32>], vector<16xf32>,
      %mul3A_103 = arith.constant 16 : i32
      %mul3A_104 = arith.muli %add3A_95, %mul3A_103 : i32
      %swap3A_105 = arith.index_cast %mul3A_104 : i32 to index
      %swap3A_106 = tpu.vector_load %arg7[%swap3A_105] {strides = array<i32>} : memref<8192xf32, #tpu.memory_space<vmem>>, vector<16xf32>,
      tpu.vector_store %arg7[%swap3A_105], %gather3A_102 {strides = array<i32>} : memref<8192xf32, #tpu.memory_space<vmem>>, vector<16xf32>,
      %scan3A_107 = arith.constant 5 : i32
      %scan3A_108 = arith.addi %scan3A_26, %scan3A_107 : i32
      %mul3A_109 = arith.constant 1 : i32
      %mul3A_110 = arith.muli %scan3A_108, %mul3A_109 : i32
      %add3A_111 = arith.constant 0 : i32
      %add3A_112 = arith.addi %add3A_111, %mul3A_110 : i32
      %mul3A_113 = arith.constant 16 : i32
      %mul3A_114 = arith.muli %add3A_112, %mul3A_113 : i32
      %add3A_115 = arith.constant 8192 : i32
      %add3A_116 = arith.addi %add3A_115, %mul3A_114 : i32
      %get3A_117 = arith.index_cast %add3A_116 : i32 to index
      %get3A_118 = tpu.vector_load %arg5[%get3A_117] {strides = array<i32>} : memref<16384xi32, #tpu.memory_space<vmem>>, vector<16xi32>,
      %gather3A_119 = tpu.vector_load_idx %arg6[%get3A_118] : memref<100000xf32, #tpu.memory_space<vmem>>[vector<16xi32>], vector<16xf32>,
      %mul3A_120 = arith.constant 16 : i32
      %mul3A_121 = arith.muli %add3A_112, %mul3A_120 : i32
      %swap3A_122 = arith.index_cast %mul3A_121 : i32 to index
      %swap3A_123 = tpu.vector_load %arg7[%swap3A_122] {strides = array<i32>} : memref<8192xf32, #tpu.memory_space<vmem>>, vector<16xf32>,
      tpu.vector_store %arg7[%swap3A_122], %gather3A_119 {strides = array<i32>} : memref<8192xf32, #tpu.memory_space<vmem>>, vector<16xf32>,
      %scan3A_124 = arith.constant 6 : i32
      %scan3A_125 = arith.addi %scan3A_26, %scan3A_124 : i32
      %mul3A_126 = arith.constant 1 : i32
      %mul3A_127 = arith.muli %scan3A_125, %mul3A_126 : i32
      %add3A_128 = arith.constant 0 : i32
      %add3A_129 = arith.addi %add3A_128, %mul3A_127 : i32
      %mul3A_130 = arith.constant 16 : i32
      %mul3A_131 = arith.muli %add3A_129, %mul3A_130 : i32
      %add3A_132 = arith.constant 8192 : i32
      %add3A_133 = arith.addi %add3A_132, %mul3A_131 : i32
      %get3A_134 = arith.index_cast %add3A_133 : i32 to index
      %get3A_135 = tpu.vector_load %arg5[%get3A_134] {strides = array<i32>} : memref<16384xi32, #tpu.memory_space<vmem>>, vector<16xi32>,
      %gather3A_136 = tpu.vector_load_idx %arg6[%get3A_135] : memref<100000xf32, #tpu.memory_space<vmem>>[vector<16xi32>], vector<16xf32>,
      %mul3A_137 = arith.constant 16 : i32
      %mul3A_138 = arith.muli %add3A_129, %mul3A_137 : i32
      %swap3A_139 = arith.index_cast %mul3A_138 : i32 to index
      %swap3A_140 = tpu.vector_load %arg7[%swap3A_139] {strides = array<i32>} : memref<8192xf32, #tpu.memory_space<vmem>>, vector<16xf32>,
      tpu.vector_store %arg7[%swap3A_139], %gather3A_136 {strides = array<i32>} : memref<8192xf32, #tpu.memory_space<vmem>>, vector<16xf32>,
      %scan3A_141 = arith.constant 7 : i32
      %scan3A_142 = arith.addi %scan3A_26, %scan3A_141 : i32
      %mul3A_143 = arith.constant 1 : i32
      %mul3A_144 = arith.muli %scan3A_142, %mul3A_143 : i32
      %add3A_145 = arith.constant 0 : i32
      %add3A_146 = arith.addi %add3A_145, %mul3A_144 : i32
      %mul3A_147 = arith.constant 16 : i32
      %mul3A_148 = arith.muli %add3A_146, %mul3A_147 : i32
      %add3A_149 = arith.constant 8192 : i32
      %add3A_150 = arith.addi %add3A_149, %mul3A_148 : i32
      %get3A_151 = arith.index_cast %add3A_150 : i32 to index
      %get3A_152 = tpu.vector_load %arg5[%get3A_151] {strides = array<i32>} : memref<16384xi32, #tpu.memory_space<vmem>>, vector<16xi32>,
      %gather3A_153 = tpu.vector_load_idx %arg6[%get3A_152] : memref<100000xf32, #tpu.memory_space<vmem>>[vector<16xi32>], vector<16xf32>,
      %mul3A_154 = arith.constant 16 : i32
      %mul3A_155 = arith.muli %add3A_146, %mul3A_154 : i32
      %swap3A_156 = arith.index_cast %mul3A_155 : i32 to index
      %swap3A_157 = tpu.vector_load %arg7[%swap3A_156] {strides = array<i32>} : memref<8192xf32, #tpu.memory_space<vmem>>, vector<16xf32>,
      tpu.vector_store %arg7[%swap3A_156], %gather3A_153 {strides = array<i32>} : memref<8192xf32, #tpu.memory_space<vmem>>, vector<16xf32>,
    }
    %scan3A_13 = arith.constant 512 : i32
    "tpu.region"() ({
      %run_scoped3A = tpu.sem_alloc : memref<!tpu.dma_semaphore, #tpu.memory_space<semaphore_mem>>
      %dma_start3A = arith.constant 8192 : i32
      %dma_start3A_26 = tpu.memref_slice %arg4[%add3A_4, %dma_start3A] : memref<64x16384xf32, #tpu.memory_space<hbm>> -> memref<1x8192xf32, #tpu.memory_space<hbm>>
      %dma_start3A_27 = tpu.memref_squeeze %dma_start3A_26 : memref<1x8192xf32, #tpu.memory_space<hbm>> -> memref<8192xf32, #tpu.memory_space<hbm>>
      %dma_start3A_28 = arith.constant 8192 : i32
      %dma_start3A_29 = tpu.memref_slice %arg4[%add3A_4, %dma_start3A_28] : memref<64x16384xf32, #tpu.memory_space<hbm>> -> memref<1x8192xf32, #tpu.memory_space<hbm>>
      %dma_start3A_30 = tpu.memref_squeeze %dma_start3A_29 : memref<1x8192xf32, #tpu.memory_space<hbm>> -> memref<8192xf32, #tpu.memory_space<hbm>>
      tpu.enqueue_dma source(%arg7 : memref<8192xf32, #tpu.memory_space<vmem>>) target(%dma_start3A_30 : memref<8192xf32, #tpu.memory_space<hbm>>) target_semaphore(%run_scoped3A : memref<!tpu.dma_semaphore, #tpu.memory_space<semaphore_mem>>)
      %dma_wait3A = arith.constant 8192 : i32
      %dma_wait3A_31 = tpu.memref_slice %arg4[%add3A_4, %dma_wait3A] : memref<64x16384xf32, #tpu.memory_space<hbm>> -> memref<1x8192xf32, #tpu.memory_space<hbm>>
      %dma_wait3A_32 = tpu.memref_squeeze %dma_wait3A_31 : memref<1x8192xf32, #tpu.memory_space<hbm>> -> memref<8192xf32, #tpu.memory_space<hbm>>
      %dma_wait3A_33 = arith.constant 8192 : i32
      %dma_wait3A_34 = tpu.memref_slice %arg4[%add3A_4, %dma_wait3A_33] : memref<64x16384xf32, #tpu.memory_space<hbm>> -> memref<1x8192xf32, #tpu.memory_space<hbm>>
      %dma_wait3A_35 = tpu.memref_squeeze %dma_wait3A_34 : memref<1x8192xf32, #tpu.memory_space<hbm>> -> memref<8192xf32, #tpu.memory_space<hbm>>
      tpu.wait_dma2 semaphore(%run_scoped3A : memref<!tpu.dma_semaphore, #tpu.memory_space<semaphore_mem>>) src(%arg7 : memref<8192xf32, #tpu.memory_space<vmem>>) dst(%dma_wait3A_35 : memref<8192xf32, #tpu.memory_space<hbm>>)
      tpu.yield
    }) : () -> ()
    %add3A_14 = arith.constant 1 : i32
    %add3A_15 = arith.addi %mul3A_2, %add3A_14 : i32
    "tpu.region"() ({
      %run_scoped3A = tpu.sem_alloc : memref<!tpu.dma_semaphore, #tpu.memory_space<semaphore_mem>>
      %dma_start3A = arith.constant 0 : i32
      %dma_start3A_26 = tpu.memref_slice %arg3[%add3A_15, %dma_start3A] : memref<64x100000xf32, #tpu.memory_space<hbm>> -> memref<1x100000xf32, #tpu.memory_space<hbm>>
      %dma_start3A_27 = tpu.memref_squeeze %dma_start3A_26 : memref<1x100000xf32, #tpu.memory_space<hbm>> -> memref<100000xf32, #tpu.memory_space<hbm>>
      %dma_start3A_28 = arith.constant 0 : i32
      %dma_start3A_29 = tpu.memref_slice %arg3[%add3A_15, %dma_start3A_28] : memref<64x100000xf32, #tpu.memory_space<hbm>> -> memref<1x100000xf32, #tpu.memory_space<hbm>>
      %dma_start3A_30 = tpu.memref_squeeze %dma_start3A_29 : memref<1x100000xf32, #tpu.memory_space<hbm>> -> memref<100000xf32, #tpu.memory_space<hbm>>
      tpu.enqueue_dma source(%dma_start3A_30 : memref<100000xf32, #tpu.memory_space<hbm>>) target(%arg6 : memref<100000xf32, #tpu.memory_space<vmem>>) target_semaphore(%run_scoped3A : memref<!tpu.dma_semaphore, #tpu.memory_space<semaphore_mem>>)
      %dma_wait3A = arith.constant 0 : i32
      %dma_wait3A_31 = tpu.memref_slice %arg3[%add3A_15, %dma_wait3A] : memref<64x100000xf32, #tpu.memory_space<hbm>> -> memref<1x100000xf32, #tpu.memory_space<hbm>>
      %dma_wait3A_32 = tpu.memref_squeeze %dma_wait3A_31 : memref<1x100000xf32, #tpu.memory_space<hbm>> -> memref<100000xf32, #tpu.memory_space<hbm>>
      %dma_wait3A_33 = arith.constant 0 : i32
      %dma_wait3A_34 = tpu.memref_slice %arg3[%add3A_15, %dma_wait3A_33] : memref<64x100000xf32, #tpu.memory_space<hbm>> -> memref<1x100000xf32, #tpu.memory_space<hbm>>
      %dma_wait3A_35 = tpu.memref_squeeze %dma_wait3A_34 : memref<1x100000xf32, #tpu.memory_space<hbm>> -> memref<100000xf32, #tpu.memory_space<hbm>>
      tpu.wait_dma2 semaphore(%run_scoped3A : memref<!tpu.dma_semaphore, #tpu.memory_space<semaphore_mem>>) src(%dma_wait3A_35 : memref<100000xf32, #tpu.memory_space<hbm>>) dst(%arg6 : memref<100000xf32, #tpu.memory_space<vmem>>)
      tpu.yield
    }) : () -> ()
    %scan3A_16 = arith.constant 0 : i32
    %scan3A_17 = arith.constant 512 : i32
    %scan3A_18 = arith.addi %scan3A_16, %scan3A_17 : i32
    %scan3A_19 = arith.constant 8 : i32
    scf.for %scan3A_26 = %scan3A_16 to %scan3A_18 step %scan3A_19  : i32 {
      %mul3A_27 = arith.constant 1 : i32
      %mul3A_28 = arith.muli %scan3A_26, %mul3A_27 : i32
      %add3A_29 = arith.constant 0 : i32
      %add3A_30 = arith.addi %add3A_29, %mul3A_28 : i32
      %mul3A_31 = arith.constant 16 : i32
      %mul3A_32 = arith.muli %add3A_30, %mul3A_31 : i32
      %add3A_33 = arith.constant 0 : i32
      %add3A_34 = arith.addi %add3A_33, %mul3A_32 : i32
      %get3A = arith.index_cast %add3A_34 : i32 to index
      %get3A_35 = tpu.vector_load %arg5[%get3A] {strides = array<i32>} : memref<16384xi32, #tpu.memory_space<vmem>>, vector<16xi32>,
      %gather3A = tpu.vector_load_idx %arg6[%get3A_35] : memref<100000xf32, #tpu.memory_space<vmem>>[vector<16xi32>], vector<16xf32>,
      %mul3A_36 = arith.constant 16 : i32
      %mul3A_37 = arith.muli %add3A_30, %mul3A_36 : i32
      %swap3A = arith.index_cast %mul3A_37 : i32 to index
      %swap3A_38 = tpu.vector_load %arg7[%swap3A] {strides = array<i32>} : memref<8192xf32, #tpu.memory_space<vmem>>, vector<16xf32>,
      tpu.vector_store %arg7[%swap3A], %gather3A {strides = array<i32>} : memref<8192xf32, #tpu.memory_space<vmem>>, vector<16xf32>,
      %scan3A_39 = arith.constant 1 : i32
      %scan3A_40 = arith.addi %scan3A_26, %scan3A_39 : i32
      %mul3A_41 = arith.constant 1 : i32
      %mul3A_42 = arith.muli %scan3A_40, %mul3A_41 : i32
      %add3A_43 = arith.constant 0 : i32
      %add3A_44 = arith.addi %add3A_43, %mul3A_42 : i32
      %mul3A_45 = arith.constant 16 : i32
      %mul3A_46 = arith.muli %add3A_44, %mul3A_45 : i32
      %add3A_47 = arith.constant 0 : i32
      %add3A_48 = arith.addi %add3A_47, %mul3A_46 : i32
      %get3A_49 = arith.index_cast %add3A_48 : i32 to index
      %get3A_50 = tpu.vector_load %arg5[%get3A_49] {strides = array<i32>} : memref<16384xi32, #tpu.memory_space<vmem>>, vector<16xi32>,
      %gather3A_51 = tpu.vector_load_idx %arg6[%get3A_50] : memref<100000xf32, #tpu.memory_space<vmem>>[vector<16xi32>], vector<16xf32>,
      %mul3A_52 = arith.constant 16 : i32
      %mul3A_53 = arith.muli %add3A_44, %mul3A_52 : i32
      %swap3A_54 = arith.index_cast %mul3A_53 : i32 to index
      %swap3A_55 = tpu.vector_load %arg7[%swap3A_54] {strides = array<i32>} : memref<8192xf32, #tpu.memory_space<vmem>>, vector<16xf32>,
      tpu.vector_store %arg7[%swap3A_54], %gather3A_51 {strides = array<i32>} : memref<8192xf32, #tpu.memory_space<vmem>>, vector<16xf32>,
      %scan3A_56 = arith.constant 2 : i32
      %scan3A_57 = arith.addi %scan3A_26, %scan3A_56 : i32
      %mul3A_58 = arith.constant 1 : i32
      %mul3A_59 = arith.muli %scan3A_57, %mul3A_58 : i32
      %add3A_60 = arith.constant 0 : i32
      %add3A_61 = arith.addi %add3A_60, %mul3A_59 : i32
      %mul3A_62 = arith.constant 16 : i32
      %mul3A_63 = arith.muli %add3A_61, %mul3A_62 : i32
      %add3A_64 = arith.constant 0 : i32
      %add3A_65 = arith.addi %add3A_64, %mul3A_63 : i32
      %get3A_66 = arith.index_cast %add3A_65 : i32 to index
      %get3A_67 = tpu.vector_load %arg5[%get3A_66] {strides = array<i32>} : memref<16384xi32, #tpu.memory_space<vmem>>, vector<16xi32>,
      %gather3A_68 = tpu.vector_load_idx %arg6[%get3A_67] : memref<100000xf32, #tpu.memory_space<vmem>>[vector<16xi32>], vector<16xf32>,
      %mul3A_69 = arith.constant 16 : i32
      %mul3A_70 = arith.muli %add3A_61, %mul3A_69 : i32
      %swap3A_71 = arith.index_cast %mul3A_70 : i32 to index
      %swap3A_72 = tpu.vector_load %arg7[%swap3A_71] {strides = array<i32>} : memref<8192xf32, #tpu.memory_space<vmem>>, vector<16xf32>,
      tpu.vector_store %arg7[%swap3A_71], %gather3A_68 {strides = array<i32>} : memref<8192xf32, #tpu.memory_space<vmem>>, vector<16xf32>,
      %scan3A_73 = arith.constant 3 : i32
      %scan3A_74 = arith.addi %scan3A_26, %scan3A_73 : i32
      %mul3A_75 = arith.constant 1 : i32
      %mul3A_76 = arith.muli %scan3A_74, %mul3A_75 : i32
      %add3A_77 = arith.constant 0 : i32
      %add3A_78 = arith.addi %add3A_77, %mul3A_76 : i32
      %mul3A_79 = arith.constant 16 : i32
      %mul3A_80 = arith.muli %add3A_78, %mul3A_79 : i32
      %add3A_81 = arith.constant 0 : i32
      %add3A_82 = arith.addi %add3A_81, %mul3A_80 : i32
      %get3A_83 = arith.index_cast %add3A_82 : i32 to index
      %get3A_84 = tpu.vector_load %arg5[%get3A_83] {strides = array<i32>} : memref<16384xi32, #tpu.memory_space<vmem>>, vector<16xi32>,
      %gather3A_85 = tpu.vector_load_idx %arg6[%get3A_84] : memref<100000xf32, #tpu.memory_space<vmem>>[vector<16xi32>], vector<16xf32>,
      %mul3A_86 = arith.constant 16 : i32
      %mul3A_87 = arith.muli %add3A_78, %mul3A_86 : i32
      %swap3A_88 = arith.index_cast %mul3A_87 : i32 to index
      %swap3A_89 = tpu.vector_load %arg7[%swap3A_88] {strides = array<i32>} : memref<8192xf32, #tpu.memory_space<vmem>>, vector<16xf32>,
      tpu.vector_store %arg7[%swap3A_88], %gather3A_85 {strides = array<i32>} : memref<8192xf32, #tpu.memory_space<vmem>>, vector<16xf32>,
      %scan3A_90 = arith.constant 4 : i32
      %scan3A_91 = arith.addi %scan3A_26, %scan3A_90 : i32
      %mul3A_92 = arith.constant 1 : i32
      %mul3A_93 = arith.muli %scan3A_91, %mul3A_92 : i32
      %add3A_94 = arith.constant 0 : i32
      %add3A_95 = arith.addi %add3A_94, %mul3A_93 : i32
      %mul3A_96 = arith.constant 16 : i32
      %mul3A_97 = arith.muli %add3A_95, %mul3A_96 : i32
      %add3A_98 = arith.constant 0 : i32
      %add3A_99 = arith.addi %add3A_98, %mul3A_97 : i32
      %get3A_100 = arith.index_cast %add3A_99 : i32 to index
      %get3A_101 = tpu.vector_load %arg5[%get3A_100] {strides = array<i32>} : memref<16384xi32, #tpu.memory_space<vmem>>, vector<16xi32>,
      %gather3A_102 = tpu.vector_load_idx %arg6[%get3A_101] : memref<100000xf32, #tpu.memory_space<vmem>>[vector<16xi32>], vector<16xf32>,
      %mul3A_103 = arith.constant 16 : i32
      %mul3A_104 = arith.muli %add3A_95, %mul3A_103 : i32
      %swap3A_105 = arith.index_cast %mul3A_104 : i32 to index
      %swap3A_106 = tpu.vector_load %arg7[%swap3A_105] {strides = array<i32>} : memref<8192xf32, #tpu.memory_space<vmem>>, vector<16xf32>,
      tpu.vector_store %arg7[%swap3A_105], %gather3A_102 {strides = array<i32>} : memref<8192xf32, #tpu.memory_space<vmem>>, vector<16xf32>,
      %scan3A_107 = arith.constant 5 : i32
      %scan3A_108 = arith.addi %scan3A_26, %scan3A_107 : i32
      %mul3A_109 = arith.constant 1 : i32
      %mul3A_110 = arith.muli %scan3A_108, %mul3A_109 : i32
      %add3A_111 = arith.constant 0 : i32
      %add3A_112 = arith.addi %add3A_111, %mul3A_110 : i32
      %mul3A_113 = arith.constant 16 : i32
      %mul3A_114 = arith.muli %add3A_112, %mul3A_113 : i32
      %add3A_115 = arith.constant 0 : i32
      %add3A_116 = arith.addi %add3A_115, %mul3A_114 : i32
      %get3A_117 = arith.index_cast %add3A_116 : i32 to index
      %get3A_118 = tpu.vector_load %arg5[%get3A_117] {strides = array<i32>} : memref<16384xi32, #tpu.memory_space<vmem>>, vector<16xi32>,
      %gather3A_119 = tpu.vector_load_idx %arg6[%get3A_118] : memref<100000xf32, #tpu.memory_space<vmem>>[vector<16xi32>], vector<16xf32>,
      %mul3A_120 = arith.constant 16 : i32
      %mul3A_121 = arith.muli %add3A_112, %mul3A_120 : i32
      %swap3A_122 = arith.index_cast %mul3A_121 : i32 to index
      %swap3A_123 = tpu.vector_load %arg7[%swap3A_122] {strides = array<i32>} : memref<8192xf32, #tpu.memory_space<vmem>>, vector<16xf32>,
      tpu.vector_store %arg7[%swap3A_122], %gather3A_119 {strides = array<i32>} : memref<8192xf32, #tpu.memory_space<vmem>>, vector<16xf32>,
      %scan3A_124 = arith.constant 6 : i32
      %scan3A_125 = arith.addi %scan3A_26, %scan3A_124 : i32
      %mul3A_126 = arith.constant 1 : i32
      %mul3A_127 = arith.muli %scan3A_125, %mul3A_126 : i32
      %add3A_128 = arith.constant 0 : i32
      %add3A_129 = arith.addi %add3A_128, %mul3A_127 : i32
      %mul3A_130 = arith.constant 16 : i32
      %mul3A_131 = arith.muli %add3A_129, %mul3A_130 : i32
      %add3A_132 = arith.constant 0 : i32
      %add3A_133 = arith.addi %add3A_132, %mul3A_131 : i32
      %get3A_134 = arith.index_cast %add3A_133 : i32 to index
      %get3A_135 = tpu.vector_load %arg5[%get3A_134] {strides = array<i32>} : memref<16384xi32, #tpu.memory_space<vmem>>, vector<16xi32>,
      %gather3A_136 = tpu.vector_load_idx %arg6[%get3A_135] : memref<100000xf32, #tpu.memory_space<vmem>>[vector<16xi32>], vector<16xf32>,
      %mul3A_137 = arith.constant 16 : i32
      %mul3A_138 = arith.muli %add3A_129, %mul3A_137 : i32
      %swap3A_139 = arith.index_cast %mul3A_138 : i32 to index
      %swap3A_140 = tpu.vector_load %arg7[%swap3A_139] {strides = array<i32>} : memref<8192xf32, #tpu.memory_space<vmem>>, vector<16xf32>,
      tpu.vector_store %arg7[%swap3A_139], %gather3A_136 {strides = array<i32>} : memref<8192xf32, #tpu.memory_space<vmem>>, vector<16xf32>,
      %scan3A_141 = arith.constant 7 : i32
      %scan3A_142 = arith.addi %scan3A_26, %scan3A_141 : i32
      %mul3A_143 = arith.constant 1 : i32
      %mul3A_144 = arith.muli %scan3A_142, %mul3A_143 : i32
      %add3A_145 = arith.constant 0 : i32
      %add3A_146 = arith.addi %add3A_145, %mul3A_144 : i32
      %mul3A_147 = arith.constant 16 : i32
      %mul3A_148 = arith.muli %add3A_146, %mul3A_147 : i32
      %add3A_149 = arith.constant 0 : i32
      %add3A_150 = arith.addi %add3A_149, %mul3A_148 : i32
      %get3A_151 = arith.index_cast %add3A_150 : i32 to index
      %get3A_152 = tpu.vector_load %arg5[%get3A_151] {strides = array<i32>} : memref<16384xi32, #tpu.memory_space<vmem>>, vector<16xi32>,
      %gather3A_153 = tpu.vector_load_idx %arg6[%get3A_152] : memref<100000xf32, #tpu.memory_space<vmem>>[vector<16xi32>], vector<16xf32>,
      %mul3A_154 = arith.constant 16 : i32
      %mul3A_155 = arith.muli %add3A_146, %mul3A_154 : i32
      %swap3A_156 = arith.index_cast %mul3A_155 : i32 to index
      %swap3A_157 = tpu.vector_load %arg7[%swap3A_156] {strides = array<i32>} : memref<8192xf32, #tpu.memory_space<vmem>>, vector<16xf32>,
      tpu.vector_store %arg7[%swap3A_156], %gather3A_153 {strides = array<i32>} : memref<8192xf32, #tpu.memory_space<vmem>>, vector<16xf32>,
    }
    %scan3A_20 = arith.constant 512 : i32
    "tpu.region"() ({
      %run_scoped3A = tpu.sem_alloc : memref<!tpu.dma_semaphore, #tpu.memory_space<semaphore_mem>>
      %dma_start3A = arith.constant 0 : i32
      %dma_start3A_26 = tpu.memref_slice %arg4[%add3A_15, %dma_start3A] : memref<64x16384xf32, #tpu.memory_space<hbm>> -> memref<1x8192xf32, #tpu.memory_space<hbm>>
      %dma_start3A_27 = tpu.memref_squeeze %dma_start3A_26 : memref<1x8192xf32, #tpu.memory_space<hbm>> -> memref<8192xf32, #tpu.memory_space<hbm>>
      %dma_start3A_28 = arith.constant 0 : i32
      %dma_start3A_29 = tpu.memref_slice %arg4[%add3A_15, %dma_start3A_28] : memref<64x16384xf32, #tpu.memory_space<hbm>> -> memref<1x8192xf32, #tpu.memory_space<hbm>>
      %dma_start3A_30 = tpu.memref_squeeze %dma_start3A_29 : memref<1x8192xf32, #tpu.memory_space<hbm>> -> memref<8192xf32, #tpu.memory_space<hbm>>
      tpu.enqueue_dma source(%arg7 : memref<8192xf32, #tpu.memory_space<vmem>>) target(%dma_start3A_30 : memref<8192xf32, #tpu.memory_space<hbm>>) target_semaphore(%run_scoped3A : memref<!tpu.dma_semaphore, #tpu.memory_space<semaphore_mem>>)
      %dma_wait3A = arith.constant 0 : i32
      %dma_wait3A_31 = tpu.memref_slice %arg4[%add3A_15, %dma_wait3A] : memref<64x16384xf32, #tpu.memory_space<hbm>> -> memref<1x8192xf32, #tpu.memory_space<hbm>>
      %dma_wait3A_32 = tpu.memref_squeeze %dma_wait3A_31 : memref<1x8192xf32, #tpu.memory_space<hbm>> -> memref<8192xf32, #tpu.memory_space<hbm>>
      %dma_wait3A_33 = arith.constant 0 : i32
      %dma_wait3A_34 = tpu.memref_slice %arg4[%add3A_15, %dma_wait3A_33] : memref<64x16384xf32, #tpu.memory_space<hbm>> -> memref<1x8192xf32, #tpu.memory_space<hbm>>
      %dma_wait3A_35 = tpu.memref_squeeze %dma_wait3A_34 : memref<1x8192xf32, #tpu.memory_space<hbm>> -> memref<8192xf32, #tpu.memory_space<hbm>>
      tpu.wait_dma2 semaphore(%run_scoped3A : memref<!tpu.dma_semaphore, #tpu.memory_space<semaphore_mem>>) src(%arg7 : memref<8192xf32, #tpu.memory_space<vmem>>) dst(%dma_wait3A_35 : memref<8192xf32, #tpu.memory_space<hbm>>)
      tpu.yield
    }) : () -> ()
    %scan3A_21 = arith.constant 0 : i32
    %scan3A_22 = arith.constant 512 : i32
    %scan3A_23 = arith.addi %scan3A_21, %scan3A_22 : i32
    %scan3A_24 = arith.constant 8 : i32
    scf.for %scan3A_26 = %scan3A_21 to %scan3A_23 step %scan3A_24  : i32 {
      %mul3A_27 = arith.constant 1 : i32
      %mul3A_28 = arith.muli %scan3A_26, %mul3A_27 : i32
      %add3A_29 = arith.constant 0 : i32
      %add3A_30 = arith.addi %add3A_29, %mul3A_28 : i32
      %mul3A_31 = arith.constant 16 : i32
      %mul3A_32 = arith.muli %add3A_30, %mul3A_31 : i32
      %add3A_33 = arith.constant 8192 : i32
      %add3A_34 = arith.addi %add3A_33, %mul3A_32 : i32
      %get3A = arith.index_cast %add3A_34 : i32 to index
      %get3A_35 = tpu.vector_load %arg5[%get3A] {strides = array<i32>} : memref<16384xi32, #tpu.memory_space<vmem>>, vector<16xi32>,
      %gather3A = tpu.vector_load_idx %arg6[%get3A_35] : memref<100000xf32, #tpu.memory_space<vmem>>[vector<16xi32>], vector<16xf32>,
      %mul3A_36 = arith.constant 16 : i32
      %mul3A_37 = arith.muli %add3A_30, %mul3A_36 : i32
      %swap3A = arith.index_cast %mul3A_37 : i32 to index
      %swap3A_38 = tpu.vector_load %arg7[%swap3A] {strides = array<i32>} : memref<8192xf32, #tpu.memory_space<vmem>>, vector<16xf32>,
      tpu.vector_store %arg7[%swap3A], %gather3A {strides = array<i32>} : memref<8192xf32, #tpu.memory_space<vmem>>, vector<16xf32>,
      %scan3A_39 = arith.constant 1 : i32
      %scan3A_40 = arith.addi %scan3A_26, %scan3A_39 : i32
      %mul3A_41 = arith.constant 1 : i32
      %mul3A_42 = arith.muli %scan3A_40, %mul3A_41 : i32
      %add3A_43 = arith.constant 0 : i32
      %add3A_44 = arith.addi %add3A_43, %mul3A_42 : i32
      %mul3A_45 = arith.constant 16 : i32
      %mul3A_46 = arith.muli %add3A_44, %mul3A_45 : i32
      %add3A_47 = arith.constant 8192 : i32
      %add3A_48 = arith.addi %add3A_47, %mul3A_46 : i32
      %get3A_49 = arith.index_cast %add3A_48 : i32 to index
      %get3A_50 = tpu.vector_load %arg5[%get3A_49] {strides = array<i32>} : memref<16384xi32, #tpu.memory_space<vmem>>, vector<16xi32>,
      %gather3A_51 = tpu.vector_load_idx %arg6[%get3A_50] : memref<100000xf32, #tpu.memory_space<vmem>>[vector<16xi32>], vector<16xf32>,
      %mul3A_52 = arith.constant 16 : i32
      %mul3A_53 = arith.muli %add3A_44, %mul3A_52 : i32
      %swap3A_54 = arith.index_cast %mul3A_53 : i32 to index
      %swap3A_55 = tpu.vector_load %arg7[%swap3A_54] {strides = array<i32>} : memref<8192xf32, #tpu.memory_space<vmem>>, vector<16xf32>,
      tpu.vector_store %arg7[%swap3A_54], %gather3A_51 {strides = array<i32>} : memref<8192xf32, #tpu.memory_space<vmem>>, vector<16xf32>,
      %scan3A_56 = arith.constant 2 : i32
      %scan3A_57 = arith.addi %scan3A_26, %scan3A_56 : i32
      %mul3A_58 = arith.constant 1 : i32
      %mul3A_59 = arith.muli %scan3A_57, %mul3A_58 : i32
      %add3A_60 = arith.constant 0 : i32
      %add3A_61 = arith.addi %add3A_60, %mul3A_59 : i32
      %mul3A_62 = arith.constant 16 : i32
      %mul3A_63 = arith.muli %add3A_61, %mul3A_62 : i32
      %add3A_64 = arith.constant 8192 : i32
      %add3A_65 = arith.addi %add3A_64, %mul3A_63 : i32
      %get3A_66 = arith.index_cast %add3A_65 : i32 to index
      %get3A_67 = tpu.vector_load %arg5[%get3A_66] {strides = array<i32>} : memref<16384xi32, #tpu.memory_space<vmem>>, vector<16xi32>,
      %gather3A_68 = tpu.vector_load_idx %arg6[%get3A_67] : memref<100000xf32, #tpu.memory_space<vmem>>[vector<16xi32>], vector<16xf32>,
      %mul3A_69 = arith.constant 16 : i32
      %mul3A_70 = arith.muli %add3A_61, %mul3A_69 : i32
      %swap3A_71 = arith.index_cast %mul3A_70 : i32 to index
      %swap3A_72 = tpu.vector_load %arg7[%swap3A_71] {strides = array<i32>} : memref<8192xf32, #tpu.memory_space<vmem>>, vector<16xf32>,
      tpu.vector_store %arg7[%swap3A_71], %gather3A_68 {strides = array<i32>} : memref<8192xf32, #tpu.memory_space<vmem>>, vector<16xf32>,
      %scan3A_73 = arith.constant 3 : i32
      %scan3A_74 = arith.addi %scan3A_26, %scan3A_73 : i32
      %mul3A_75 = arith.constant 1 : i32
      %mul3A_76 = arith.muli %scan3A_74, %mul3A_75 : i32
      %add3A_77 = arith.constant 0 : i32
      %add3A_78 = arith.addi %add3A_77, %mul3A_76 : i32
      %mul3A_79 = arith.constant 16 : i32
      %mul3A_80 = arith.muli %add3A_78, %mul3A_79 : i32
      %add3A_81 = arith.constant 8192 : i32
      %add3A_82 = arith.addi %add3A_81, %mul3A_80 : i32
      %get3A_83 = arith.index_cast %add3A_82 : i32 to index
      %get3A_84 = tpu.vector_load %arg5[%get3A_83] {strides = array<i32>} : memref<16384xi32, #tpu.memory_space<vmem>>, vector<16xi32>,
      %gather3A_85 = tpu.vector_load_idx %arg6[%get3A_84] : memref<100000xf32, #tpu.memory_space<vmem>>[vector<16xi32>], vector<16xf32>,
      %mul3A_86 = arith.constant 16 : i32
      %mul3A_87 = arith.muli %add3A_78, %mul3A_86 : i32
      %swap3A_88 = arith.index_cast %mul3A_87 : i32 to index
      %swap3A_89 = tpu.vector_load %arg7[%swap3A_88] {strides = array<i32>} : memref<8192xf32, #tpu.memory_space<vmem>>, vector<16xf32>,
      tpu.vector_store %arg7[%swap3A_88], %gather3A_85 {strides = array<i32>} : memref<8192xf32, #tpu.memory_space<vmem>>, vector<16xf32>,
      %scan3A_90 = arith.constant 4 : i32
      %scan3A_91 = arith.addi %scan3A_26, %scan3A_90 : i32
      %mul3A_92 = arith.constant 1 : i32
      %mul3A_93 = arith.muli %scan3A_91, %mul3A_92 : i32
      %add3A_94 = arith.constant 0 : i32
      %add3A_95 = arith.addi %add3A_94, %mul3A_93 : i32
      %mul3A_96 = arith.constant 16 : i32
      %mul3A_97 = arith.muli %add3A_95, %mul3A_96 : i32
      %add3A_98 = arith.constant 8192 : i32
      %add3A_99 = arith.addi %add3A_98, %mul3A_97 : i32
      %get3A_100 = arith.index_cast %add3A_99 : i32 to index
      %get3A_101 = tpu.vector_load %arg5[%get3A_100] {strides = array<i32>} : memref<16384xi32, #tpu.memory_space<vmem>>, vector<16xi32>,
      %gather3A_102 = tpu.vector_load_idx %arg6[%get3A_101] : memref<100000xf32, #tpu.memory_space<vmem>>[vector<16xi32>], vector<16xf32>,
      %mul3A_103 = arith.constant 16 : i32
      %mul3A_104 = arith.muli %add3A_95, %mul3A_103 : i32
      %swap3A_105 = arith.index_cast %mul3A_104 : i32 to index
      %swap3A_106 = tpu.vector_load %arg7[%swap3A_105] {strides = array<i32>} : memref<8192xf32, #tpu.memory_space<vmem>>, vector<16xf32>,
      tpu.vector_store %arg7[%swap3A_105], %gather3A_102 {strides = array<i32>} : memref<8192xf32, #tpu.memory_space<vmem>>, vector<16xf32>,
      %scan3A_107 = arith.constant 5 : i32
      %scan3A_108 = arith.addi %scan3A_26, %scan3A_107 : i32
      %mul3A_109 = arith.constant 1 : i32
      %mul3A_110 = arith.muli %scan3A_108, %mul3A_109 : i32
      %add3A_111 = arith.constant 0 : i32
      %add3A_112 = arith.addi %add3A_111, %mul3A_110 : i32
      %mul3A_113 = arith.constant 16 : i32
      %mul3A_114 = arith.muli %add3A_112, %mul3A_113 : i32
      %add3A_115 = arith.constant 8192 : i32
      %add3A_116 = arith.addi %add3A_115, %mul3A_114 : i32
      %get3A_117 = arith.index_cast %add3A_116 : i32 to index
      %get3A_118 = tpu.vector_load %arg5[%get3A_117] {strides = array<i32>} : memref<16384xi32, #tpu.memory_space<vmem>>, vector<16xi32>,
      %gather3A_119 = tpu.vector_load_idx %arg6[%get3A_118] : memref<100000xf32, #tpu.memory_space<vmem>>[vector<16xi32>], vector<16xf32>,
      %mul3A_120 = arith.constant 16 : i32
      %mul3A_121 = arith.muli %add3A_112, %mul3A_120 : i32
      %swap3A_122 = arith.index_cast %mul3A_121 : i32 to index
      %swap3A_123 = tpu.vector_load %arg7[%swap3A_122] {strides = array<i32>} : memref<8192xf32, #tpu.memory_space<vmem>>, vector<16xf32>,
      tpu.vector_store %arg7[%swap3A_122], %gather3A_119 {strides = array<i32>} : memref<8192xf32, #tpu.memory_space<vmem>>, vector<16xf32>,
      %scan3A_124 = arith.constant 6 : i32
      %scan3A_125 = arith.addi %scan3A_26, %scan3A_124 : i32
      %mul3A_126 = arith.constant 1 : i32
      %mul3A_127 = arith.muli %scan3A_125, %mul3A_126 : i32
      %add3A_128 = arith.constant 0 : i32
      %add3A_129 = arith.addi %add3A_128, %mul3A_127 : i32
      %mul3A_130 = arith.constant 16 : i32
      %mul3A_131 = arith.muli %add3A_129, %mul3A_130 : i32
      %add3A_132 = arith.constant 8192 : i32
      %add3A_133 = arith.addi %add3A_132, %mul3A_131 : i32
      %get3A_134 = arith.index_cast %add3A_133 : i32 to index
      %get3A_135 = tpu.vector_load %arg5[%get3A_134] {strides = array<i32>} : memref<16384xi32, #tpu.memory_space<vmem>>, vector<16xi32>,
      %gather3A_136 = tpu.vector_load_idx %arg6[%get3A_135] : memref<100000xf32, #tpu.memory_space<vmem>>[vector<16xi32>], vector<16xf32>,
      %mul3A_137 = arith.constant 16 : i32
      %mul3A_138 = arith.muli %add3A_129, %mul3A_137 : i32
      %swap3A_139 = arith.index_cast %mul3A_138 : i32 to index
      %swap3A_140 = tpu.vector_load %arg7[%swap3A_139] {strides = array<i32>} : memref<8192xf32, #tpu.memory_space<vmem>>, vector<16xf32>,
      tpu.vector_store %arg7[%swap3A_139], %gather3A_136 {strides = array<i32>} : memref<8192xf32, #tpu.memory_space<vmem>>, vector<16xf32>,
      %scan3A_141 = arith.constant 7 : i32
      %scan3A_142 = arith.addi %scan3A_26, %scan3A_141 : i32
      %mul3A_143 = arith.constant 1 : i32
      %mul3A_144 = arith.muli %scan3A_142, %mul3A_143 : i32
      %add3A_145 = arith.constant 0 : i32
      %add3A_146 = arith.addi %add3A_145, %mul3A_144 : i32
      %mul3A_147 = arith.constant 16 : i32
      %mul3A_148 = arith.muli %add3A_146, %mul3A_147 : i32
      %add3A_149 = arith.constant 8192 : i32
      %add3A_150 = arith.addi %add3A_149, %mul3A_148 : i32
      %get3A_151 = arith.index_cast %add3A_150 : i32 to index
      %get3A_152 = tpu.vector_load %arg5[%get3A_151] {strides = array<i32>} : memref<16384xi32, #tpu.memory_space<vmem>>, vector<16xi32>,
      %gather3A_153 = tpu.vector_load_idx %arg6[%get3A_152] : memref<100000xf32, #tpu.memory_space<vmem>>[vector<16xi32>], vector<16xf32>,
      %mul3A_154 = arith.constant 16 : i32
      %mul3A_155 = arith.muli %add3A_146, %mul3A_154 : i32
      %swap3A_156 = arith.index_cast %mul3A_155 : i32 to index
      %swap3A_157 = tpu.vector_load %arg7[%swap3A_156] {strides = array<i32>} : memref<8192xf32, #tpu.memory_space<vmem>>, vector<16xf32>,
      tpu.vector_store %arg7[%swap3A_156], %gather3A_153 {strides = array<i32>} : memref<8192xf32, #tpu.memory_space<vmem>>, vector<16xf32>,
    }
    %scan3A_25 = arith.constant 512 : i32
    "tpu.region"() ({
      %run_scoped3A = tpu.sem_alloc : memref<!tpu.dma_semaphore, #tpu.memory_space<semaphore_mem>>
      %dma_start3A = arith.constant 8192 : i32
      %dma_start3A_26 = tpu.memref_slice %arg4[%add3A_15, %dma_start3A] : memref<64x16384xf32, #tpu.memory_space<hbm>> -> memref<1x8192xf32, #tpu.memory_space<hbm>>
      %dma_start3A_27 = tpu.memref_squeeze %dma_start3A_26 : memref<1x8192xf32, #tpu.memory_space<hbm>> -> memref<8192xf32, #tpu.memory_space<hbm>>
      %dma_start3A_28 = arith.constant 8192 : i32
      %dma_start3A_29 = tpu.memref_slice %arg4[%add3A_15, %dma_start3A_28] : memref<64x16384xf32, #tpu.memory_space<hbm>> -> memref<1x8192xf32, #tpu.memory_space<hbm>>
      %dma_start3A_30 = tpu.memref_squeeze %dma_start3A_29 : memref<1x8192xf32, #tpu.memory_space<hbm>> -> memref<8192xf32, #tpu.memory_space<hbm>>
      tpu.enqueue_dma source(%arg7 : memref<8192xf32, #tpu.memory_space<vmem>>) target(%dma_start3A_30 : memref<8192xf32, #tpu.memory_space<hbm>>) target_semaphore(%run_scoped3A : memref<!tpu.dma_semaphore, #tpu.memory_space<semaphore_mem>>)
      %dma_wait3A = arith.constant 8192 : i32
      %dma_wait3A_31 = tpu.memref_slice %arg4[%add3A_15, %dma_wait3A] : memref<64x16384xf32, #tpu.memory_space<hbm>> -> memref<1x8192xf32, #tpu.memory_space<hbm>>
      %dma_wait3A_32 = tpu.memref_squeeze %dma_wait3A_31 : memref<1x8192xf32, #tpu.memory_space<hbm>> -> memref<8192xf32, #tpu.memory_space<hbm>>
      %dma_wait3A_33 = arith.constant 8192 : i32
      %dma_wait3A_34 = tpu.memref_slice %arg4[%add3A_15, %dma_wait3A_33] : memref<64x16384xf32, #tpu.memory_space<hbm>> -> memref<1x8192xf32, #tpu.memory_space<hbm>>
      %dma_wait3A_35 = tpu.memref_squeeze %dma_wait3A_34 : memref<1x8192xf32, #tpu.memory_space<hbm>> -> memref<8192xf32, #tpu.memory_space<hbm>>
      tpu.wait_dma2 semaphore(%run_scoped3A : memref<!tpu.dma_semaphore, #tpu.memory_space<semaphore_mem>>) src(%arg7 : memref<8192xf32, #tpu.memory_space<vmem>>) dst(%dma_wait3A_35 : memref<8192xf32, #tpu.memory_space<hbm>>)
      tpu.yield
    }) : () -> ()
    return
  }
}

#map = affine_map<(d0, d1) -> (0)>
#map1 = affine_map<(d0, d1) -> (0, 0)>
module attributes {stable_mosaic.version = 14 : i64} {
  func.func @_sc_big_body(%arg0: i32, %arg1: i32, %arg2: memref<16384xi32, #tpu.memory_space<hbm>>, %arg3: memref<64x100000xf32, #tpu.memory_space<hbm>>, %arg4: memref<64x16384xf32, #tpu.memory_space<hbm>>, %arg5: memref<16384xi32, #tpu.memory_space<vmem>>, %arg6: memref<100000xf32, #tpu.memory_space<vmem>>, %arg7: memref<8192xf32, #tpu.memory_space<vmem>>) attributes {dimension_semantics = [#tpu.dimension_semantics<core_parallel>, #tpu.dimension_semantics<subcore_parallel>], iteration_bounds = array<i64: 2, 16>, scalar_prefetch = 0 : i64, scratch_operands = 3 : i64, tpu.core_type = #tpu.core_type<sc_vector_subcore>, window_params = [{transform_indices = #map}, {transform_indices = #map1}, {transform_indices = #map1}]} {
    %mul3A = arith.constant 2 : i32
    %mul3A_0 = arith.muli %arg1, %mul3A : i32
    %add3A = arith.addi %mul3A_0, %arg0 : i32
    %mul3A_1 = arith.constant 2 : i32
    %mul3A_2 = arith.muli %add3A, %mul3A_1 : i32
    "tpu.region"() ({
      %run_scoped3A = tpu.sem_alloc : memref<!tpu.dma_semaphore, #tpu.memory_space<semaphore_mem>>
      tpu.enqueue_dma source(%arg2 : memref<16384xi32, #tpu.memory_space<hbm>>) target(%arg5 : memref<16384xi32, #tpu.memory_space<vmem>>) target_semaphore(%run_scoped3A : memref<!tpu.dma_semaphore, #tpu.memory_space<semaphore_mem>>)
      tpu.wait_dma2 semaphore(%run_scoped3A : memref<!tpu.dma_semaphore, #tpu.memory_space<semaphore_mem>>) src(%arg2 : memref<16384xi32, #tpu.memory_space<hbm>>) dst(%arg5 : memref<16384xi32, #tpu.memory_space<vmem>>)
      tpu.yield
    }) : () -> ()
    %add3A_3 = arith.constant 0 : i32
    %add3A_4 = arith.addi %mul3A_2, %add3A_3 : i32
    "tpu.region"() ({
      %run_scoped3A = tpu.sem_alloc : memref<!tpu.dma_semaphore, #tpu.memory_space<semaphore_mem>>
      %dma_start3A = arith.constant 0 : i32
      %dma_start3A_26 = tpu.memref_slice %arg3[%add3A_4, %dma_start3A] : memref<64x100000xf32, #tpu.memory_space<hbm>> -> memref<1x100000xf32, #tpu.memory_space<hbm>>
      %dma_start3A_27 = tpu.memref_squeeze %dma_start3A_26 : memref<1x100000xf32, #tpu.memory_space<hbm>> -> memref<100000xf32, #tpu.memory_space<hbm>>
      %dma_start3A_28 = arith.constant 0 : i32
      %dma_start3A_29 = tpu.memref_slice %arg3[%add3A_4, %dma_start3A_28] : memref<64x100000xf32, #tpu.memory_space<hbm>> -> memref<1x100000xf32, #tpu.memory_space<hbm>>
      %dma_start3A_30 = tpu.memref_squeeze %dma_start3A_29 : memref<1x100000xf32, #tpu.memory_space<hbm>> -> memref<100000xf32, #tpu.memory_space<hbm>>
      tpu.enqueue_dma source(%dma_start3A_30 : memref<100000xf32, #tpu.memory_space<hbm>>) target(%arg6 : memref<100000xf32, #tpu.memory_space<vmem>>) target_semaphore(%run_scoped3A : memref<!tpu.dma_semaphore, #tpu.memory_space<semaphore_mem>>)
      %dma_wait3A = arith.constant 0 : i32
      %dma_wait3A_31 = tpu.memref_slice %arg3[%add3A_4, %dma_wait3A] : memref<64x100000xf32, #tpu.memory_space<hbm>> -> memref<1x100000xf32, #tpu.memory_space<hbm>>
      %dma_wait3A_32 = tpu.memref_squeeze %dma_wait3A_31 : memref<1x100000xf32, #tpu.memory_space<hbm>> -> memref<100000xf32, #tpu.memory_space<hbm>>
      %dma_wait3A_33 = arith.constant 0 : i32
      %dma_wait3A_34 = tpu.memref_slice %arg3[%add3A_4, %dma_wait3A_33] : memref<64x100000xf32, #tpu.memory_space<hbm>> -> memref<1x100000xf32, #tpu.memory_space<hbm>>
      %dma_wait3A_35 = tpu.memref_squeeze %dma_wait3A_34 : memref<1x100000xf32, #tpu.memory_space<hbm>> -> memref<100000xf32, #tpu.memory_space<hbm>>
      tpu.wait_dma2 semaphore(%run_scoped3A : memref<!tpu.dma_semaphore, #tpu.memory_space<semaphore_mem>>) src(%dma_wait3A_35 : memref<100000xf32, #tpu.memory_space<hbm>>) dst(%arg6 : memref<100000xf32, #tpu.memory_space<vmem>>)
      tpu.yield
    }) : () -> ()
    %scan3A = arith.constant 0 : i32
    %scan3A_5 = arith.constant 512 : i32
    %scan3A_6 = arith.addi %scan3A, %scan3A_5 : i32
    %scan3A_7 = arith.constant 8 : i32
    scf.for %scan3A_26 = %scan3A to %scan3A_6 step %scan3A_7  : i32 {
      %mul3A_27 = arith.constant 1 : i32
      %mul3A_28 = arith.muli %scan3A_26, %mul3A_27 : i32
      %add3A_29 = arith.constant 0 : i32
      %add3A_30 = arith.addi %add3A_29, %mul3A_28 : i32
      %mul3A_31 = arith.constant 16 : i32
      %mul3A_32 = arith.muli %add3A_30, %mul3A_31 : i32
      %add3A_33 = arith.constant 0 : i32
      %add3A_34 = arith.addi %add3A_33, %mul3A_32 : i32
      %get3A = arith.index_cast %add3A_34 : i32 to index
      %get3A_35 = tpu.vector_load %arg5[%get3A] {strides = array<i32>} : memref<16384xi32, #tpu.memory_space<vmem>>, vector<16xi32>,
      %gather3A = tpu.vector_load_idx %arg6[%get3A_35] : memref<100000xf32, #tpu.memory_space<vmem>>[vector<16xi32>], vector<16xf32>,
      %mul3A_36 = arith.constant 16 : i32
      %mul3A_37 = arith.muli %add3A_30, %mul3A_36 : i32
      %swap3A = arith.index_cast %mul3A_37 : i32 to index
      %swap3A_38 = tpu.vector_load %arg7[%swap3A] {strides = array<i32>} : memref<8192xf32, #tpu.memory_space<vmem>>, vector<16xf32>,
      tpu.vector_store %arg7[%swap3A], %gather3A {strides = array<i32>} : memref<8192xf32, #tpu.memory_space<vmem>>, vector<16xf32>,
      %scan3A_39 = arith.constant 1 : i32
      %scan3A_40 = arith.addi %scan3A_26, %scan3A_39 : i32
      %mul3A_41 = arith.constant 1 : i32
      %mul3A_42 = arith.muli %scan3A_40, %mul3A_41 : i32
      %add3A_43 = arith.constant 0 : i32
      %add3A_44 = arith.addi %add3A_43, %mul3A_42 : i32
      %mul3A_45 = arith.constant 16 : i32
      %mul3A_46 = arith.muli %add3A_44, %mul3A_45 : i32
      %add3A_47 = arith.constant 0 : i32
      %add3A_48 = arith.addi %add3A_47, %mul3A_46 : i32
      %get3A_49 = arith.index_cast %add3A_48 : i32 to index
      %get3A_50 = tpu.vector_load %arg5[%get3A_49] {strides = array<i32>} : memref<16384xi32, #tpu.memory_space<vmem>>, vector<16xi32>,
      %gather3A_51 = tpu.vector_load_idx %arg6[%get3A_50] : memref<100000xf32, #tpu.memory_space<vmem>>[vector<16xi32>], vector<16xf32>,
      %mul3A_52 = arith.constant 16 : i32
      %mul3A_53 = arith.muli %add3A_44, %mul3A_52 : i32
      %swap3A_54 = arith.index_cast %mul3A_53 : i32 to index
      %swap3A_55 = tpu.vector_load %arg7[%swap3A_54] {strides = array<i32>} : memref<8192xf32, #tpu.memory_space<vmem>>, vector<16xf32>,
      tpu.vector_store %arg7[%swap3A_54], %gather3A_51 {strides = array<i32>} : memref<8192xf32, #tpu.memory_space<vmem>>, vector<16xf32>,
      %scan3A_56 = arith.constant 2 : i32
      %scan3A_57 = arith.addi %scan3A_26, %scan3A_56 : i32
      %mul3A_58 = arith.constant 1 : i32
      %mul3A_59 = arith.muli %scan3A_57, %mul3A_58 : i32
      %add3A_60 = arith.constant 0 : i32
      %add3A_61 = arith.addi %add3A_60, %mul3A_59 : i32
      %mul3A_62 = arith.constant 16 : i32
      %mul3A_63 = arith.muli %add3A_61, %mul3A_62 : i32
      %add3A_64 = arith.constant 0 : i32
      %add3A_65 = arith.addi %add3A_64, %mul3A_63 : i32
      %get3A_66 = arith.index_cast %add3A_65 : i32 to index
      %get3A_67 = tpu.vector_load %arg5[%get3A_66] {strides = array<i32>} : memref<16384xi32, #tpu.memory_space<vmem>>, vector<16xi32>,
      %gather3A_68 = tpu.vector_load_idx %arg6[%get3A_67] : memref<100000xf32, #tpu.memory_space<vmem>>[vector<16xi32>], vector<16xf32>,
      %mul3A_69 = arith.constant 16 : i32
      %mul3A_70 = arith.muli %add3A_61, %mul3A_69 : i32
      %swap3A_71 = arith.index_cast %mul3A_70 : i32 to index
      %swap3A_72 = tpu.vector_load %arg7[%swap3A_71] {strides = array<i32>} : memref<8192xf32, #tpu.memory_space<vmem>>, vector<16xf32>,
      tpu.vector_store %arg7[%swap3A_71], %gather3A_68 {strides = array<i32>} : memref<8192xf32, #tpu.memory_space<vmem>>, vector<16xf32>,
      %scan3A_73 = arith.constant 3 : i32
      %scan3A_74 = arith.addi %scan3A_26, %scan3A_73 : i32
      %mul3A_75 = arith.constant 1 : i32
      %mul3A_76 = arith.muli %scan3A_74, %mul3A_75 : i32
      %add3A_77 = arith.constant 0 : i32
      %add3A_78 = arith.addi %add3A_77, %mul3A_76 : i32
      %mul3A_79 = arith.constant 16 : i32
      %mul3A_80 = arith.muli %add3A_78, %mul3A_79 : i32
      %add3A_81 = arith.constant 0 : i32
      %add3A_82 = arith.addi %add3A_81, %mul3A_80 : i32
      %get3A_83 = arith.index_cast %add3A_82 : i32 to index
      %get3A_84 = tpu.vector_load %arg5[%get3A_83] {strides = array<i32>} : memref<16384xi32, #tpu.memory_space<vmem>>, vector<16xi32>,
      %gather3A_85 = tpu.vector_load_idx %arg6[%get3A_84] : memref<100000xf32, #tpu.memory_space<vmem>>[vector<16xi32>], vector<16xf32>,
      %mul3A_86 = arith.constant 16 : i32
      %mul3A_87 = arith.muli %add3A_78, %mul3A_86 : i32
      %swap3A_88 = arith.index_cast %mul3A_87 : i32 to index
      %swap3A_89 = tpu.vector_load %arg7[%swap3A_88] {strides = array<i32>} : memref<8192xf32, #tpu.memory_space<vmem>>, vector<16xf32>,
      tpu.vector_store %arg7[%swap3A_88], %gather3A_85 {strides = array<i32>} : memref<8192xf32, #tpu.memory_space<vmem>>, vector<16xf32>,
      %scan3A_90 = arith.constant 4 : i32
      %scan3A_91 = arith.addi %scan3A_26, %scan3A_90 : i32
      %mul3A_92 = arith.constant 1 : i32
      %mul3A_93 = arith.muli %scan3A_91, %mul3A_92 : i32
      %add3A_94 = arith.constant 0 : i32
      %add3A_95 = arith.addi %add3A_94, %mul3A_93 : i32
      %mul3A_96 = arith.constant 16 : i32
      %mul3A_97 = arith.muli %add3A_95, %mul3A_96 : i32
      %add3A_98 = arith.constant 0 : i32
      %add3A_99 = arith.addi %add3A_98, %mul3A_97 : i32
      %get3A_100 = arith.index_cast %add3A_99 : i32 to index
      %get3A_101 = tpu.vector_load %arg5[%get3A_100] {strides = array<i32>} : memref<16384xi32, #tpu.memory_space<vmem>>, vector<16xi32>,
      %gather3A_102 = tpu.vector_load_idx %arg6[%get3A_101] : memref<100000xf32, #tpu.memory_space<vmem>>[vector<16xi32>], vector<16xf32>,
      %mul3A_103 = arith.constant 16 : i32
      %mul3A_104 = arith.muli %add3A_95, %mul3A_103 : i32
      %swap3A_105 = arith.index_cast %mul3A_104 : i32 to index
      %swap3A_106 = tpu.vector_load %arg7[%swap3A_105] {strides = array<i32>} : memref<8192xf32, #tpu.memory_space<vmem>>, vector<16xf32>,
      tpu.vector_store %arg7[%swap3A_105], %gather3A_102 {strides = array<i32>} : memref<8192xf32, #tpu.memory_space<vmem>>, vector<16xf32>,
      %scan3A_107 = arith.constant 5 : i32
      %scan3A_108 = arith.addi %scan3A_26, %scan3A_107 : i32
      %mul3A_109 = arith.constant 1 : i32
      %mul3A_110 = arith.muli %scan3A_108, %mul3A_109 : i32
      %add3A_111 = arith.constant 0 : i32
      %add3A_112 = arith.addi %add3A_111, %mul3A_110 : i32
      %mul3A_113 = arith.constant 16 : i32
      %mul3A_114 = arith.muli %add3A_112, %mul3A_113 : i32
      %add3A_115 = arith.constant 0 : i32
      %add3A_116 = arith.addi %add3A_115, %mul3A_114 : i32
      %get3A_117 = arith.index_cast %add3A_116 : i32 to index
      %get3A_118 = tpu.vector_load %arg5[%get3A_117] {strides = array<i32>} : memref<16384xi32, #tpu.memory_space<vmem>>, vector<16xi32>,
      %gather3A_119 = tpu.vector_load_idx %arg6[%get3A_118] : memref<100000xf32, #tpu.memory_space<vmem>>[vector<16xi32>], vector<16xf32>,
      %mul3A_120 = arith.constant 16 : i32
      %mul3A_121 = arith.muli %add3A_112, %mul3A_120 : i32
      %swap3A_122 = arith.index_cast %mul3A_121 : i32 to index
      %swap3A_123 = tpu.vector_load %arg7[%swap3A_122] {strides = array<i32>} : memref<8192xf32, #tpu.memory_space<vmem>>, vector<16xf32>,
      tpu.vector_store %arg7[%swap3A_122], %gather3A_119 {strides = array<i32>} : memref<8192xf32, #tpu.memory_space<vmem>>, vector<16xf32>,
      %scan3A_124 = arith.constant 6 : i32
      %scan3A_125 = arith.addi %scan3A_26, %scan3A_124 : i32
      %mul3A_126 = arith.constant 1 : i32
      %mul3A_127 = arith.muli %scan3A_125, %mul3A_126 : i32
      %add3A_128 = arith.constant 0 : i32
      %add3A_129 = arith.addi %add3A_128, %mul3A_127 : i32
      %mul3A_130 = arith.constant 16 : i32
      %mul3A_131 = arith.muli %add3A_129, %mul3A_130 : i32
      %add3A_132 = arith.constant 0 : i32
      %add3A_133 = arith.addi %add3A_132, %mul3A_131 : i32
      %get3A_134 = arith.index_cast %add3A_133 : i32 to index
      %get3A_135 = tpu.vector_load %arg5[%get3A_134] {strides = array<i32>} : memref<16384xi32, #tpu.memory_space<vmem>>, vector<16xi32>,
      %gather3A_136 = tpu.vector_load_idx %arg6[%get3A_135] : memref<100000xf32, #tpu.memory_space<vmem>>[vector<16xi32>], vector<16xf32>,
      %mul3A_137 = arith.constant 16 : i32
      %mul3A_138 = arith.muli %add3A_129, %mul3A_137 : i32
      %swap3A_139 = arith.index_cast %mul3A_138 : i32 to index
      %swap3A_140 = tpu.vector_load %arg7[%swap3A_139] {strides = array<i32>} : memref<8192xf32, #tpu.memory_space<vmem>>, vector<16xf32>,
      tpu.vector_store %arg7[%swap3A_139], %gather3A_136 {strides = array<i32>} : memref<8192xf32, #tpu.memory_space<vmem>>, vector<16xf32>,
      %scan3A_141 = arith.constant 7 : i32
      %scan3A_142 = arith.addi %scan3A_26, %scan3A_141 : i32
      %mul3A_143 = arith.constant 1 : i32
      %mul3A_144 = arith.muli %scan3A_142, %mul3A_143 : i32
      %add3A_145 = arith.constant 0 : i32
      %add3A_146 = arith.addi %add3A_145, %mul3A_144 : i32
      %mul3A_147 = arith.constant 16 : i32
      %mul3A_148 = arith.muli %add3A_146, %mul3A_147 : i32
      %add3A_149 = arith.constant 0 : i32
      %add3A_150 = arith.addi %add3A_149, %mul3A_148 : i32
      %get3A_151 = arith.index_cast %add3A_150 : i32 to index
      %get3A_152 = tpu.vector_load %arg5[%get3A_151] {strides = array<i32>} : memref<16384xi32, #tpu.memory_space<vmem>>, vector<16xi32>,
      %gather3A_153 = tpu.vector_load_idx %arg6[%get3A_152] : memref<100000xf32, #tpu.memory_space<vmem>>[vector<16xi32>], vector<16xf32>,
      %mul3A_154 = arith.constant 16 : i32
      %mul3A_155 = arith.muli %add3A_146, %mul3A_154 : i32
      %swap3A_156 = arith.index_cast %mul3A_155 : i32 to index
      %swap3A_157 = tpu.vector_load %arg7[%swap3A_156] {strides = array<i32>} : memref<8192xf32, #tpu.memory_space<vmem>>, vector<16xf32>,
      tpu.vector_store %arg7[%swap3A_156], %gather3A_153 {strides = array<i32>} : memref<8192xf32, #tpu.memory_space<vmem>>, vector<16xf32>,
    }
    %scan3A_8 = arith.constant 512 : i32
    "tpu.region"() ({
      %run_scoped3A = tpu.sem_alloc : memref<!tpu.dma_semaphore, #tpu.memory_space<semaphore_mem>>
      %dma_start3A = arith.constant 0 : i32
      %dma_start3A_26 = tpu.memref_slice %arg4[%add3A_4, %dma_start3A] : memref<64x16384xf32, #tpu.memory_space<hbm>> -> memref<1x8192xf32, #tpu.memory_space<hbm>>
      %dma_start3A_27 = tpu.memref_squeeze %dma_start3A_26 : memref<1x8192xf32, #tpu.memory_space<hbm>> -> memref<8192xf32, #tpu.memory_space<hbm>>
      %dma_start3A_28 = arith.constant 0 : i32
      %dma_start3A_29 = tpu.memref_slice %arg4[%add3A_4, %dma_start3A_28] : memref<64x16384xf32, #tpu.memory_space<hbm>> -> memref<1x8192xf32, #tpu.memory_space<hbm>>
      %dma_start3A_30 = tpu.memref_squeeze %dma_start3A_29 : memref<1x8192xf32, #tpu.memory_space<hbm>> -> memref<8192xf32, #tpu.memory_space<hbm>>
      tpu.enqueue_dma source(%arg7 : memref<8192xf32, #tpu.memory_space<vmem>>) target(%dma_start3A_30 : memref<8192xf32, #tpu.memory_space<hbm>>) target_semaphore(%run_scoped3A : memref<!tpu.dma_semaphore, #tpu.memory_space<semaphore_mem>>)
      %dma_wait3A = arith.constant 0 : i32
      %dma_wait3A_31 = tpu.memref_slice %arg4[%add3A_4, %dma_wait3A] : memref<64x16384xf32, #tpu.memory_space<hbm>> -> memref<1x8192xf32, #tpu.memory_space<hbm>>
      %dma_wait3A_32 = tpu.memref_squeeze %dma_wait3A_31 : memref<1x8192xf32, #tpu.memory_space<hbm>> -> memref<8192xf32, #tpu.memory_space<hbm>>
      %dma_wait3A_33 = arith.constant 0 : i32
      %dma_wait3A_34 = tpu.memref_slice %arg4[%add3A_4, %dma_wait3A_33] : memref<64x16384xf32, #tpu.memory_space<hbm>> -> memref<1x8192xf32, #tpu.memory_space<hbm>>
      %dma_wait3A_35 = tpu.memref_squeeze %dma_wait3A_34 : memref<1x8192xf32, #tpu.memory_space<hbm>> -> memref<8192xf32, #tpu.memory_space<hbm>>
      tpu.wait_dma2 semaphore(%run_scoped3A : memref<!tpu.dma_semaphore, #tpu.memory_space<semaphore_mem>>) src(%arg7 : memref<8192xf32, #tpu.memory_space<vmem>>) dst(%dma_wait3A_35 : memref<8192xf32, #tpu.memory_space<hbm>>)
      tpu.yield
    }) : () -> ()
    %scan3A_9 = arith.constant 0 : i32
    %scan3A_10 = arith.constant 512 : i32
    %scan3A_11 = arith.addi %scan3A_9, %scan3A_10 : i32
    %scan3A_12 = arith.constant 8 : i32
    scf.for %scan3A_26 = %scan3A_9 to %scan3A_11 step %scan3A_12  : i32 {
      %mul3A_27 = arith.constant 1 : i32
      %mul3A_28 = arith.muli %scan3A_26, %mul3A_27 : i32
      %add3A_29 = arith.constant 0 : i32
      %add3A_30 = arith.addi %add3A_29, %mul3A_28 : i32
      %mul3A_31 = arith.constant 16 : i32
      %mul3A_32 = arith.muli %add3A_30, %mul3A_31 : i32
      %add3A_33 = arith.constant 8192 : i32
      %add3A_34 = arith.addi %add3A_33, %mul3A_32 : i32
      %get3A = arith.index_cast %add3A_34 : i32 to index
      %get3A_35 = tpu.vector_load %arg5[%get3A] {strides = array<i32>} : memref<16384xi32, #tpu.memory_space<vmem>>, vector<16xi32>,
      %gather3A = tpu.vector_load_idx %arg6[%get3A_35] : memref<100000xf32, #tpu.memory_space<vmem>>[vector<16xi32>], vector<16xf32>,
      %mul3A_36 = arith.constant 16 : i32
      %mul3A_37 = arith.muli %add3A_30, %mul3A_36 : i32
      %swap3A = arith.index_cast %mul3A_37 : i32 to index
      %swap3A_38 = tpu.vector_load %arg7[%swap3A] {strides = array<i32>} : memref<8192xf32, #tpu.memory_space<vmem>>, vector<16xf32>,
      tpu.vector_store %arg7[%swap3A], %gather3A {strides = array<i32>} : memref<8192xf32, #tpu.memory_space<vmem>>, vector<16xf32>,
      %scan3A_39 = arith.constant 1 : i32
      %scan3A_40 = arith.addi %scan3A_26, %scan3A_39 : i32
      %mul3A_41 = arith.constant 1 : i32
      %mul3A_42 = arith.muli %scan3A_40, %mul3A_41 : i32
      %add3A_43 = arith.constant 0 : i32
      %add3A_44 = arith.addi %add3A_43, %mul3A_42 : i32
      %mul3A_45 = arith.constant 16 : i32
      %mul3A_46 = arith.muli %add3A_44, %mul3A_45 : i32
      %add3A_47 = arith.constant 8192 : i32
      %add3A_48 = arith.addi %add3A_47, %mul3A_46 : i32
      %get3A_49 = arith.index_cast %add3A_48 : i32 to index
      %get3A_50 = tpu.vector_load %arg5[%get3A_49] {strides = array<i32>} : memref<16384xi32, #tpu.memory_space<vmem>>, vector<16xi32>,
      %gather3A_51 = tpu.vector_load_idx %arg6[%get3A_50] : memref<100000xf32, #tpu.memory_space<vmem>>[vector<16xi32>], vector<16xf32>,
      %mul3A_52 = arith.constant 16 : i32
      %mul3A_53 = arith.muli %add3A_44, %mul3A_52 : i32
      %swap3A_54 = arith.index_cast %mul3A_53 : i32 to index
      %swap3A_55 = tpu.vector_load %arg7[%swap3A_54] {strides = array<i32>} : memref<8192xf32, #tpu.memory_space<vmem>>, vector<16xf32>,
      tpu.vector_store %arg7[%swap3A_54], %gather3A_51 {strides = array<i32>} : memref<8192xf32, #tpu.memory_space<vmem>>, vector<16xf32>,
      %scan3A_56 = arith.constant 2 : i32
      %scan3A_57 = arith.addi %scan3A_26, %scan3A_56 : i32
      %mul3A_58 = arith.constant 1 : i32
      %mul3A_59 = arith.muli %scan3A_57, %mul3A_58 : i32
      %add3A_60 = arith.constant 0 : i32
      %add3A_61 = arith.addi %add3A_60, %mul3A_59 : i32
      %mul3A_62 = arith.constant 16 : i32
      %mul3A_63 = arith.muli %add3A_61, %mul3A_62 : i32
      %add3A_64 = arith.constant 8192 : i32
      %add3A_65 = arith.addi %add3A_64, %mul3A_63 : i32
      %get3A_66 = arith.index_cast %add3A_65 : i32 to index
      %get3A_67 = tpu.vector_load %arg5[%get3A_66] {strides = array<i32>} : memref<16384xi32, #tpu.memory_space<vmem>>, vector<16xi32>,
      %gather3A_68 = tpu.vector_load_idx %arg6[%get3A_67] : memref<100000xf32, #tpu.memory_space<vmem>>[vector<16xi32>], vector<16xf32>,
      %mul3A_69 = arith.constant 16 : i32
      %mul3A_70 = arith.muli %add3A_61, %mul3A_69 : i32
      %swap3A_71 = arith.index_cast %mul3A_70 : i32 to index
      %swap3A_72 = tpu.vector_load %arg7[%swap3A_71] {strides = array<i32>} : memref<8192xf32, #tpu.memory_space<vmem>>, vector<16xf32>,
      tpu.vector_store %arg7[%swap3A_71], %gather3A_68 {strides = array<i32>} : memref<8192xf32, #tpu.memory_space<vmem>>, vector<16xf32>,
      %scan3A_73 = arith.constant 3 : i32
      %scan3A_74 = arith.addi %scan3A_26, %scan3A_73 : i32
      %mul3A_75 = arith.constant 1 : i32
      %mul3A_76 = arith.muli %scan3A_74, %mul3A_75 : i32
      %add3A_77 = arith.constant 0 : i32
      %add3A_78 = arith.addi %add3A_77, %mul3A_76 : i32
      %mul3A_79 = arith.constant 16 : i32
      %mul3A_80 = arith.muli %add3A_78, %mul3A_79 : i32
      %add3A_81 = arith.constant 8192 : i32
      %add3A_82 = arith.addi %add3A_81, %mul3A_80 : i32
      %get3A_83 = arith.index_cast %add3A_82 : i32 to index
      %get3A_84 = tpu.vector_load %arg5[%get3A_83] {strides = array<i32>} : memref<16384xi32, #tpu.memory_space<vmem>>, vector<16xi32>,
      %gather3A_85 = tpu.vector_load_idx %arg6[%get3A_84] : memref<100000xf32, #tpu.memory_space<vmem>>[vector<16xi32>], vector<16xf32>,
      %mul3A_86 = arith.constant 16 : i32
      %mul3A_87 = arith.muli %add3A_78, %mul3A_86 : i32
      %swap3A_88 = arith.index_cast %mul3A_87 : i32 to index
      %swap3A_89 = tpu.vector_load %arg7[%swap3A_88] {strides = array<i32>} : memref<8192xf32, #tpu.memory_space<vmem>>, vector<16xf32>,
      tpu.vector_store %arg7[%swap3A_88], %gather3A_85 {strides = array<i32>} : memref<8192xf32, #tpu.memory_space<vmem>>, vector<16xf32>,
      %scan3A_90 = arith.constant 4 : i32
      %scan3A_91 = arith.addi %scan3A_26, %scan3A_90 : i32
      %mul3A_92 = arith.constant 1 : i32
      %mul3A_93 = arith.muli %scan3A_91, %mul3A_92 : i32
      %add3A_94 = arith.constant 0 : i32
      %add3A_95 = arith.addi %add3A_94, %mul3A_93 : i32
      %mul3A_96 = arith.constant 16 : i32
      %mul3A_97 = arith.muli %add3A_95, %mul3A_96 : i32
      %add3A_98 = arith.constant 8192 : i32
      %add3A_99 = arith.addi %add3A_98, %mul3A_97 : i32
      %get3A_100 = arith.index_cast %add3A_99 : i32 to index
      %get3A_101 = tpu.vector_load %arg5[%get3A_100] {strides = array<i32>} : memref<16384xi32, #tpu.memory_space<vmem>>, vector<16xi32>,
      %gather3A_102 = tpu.vector_load_idx %arg6[%get3A_101] : memref<100000xf32, #tpu.memory_space<vmem>>[vector<16xi32>], vector<16xf32>,
      %mul3A_103 = arith.constant 16 : i32
      %mul3A_104 = arith.muli %add3A_95, %mul3A_103 : i32
      %swap3A_105 = arith.index_cast %mul3A_104 : i32 to index
      %swap3A_106 = tpu.vector_load %arg7[%swap3A_105] {strides = array<i32>} : memref<8192xf32, #tpu.memory_space<vmem>>, vector<16xf32>,
      tpu.vector_store %arg7[%swap3A_105], %gather3A_102 {strides = array<i32>} : memref<8192xf32, #tpu.memory_space<vmem>>, vector<16xf32>,
      %scan3A_107 = arith.constant 5 : i32
      %scan3A_108 = arith.addi %scan3A_26, %scan3A_107 : i32
      %mul3A_109 = arith.constant 1 : i32
      %mul3A_110 = arith.muli %scan3A_108, %mul3A_109 : i32
      %add3A_111 = arith.constant 0 : i32
      %add3A_112 = arith.addi %add3A_111, %mul3A_110 : i32
      %mul3A_113 = arith.constant 16 : i32
      %mul3A_114 = arith.muli %add3A_112, %mul3A_113 : i32
      %add3A_115 = arith.constant 8192 : i32
      %add3A_116 = arith.addi %add3A_115, %mul3A_114 : i32
      %get3A_117 = arith.index_cast %add3A_116 : i32 to index
      %get3A_118 = tpu.vector_load %arg5[%get3A_117] {strides = array<i32>} : memref<16384xi32, #tpu.memory_space<vmem>>, vector<16xi32>,
      %gather3A_119 = tpu.vector_load_idx %arg6[%get3A_118] : memref<100000xf32, #tpu.memory_space<vmem>>[vector<16xi32>], vector<16xf32>,
      %mul3A_120 = arith.constant 16 : i32
      %mul3A_121 = arith.muli %add3A_112, %mul3A_120 : i32
      %swap3A_122 = arith.index_cast %mul3A_121 : i32 to index
      %swap3A_123 = tpu.vector_load %arg7[%swap3A_122] {strides = array<i32>} : memref<8192xf32, #tpu.memory_space<vmem>>, vector<16xf32>,
      tpu.vector_store %arg7[%swap3A_122], %gather3A_119 {strides = array<i32>} : memref<8192xf32, #tpu.memory_space<vmem>>, vector<16xf32>,
      %scan3A_124 = arith.constant 6 : i32
      %scan3A_125 = arith.addi %scan3A_26, %scan3A_124 : i32
      %mul3A_126 = arith.constant 1 : i32
      %mul3A_127 = arith.muli %scan3A_125, %mul3A_126 : i32
      %add3A_128 = arith.constant 0 : i32
      %add3A_129 = arith.addi %add3A_128, %mul3A_127 : i32
      %mul3A_130 = arith.constant 16 : i32
      %mul3A_131 = arith.muli %add3A_129, %mul3A_130 : i32
      %add3A_132 = arith.constant 8192 : i32
      %add3A_133 = arith.addi %add3A_132, %mul3A_131 : i32
      %get3A_134 = arith.index_cast %add3A_133 : i32 to index
      %get3A_135 = tpu.vector_load %arg5[%get3A_134] {strides = array<i32>} : memref<16384xi32, #tpu.memory_space<vmem>>, vector<16xi32>,
      %gather3A_136 = tpu.vector_load_idx %arg6[%get3A_135] : memref<100000xf32, #tpu.memory_space<vmem>>[vector<16xi32>], vector<16xf32>,
      %mul3A_137 = arith.constant 16 : i32
      %mul3A_138 = arith.muli %add3A_129, %mul3A_137 : i32
      %swap3A_139 = arith.index_cast %mul3A_138 : i32 to index
      %swap3A_140 = tpu.vector_load %arg7[%swap3A_139] {strides = array<i32>} : memref<8192xf32, #tpu.memory_space<vmem>>, vector<16xf32>,
      tpu.vector_store %arg7[%swap3A_139], %gather3A_136 {strides = array<i32>} : memref<8192xf32, #tpu.memory_space<vmem>>, vector<16xf32>,
      %scan3A_141 = arith.constant 7 : i32
      %scan3A_142 = arith.addi %scan3A_26, %scan3A_141 : i32
      %mul3A_143 = arith.constant 1 : i32
      %mul3A_144 = arith.muli %scan3A_142, %mul3A_143 : i32
      %add3A_145 = arith.constant 0 : i32
      %add3A_146 = arith.addi %add3A_145, %mul3A_144 : i32
      %mul3A_147 = arith.constant 16 : i32
      %mul3A_148 = arith.muli %add3A_146, %mul3A_147 : i32
      %add3A_149 = arith.constant 8192 : i32
      %add3A_150 = arith.addi %add3A_149, %mul3A_148 : i32
      %get3A_151 = arith.index_cast %add3A_150 : i32 to index
      %get3A_152 = tpu.vector_load %arg5[%get3A_151] {strides = array<i32>} : memref<16384xi32, #tpu.memory_space<vmem>>, vector<16xi32>,
      %gather3A_153 = tpu.vector_load_idx %arg6[%get3A_152] : memref<100000xf32, #tpu.memory_space<vmem>>[vector<16xi32>], vector<16xf32>,
      %mul3A_154 = arith.constant 16 : i32
      %mul3A_155 = arith.muli %add3A_146, %mul3A_154 : i32
      %swap3A_156 = arith.index_cast %mul3A_155 : i32 to index
      %swap3A_157 = tpu.vector_load %arg7[%swap3A_156] {strides = array<i32>} : memref<8192xf32, #tpu.memory_space<vmem>>, vector<16xf32>,
      tpu.vector_store %arg7[%swap3A_156], %gather3A_153 {strides = array<i32>} : memref<8192xf32, #tpu.memory_space<vmem>>, vector<16xf32>,
    }
    %scan3A_13 = arith.constant 512 : i32
    "tpu.region"() ({
      %run_scoped3A = tpu.sem_alloc : memref<!tpu.dma_semaphore, #tpu.memory_space<semaphore_mem>>
      %dma_start3A = arith.constant 8192 : i32
      %dma_start3A_26 = tpu.memref_slice %arg4[%add3A_4, %dma_start3A] : memref<64x16384xf32, #tpu.memory_space<hbm>> -> memref<1x8192xf32, #tpu.memory_space<hbm>>
      %dma_start3A_27 = tpu.memref_squeeze %dma_start3A_26 : memref<1x8192xf32, #tpu.memory_space<hbm>> -> memref<8192xf32, #tpu.memory_space<hbm>>
      %dma_start3A_28 = arith.constant 8192 : i32
      %dma_start3A_29 = tpu.memref_slice %arg4[%add3A_4, %dma_start3A_28] : memref<64x16384xf32, #tpu.memory_space<hbm>> -> memref<1x8192xf32, #tpu.memory_space<hbm>>
      %dma_start3A_30 = tpu.memref_squeeze %dma_start3A_29 : memref<1x8192xf32, #tpu.memory_space<hbm>> -> memref<8192xf32, #tpu.memory_space<hbm>>
      tpu.enqueue_dma source(%arg7 : memref<8192xf32, #tpu.memory_space<vmem>>) target(%dma_start3A_30 : memref<8192xf32, #tpu.memory_space<hbm>>) target_semaphore(%run_scoped3A : memref<!tpu.dma_semaphore, #tpu.memory_space<semaphore_mem>>)
      %dma_wait3A = arith.constant 8192 : i32
      %dma_wait3A_31 = tpu.memref_slice %arg4[%add3A_4, %dma_wait3A] : memref<64x16384xf32, #tpu.memory_space<hbm>> -> memref<1x8192xf32, #tpu.memory_space<hbm>>
      %dma_wait3A_32 = tpu.memref_squeeze %dma_wait3A_31 : memref<1x8192xf32, #tpu.memory_space<hbm>> -> memref<8192xf32, #tpu.memory_space<hbm>>
      %dma_wait3A_33 = arith.constant 8192 : i32
      %dma_wait3A_34 = tpu.memref_slice %arg4[%add3A_4, %dma_wait3A_33] : memref<64x16384xf32, #tpu.memory_space<hbm>> -> memref<1x8192xf32, #tpu.memory_space<hbm>>
      %dma_wait3A_35 = tpu.memref_squeeze %dma_wait3A_34 : memref<1x8192xf32, #tpu.memory_space<hbm>> -> memref<8192xf32, #tpu.memory_space<hbm>>
      tpu.wait_dma2 semaphore(%run_scoped3A : memref<!tpu.dma_semaphore, #tpu.memory_space<semaphore_mem>>) src(%arg7 : memref<8192xf32, #tpu.memory_space<vmem>>) dst(%dma_wait3A_35 : memref<8192xf32, #tpu.memory_space<hbm>>)
      tpu.yield
    }) : () -> ()
    %add3A_14 = arith.constant 1 : i32
    %add3A_15 = arith.addi %mul3A_2, %add3A_14 : i32
    "tpu.region"() ({
      %run_scoped3A = tpu.sem_alloc : memref<!tpu.dma_semaphore, #tpu.memory_space<semaphore_mem>>
      %dma_start3A = arith.constant 0 : i32
      %dma_start3A_26 = tpu.memref_slice %arg3[%add3A_15, %dma_start3A] : memref<64x100000xf32, #tpu.memory_space<hbm>> -> memref<1x100000xf32, #tpu.memory_space<hbm>>
      %dma_start3A_27 = tpu.memref_squeeze %dma_start3A_26 : memref<1x100000xf32, #tpu.memory_space<hbm>> -> memref<100000xf32, #tpu.memory_space<hbm>>
      %dma_start3A_28 = arith.constant 0 : i32
      %dma_start3A_29 = tpu.memref_slice %arg3[%add3A_15, %dma_start3A_28] : memref<64x100000xf32, #tpu.memory_space<hbm>> -> memref<1x100000xf32, #tpu.memory_space<hbm>>
      %dma_start3A_30 = tpu.memref_squeeze %dma_start3A_29 : memref<1x100000xf32, #tpu.memory_space<hbm>> -> memref<100000xf32, #tpu.memory_space<hbm>>
      tpu.enqueue_dma source(%dma_start3A_30 : memref<100000xf32, #tpu.memory_space<hbm>>) target(%arg6 : memref<100000xf32, #tpu.memory_space<vmem>>) target_semaphore(%run_scoped3A : memref<!tpu.dma_semaphore, #tpu.memory_space<semaphore_mem>>)
      %dma_wait3A = arith.constant 0 : i32
      %dma_wait3A_31 = tpu.memref_slice %arg3[%add3A_15, %dma_wait3A] : memref<64x100000xf32, #tpu.memory_space<hbm>> -> memref<1x100000xf32, #tpu.memory_space<hbm>>
      %dma_wait3A_32 = tpu.memref_squeeze %dma_wait3A_31 : memref<1x100000xf32, #tpu.memory_space<hbm>> -> memref<100000xf32, #tpu.memory_space<hbm>>
      %dma_wait3A_33 = arith.constant 0 : i32
      %dma_wait3A_34 = tpu.memref_slice %arg3[%add3A_15, %dma_wait3A_33] : memref<64x100000xf32, #tpu.memory_space<hbm>> -> memref<1x100000xf32, #tpu.memory_space<hbm>>
      %dma_wait3A_35 = tpu.memref_squeeze %dma_wait3A_34 : memref<1x100000xf32, #tpu.memory_space<hbm>> -> memref<100000xf32, #tpu.memory_space<hbm>>
      tpu.wait_dma2 semaphore(%run_scoped3A : memref<!tpu.dma_semaphore, #tpu.memory_space<semaphore_mem>>) src(%dma_wait3A_35 : memref<100000xf32, #tpu.memory_space<hbm>>) dst(%arg6 : memref<100000xf32, #tpu.memory_space<vmem>>)
      tpu.yield
    }) : () -> ()
    %scan3A_16 = arith.constant 0 : i32
    %scan3A_17 = arith.constant 512 : i32
    %scan3A_18 = arith.addi %scan3A_16, %scan3A_17 : i32
    %scan3A_19 = arith.constant 8 : i32
    scf.for %scan3A_26 = %scan3A_16 to %scan3A_18 step %scan3A_19  : i32 {
      %mul3A_27 = arith.constant 1 : i32
      %mul3A_28 = arith.muli %scan3A_26, %mul3A_27 : i32
      %add3A_29 = arith.constant 0 : i32
      %add3A_30 = arith.addi %add3A_29, %mul3A_28 : i32
      %mul3A_31 = arith.constant 16 : i32
      %mul3A_32 = arith.muli %add3A_30, %mul3A_31 : i32
      %add3A_33 = arith.constant 0 : i32
      %add3A_34 = arith.addi %add3A_33, %mul3A_32 : i32
      %get3A = arith.index_cast %add3A_34 : i32 to index
      %get3A_35 = tpu.vector_load %arg5[%get3A] {strides = array<i32>} : memref<16384xi32, #tpu.memory_space<vmem>>, vector<16xi32>,
      %gather3A = tpu.vector_load_idx %arg6[%get3A_35] : memref<100000xf32, #tpu.memory_space<vmem>>[vector<16xi32>], vector<16xf32>,
      %mul3A_36 = arith.constant 16 : i32
      %mul3A_37 = arith.muli %add3A_30, %mul3A_36 : i32
      %swap3A = arith.index_cast %mul3A_37 : i32 to index
      %swap3A_38 = tpu.vector_load %arg7[%swap3A] {strides = array<i32>} : memref<8192xf32, #tpu.memory_space<vmem>>, vector<16xf32>,
      tpu.vector_store %arg7[%swap3A], %gather3A {strides = array<i32>} : memref<8192xf32, #tpu.memory_space<vmem>>, vector<16xf32>,
      %scan3A_39 = arith.constant 1 : i32
      %scan3A_40 = arith.addi %scan3A_26, %scan3A_39 : i32
      %mul3A_41 = arith.constant 1 : i32
      %mul3A_42 = arith.muli %scan3A_40, %mul3A_41 : i32
      %add3A_43 = arith.constant 0 : i32
      %add3A_44 = arith.addi %add3A_43, %mul3A_42 : i32
      %mul3A_45 = arith.constant 16 : i32
      %mul3A_46 = arith.muli %add3A_44, %mul3A_45 : i32
      %add3A_47 = arith.constant 0 : i32
      %add3A_48 = arith.addi %add3A_47, %mul3A_46 : i32
      %get3A_49 = arith.index_cast %add3A_48 : i32 to index
      %get3A_50 = tpu.vector_load %arg5[%get3A_49] {strides = array<i32>} : memref<16384xi32, #tpu.memory_space<vmem>>, vector<16xi32>,
      %gather3A_51 = tpu.vector_load_idx %arg6[%get3A_50] : memref<100000xf32, #tpu.memory_space<vmem>>[vector<16xi32>], vector<16xf32>,
      %mul3A_52 = arith.constant 16 : i32
      %mul3A_53 = arith.muli %add3A_44, %mul3A_52 : i32
      %swap3A_54 = arith.index_cast %mul3A_53 : i32 to index
      %swap3A_55 = tpu.vector_load %arg7[%swap3A_54] {strides = array<i32>} : memref<8192xf32, #tpu.memory_space<vmem>>, vector<16xf32>,
      tpu.vector_store %arg7[%swap3A_54], %gather3A_51 {strides = array<i32>} : memref<8192xf32, #tpu.memory_space<vmem>>, vector<16xf32>,
      %scan3A_56 = arith.constant 2 : i32
      %scan3A_57 = arith.addi %scan3A_26, %scan3A_56 : i32
      %mul3A_58 = arith.constant 1 : i32
      %mul3A_59 = arith.muli %scan3A_57, %mul3A_58 : i32
      %add3A_60 = arith.constant 0 : i32
      %add3A_61 = arith.addi %add3A_60, %mul3A_59 : i32
      %mul3A_62 = arith.constant 16 : i32
      %mul3A_63 = arith.muli %add3A_61, %mul3A_62 : i32
      %add3A_64 = arith.constant 0 : i32
      %add3A_65 = arith.addi %add3A_64, %mul3A_63 : i32
      %get3A_66 = arith.index_cast %add3A_65 : i32 to index
      %get3A_67 = tpu.vector_load %arg5[%get3A_66] {strides = array<i32>} : memref<16384xi32, #tpu.memory_space<vmem>>, vector<16xi32>,
      %gather3A_68 = tpu.vector_load_idx %arg6[%get3A_67] : memref<100000xf32, #tpu.memory_space<vmem>>[vector<16xi32>], vector<16xf32>,
      %mul3A_69 = arith.constant 16 : i32
      %mul3A_70 = arith.muli %add3A_61, %mul3A_69 : i32
      %swap3A_71 = arith.index_cast %mul3A_70 : i32 to index
      %swap3A_72 = tpu.vector_load %arg7[%swap3A_71] {strides = array<i32>} : memref<8192xf32, #tpu.memory_space<vmem>>, vector<16xf32>,
      tpu.vector_store %arg7[%swap3A_71], %gather3A_68 {strides = array<i32>} : memref<8192xf32, #tpu.memory_space<vmem>>, vector<16xf32>,
      %scan3A_73 = arith.constant 3 : i32
      %scan3A_74 = arith.addi %scan3A_26, %scan3A_73 : i32
      %mul3A_75 = arith.constant 1 : i32
      %mul3A_76 = arith.muli %scan3A_74, %mul3A_75 : i32
      %add3A_77 = arith.constant 0 : i32
      %add3A_78 = arith.addi %add3A_77, %mul3A_76 : i32
      %mul3A_79 = arith.constant 16 : i32
      %mul3A_80 = arith.muli %add3A_78, %mul3A_79 : i32
      %add3A_81 = arith.constant 0 : i32
      %add3A_82 = arith.addi %add3A_81, %mul3A_80 : i32
      %get3A_83 = arith.index_cast %add3A_82 : i32 to index
      %get3A_84 = tpu.vector_load %arg5[%get3A_83] {strides = array<i32>} : memref<16384xi32, #tpu.memory_space<vmem>>, vector<16xi32>,
      %gather3A_85 = tpu.vector_load_idx %arg6[%get3A_84] : memref<100000xf32, #tpu.memory_space<vmem>>[vector<16xi32>], vector<16xf32>,
      %mul3A_86 = arith.constant 16 : i32
      %mul3A_87 = arith.muli %add3A_78, %mul3A_86 : i32
      %swap3A_88 = arith.index_cast %mul3A_87 : i32 to index
      %swap3A_89 = tpu.vector_load %arg7[%swap3A_88] {strides = array<i32>} : memref<8192xf32, #tpu.memory_space<vmem>>, vector<16xf32>,
      tpu.vector_store %arg7[%swap3A_88], %gather3A_85 {strides = array<i32>} : memref<8192xf32, #tpu.memory_space<vmem>>, vector<16xf32>,
      %scan3A_90 = arith.constant 4 : i32
      %scan3A_91 = arith.addi %scan3A_26, %scan3A_90 : i32
      %mul3A_92 = arith.constant 1 : i32
      %mul3A_93 = arith.muli %scan3A_91, %mul3A_92 : i32
      %add3A_94 = arith.constant 0 : i32
      %add3A_95 = arith.addi %add3A_94, %mul3A_93 : i32
      %mul3A_96 = arith.constant 16 : i32
      %mul3A_97 = arith.muli %add3A_95, %mul3A_96 : i32
      %add3A_98 = arith.constant 0 : i32
      %add3A_99 = arith.addi %add3A_98, %mul3A_97 : i32
      %get3A_100 = arith.index_cast %add3A_99 : i32 to index
      %get3A_101 = tpu.vector_load %arg5[%get3A_100] {strides = array<i32>} : memref<16384xi32, #tpu.memory_space<vmem>>, vector<16xi32>,
      %gather3A_102 = tpu.vector_load_idx %arg6[%get3A_101] : memref<100000xf32, #tpu.memory_space<vmem>>[vector<16xi32>], vector<16xf32>,
      %mul3A_103 = arith.constant 16 : i32
      %mul3A_104 = arith.muli %add3A_95, %mul3A_103 : i32
      %swap3A_105 = arith.index_cast %mul3A_104 : i32 to index
      %swap3A_106 = tpu.vector_load %arg7[%swap3A_105] {strides = array<i32>} : memref<8192xf32, #tpu.memory_space<vmem>>, vector<16xf32>,
      tpu.vector_store %arg7[%swap3A_105], %gather3A_102 {strides = array<i32>} : memref<8192xf32, #tpu.memory_space<vmem>>, vector<16xf32>,
      %scan3A_107 = arith.constant 5 : i32
      %scan3A_108 = arith.addi %scan3A_26, %scan3A_107 : i32
      %mul3A_109 = arith.constant 1 : i32
      %mul3A_110 = arith.muli %scan3A_108, %mul3A_109 : i32
      %add3A_111 = arith.constant 0 : i32
      %add3A_112 = arith.addi %add3A_111, %mul3A_110 : i32
      %mul3A_113 = arith.constant 16 : i32
      %mul3A_114 = arith.muli %add3A_112, %mul3A_113 : i32
      %add3A_115 = arith.constant 0 : i32
      %add3A_116 = arith.addi %add3A_115, %mul3A_114 : i32
      %get3A_117 = arith.index_cast %add3A_116 : i32 to index
      %get3A_118 = tpu.vector_load %arg5[%get3A_117] {strides = array<i32>} : memref<16384xi32, #tpu.memory_space<vmem>>, vector<16xi32>,
      %gather3A_119 = tpu.vector_load_idx %arg6[%get3A_118] : memref<100000xf32, #tpu.memory_space<vmem>>[vector<16xi32>], vector<16xf32>,
      %mul3A_120 = arith.constant 16 : i32
      %mul3A_121 = arith.muli %add3A_112, %mul3A_120 : i32
      %swap3A_122 = arith.index_cast %mul3A_121 : i32 to index
      %swap3A_123 = tpu.vector_load %arg7[%swap3A_122] {strides = array<i32>} : memref<8192xf32, #tpu.memory_space<vmem>>, vector<16xf32>,
      tpu.vector_store %arg7[%swap3A_122], %gather3A_119 {strides = array<i32>} : memref<8192xf32, #tpu.memory_space<vmem>>, vector<16xf32>,
      %scan3A_124 = arith.constant 6 : i32
      %scan3A_125 = arith.addi %scan3A_26, %scan3A_124 : i32
      %mul3A_126 = arith.constant 1 : i32
      %mul3A_127 = arith.muli %scan3A_125, %mul3A_126 : i32
      %add3A_128 = arith.constant 0 : i32
      %add3A_129 = arith.addi %add3A_128, %mul3A_127 : i32
      %mul3A_130 = arith.constant 16 : i32
      %mul3A_131 = arith.muli %add3A_129, %mul3A_130 : i32
      %add3A_132 = arith.constant 0 : i32
      %add3A_133 = arith.addi %add3A_132, %mul3A_131 : i32
      %get3A_134 = arith.index_cast %add3A_133 : i32 to index
      %get3A_135 = tpu.vector_load %arg5[%get3A_134] {strides = array<i32>} : memref<16384xi32, #tpu.memory_space<vmem>>, vector<16xi32>,
      %gather3A_136 = tpu.vector_load_idx %arg6[%get3A_135] : memref<100000xf32, #tpu.memory_space<vmem>>[vector<16xi32>], vector<16xf32>,
      %mul3A_137 = arith.constant 16 : i32
      %mul3A_138 = arith.muli %add3A_129, %mul3A_137 : i32
      %swap3A_139 = arith.index_cast %mul3A_138 : i32 to index
      %swap3A_140 = tpu.vector_load %arg7[%swap3A_139] {strides = array<i32>} : memref<8192xf32, #tpu.memory_space<vmem>>, vector<16xf32>,
      tpu.vector_store %arg7[%swap3A_139], %gather3A_136 {strides = array<i32>} : memref<8192xf32, #tpu.memory_space<vmem>>, vector<16xf32>,
      %scan3A_141 = arith.constant 7 : i32
      %scan3A_142 = arith.addi %scan3A_26, %scan3A_141 : i32
      %mul3A_143 = arith.constant 1 : i32
      %mul3A_144 = arith.muli %scan3A_142, %mul3A_143 : i32
      %add3A_145 = arith.constant 0 : i32
      %add3A_146 = arith.addi %add3A_145, %mul3A_144 : i32
      %mul3A_147 = arith.constant 16 : i32
      %mul3A_148 = arith.muli %add3A_146, %mul3A_147 : i32
      %add3A_149 = arith.constant 0 : i32
      %add3A_150 = arith.addi %add3A_149, %mul3A_148 : i32
      %get3A_151 = arith.index_cast %add3A_150 : i32 to index
      %get3A_152 = tpu.vector_load %arg5[%get3A_151] {strides = array<i32>} : memref<16384xi32, #tpu.memory_space<vmem>>, vector<16xi32>,
      %gather3A_153 = tpu.vector_load_idx %arg6[%get3A_152] : memref<100000xf32, #tpu.memory_space<vmem>>[vector<16xi32>], vector<16xf32>,
      %mul3A_154 = arith.constant 16 : i32
      %mul3A_155 = arith.muli %add3A_146, %mul3A_154 : i32
      %swap3A_156 = arith.index_cast %mul3A_155 : i32 to index
      %swap3A_157 = tpu.vector_load %arg7[%swap3A_156] {strides = array<i32>} : memref<8192xf32, #tpu.memory_space<vmem>>, vector<16xf32>,
      tpu.vector_store %arg7[%swap3A_156], %gather3A_153 {strides = array<i32>} : memref<8192xf32, #tpu.memory_space<vmem>>, vector<16xf32>,
    }
    %scan3A_20 = arith.constant 512 : i32
    "tpu.region"() ({
      %run_scoped3A = tpu.sem_alloc : memref<!tpu.dma_semaphore, #tpu.memory_space<semaphore_mem>>
      %dma_start3A = arith.constant 0 : i32
      %dma_start3A_26 = tpu.memref_slice %arg4[%add3A_15, %dma_start3A] : memref<64x16384xf32, #tpu.memory_space<hbm>> -> memref<1x8192xf32, #tpu.memory_space<hbm>>
      %dma_start3A_27 = tpu.memref_squeeze %dma_start3A_26 : memref<1x8192xf32, #tpu.memory_space<hbm>> -> memref<8192xf32, #tpu.memory_space<hbm>>
      %dma_start3A_28 = arith.constant 0 : i32
      %dma_start3A_29 = tpu.memref_slice %arg4[%add3A_15, %dma_start3A_28] : memref<64x16384xf32, #tpu.memory_space<hbm>> -> memref<1x8192xf32, #tpu.memory_space<hbm>>
      %dma_start3A_30 = tpu.memref_squeeze %dma_start3A_29 : memref<1x8192xf32, #tpu.memory_space<hbm>> -> memref<8192xf32, #tpu.memory_space<hbm>>
      tpu.enqueue_dma source(%arg7 : memref<8192xf32, #tpu.memory_space<vmem>>) target(%dma_start3A_30 : memref<8192xf32, #tpu.memory_space<hbm>>) target_semaphore(%run_scoped3A : memref<!tpu.dma_semaphore, #tpu.memory_space<semaphore_mem>>)
      %dma_wait3A = arith.constant 0 : i32
      %dma_wait3A_31 = tpu.memref_slice %arg4[%add3A_15, %dma_wait3A] : memref<64x16384xf32, #tpu.memory_space<hbm>> -> memref<1x8192xf32, #tpu.memory_space<hbm>>
      %dma_wait3A_32 = tpu.memref_squeeze %dma_wait3A_31 : memref<1x8192xf32, #tpu.memory_space<hbm>> -> memref<8192xf32, #tpu.memory_space<hbm>>
      %dma_wait3A_33 = arith.constant 0 : i32
      %dma_wait3A_34 = tpu.memref_slice %arg4[%add3A_15, %dma_wait3A_33] : memref<64x16384xf32, #tpu.memory_space<hbm>> -> memref<1x8192xf32, #tpu.memory_space<hbm>>
      %dma_wait3A_35 = tpu.memref_squeeze %dma_wait3A_34 : memref<1x8192xf32, #tpu.memory_space<hbm>> -> memref<8192xf32, #tpu.memory_space<hbm>>
      tpu.wait_dma2 semaphore(%run_scoped3A : memref<!tpu.dma_semaphore, #tpu.memory_space<semaphore_mem>>) src(%arg7 : memref<8192xf32, #tpu.memory_space<vmem>>) dst(%dma_wait3A_35 : memref<8192xf32, #tpu.memory_space<hbm>>)
      tpu.yield
    }) : () -> ()
    %scan3A_21 = arith.constant 0 : i32
    %scan3A_22 = arith.constant 512 : i32
    %scan3A_23 = arith.addi %scan3A_21, %scan3A_22 : i32
    %scan3A_24 = arith.constant 8 : i32
    scf.for %scan3A_26 = %scan3A_21 to %scan3A_23 step %scan3A_24  : i32 {
      %mul3A_27 = arith.constant 1 : i32
      %mul3A_28 = arith.muli %scan3A_26, %mul3A_27 : i32
      %add3A_29 = arith.constant 0 : i32
      %add3A_30 = arith.addi %add3A_29, %mul3A_28 : i32
      %mul3A_31 = arith.constant 16 : i32
      %mul3A_32 = arith.muli %add3A_30, %mul3A_31 : i32
      %add3A_33 = arith.constant 8192 : i32
      %add3A_34 = arith.addi %add3A_33, %mul3A_32 : i32
      %get3A = arith.index_cast %add3A_34 : i32 to index
      %get3A_35 = tpu.vector_load %arg5[%get3A] {strides = array<i32>} : memref<16384xi32, #tpu.memory_space<vmem>>, vector<16xi32>,
      %gather3A = tpu.vector_load_idx %arg6[%get3A_35] : memref<100000xf32, #tpu.memory_space<vmem>>[vector<16xi32>], vector<16xf32>,
      %mul3A_36 = arith.constant 16 : i32
      %mul3A_37 = arith.muli %add3A_30, %mul3A_36 : i32
      %swap3A = arith.index_cast %mul3A_37 : i32 to index
      %swap3A_38 = tpu.vector_load %arg7[%swap3A] {strides = array<i32>} : memref<8192xf32, #tpu.memory_space<vmem>>, vector<16xf32>,
      tpu.vector_store %arg7[%swap3A], %gather3A {strides = array<i32>} : memref<8192xf32, #tpu.memory_space<vmem>>, vector<16xf32>,
      %scan3A_39 = arith.constant 1 : i32
      %scan3A_40 = arith.addi %scan3A_26, %scan3A_39 : i32
      %mul3A_41 = arith.constant 1 : i32
      %mul3A_42 = arith.muli %scan3A_40, %mul3A_41 : i32
      %add3A_43 = arith.constant 0 : i32
      %add3A_44 = arith.addi %add3A_43, %mul3A_42 : i32
      %mul3A_45 = arith.constant 16 : i32
      %mul3A_46 = arith.muli %add3A_44, %mul3A_45 : i32
      %add3A_47 = arith.constant 8192 : i32
      %add3A_48 = arith.addi %add3A_47, %mul3A_46 : i32
      %get3A_49 = arith.index_cast %add3A_48 : i32 to index
      %get3A_50 = tpu.vector_load %arg5[%get3A_49] {strides = array<i32>} : memref<16384xi32, #tpu.memory_space<vmem>>, vector<16xi32>,
      %gather3A_51 = tpu.vector_load_idx %arg6[%get3A_50] : memref<100000xf32, #tpu.memory_space<vmem>>[vector<16xi32>], vector<16xf32>,
      %mul3A_52 = arith.constant 16 : i32
      %mul3A_53 = arith.muli %add3A_44, %mul3A_52 : i32
      %swap3A_54 = arith.index_cast %mul3A_53 : i32 to index
      %swap3A_55 = tpu.vector_load %arg7[%swap3A_54] {strides = array<i32>} : memref<8192xf32, #tpu.memory_space<vmem>>, vector<16xf32>,
      tpu.vector_store %arg7[%swap3A_54], %gather3A_51 {strides = array<i32>} : memref<8192xf32, #tpu.memory_space<vmem>>, vector<16xf32>,
      %scan3A_56 = arith.constant 2 : i32
      %scan3A_57 = arith.addi %scan3A_26, %scan3A_56 : i32
      %mul3A_58 = arith.constant 1 : i32
      %mul3A_59 = arith.muli %scan3A_57, %mul3A_58 : i32
      %add3A_60 = arith.constant 0 : i32
      %add3A_61 = arith.addi %add3A_60, %mul3A_59 : i32
      %mul3A_62 = arith.constant 16 : i32
      %mul3A_63 = arith.muli %add3A_61, %mul3A_62 : i32
      %add3A_64 = arith.constant 8192 : i32
      %add3A_65 = arith.addi %add3A_64, %mul3A_63 : i32
      %get3A_66 = arith.index_cast %add3A_65 : i32 to index
      %get3A_67 = tpu.vector_load %arg5[%get3A_66] {strides = array<i32>} : memref<16384xi32, #tpu.memory_space<vmem>>, vector<16xi32>,
      %gather3A_68 = tpu.vector_load_idx %arg6[%get3A_67] : memref<100000xf32, #tpu.memory_space<vmem>>[vector<16xi32>], vector<16xf32>,
      %mul3A_69 = arith.constant 16 : i32
      %mul3A_70 = arith.muli %add3A_61, %mul3A_69 : i32
      %swap3A_71 = arith.index_cast %mul3A_70 : i32 to index
      %swap3A_72 = tpu.vector_load %arg7[%swap3A_71] {strides = array<i32>} : memref<8192xf32, #tpu.memory_space<vmem>>, vector<16xf32>,
      tpu.vector_store %arg7[%swap3A_71], %gather3A_68 {strides = array<i32>} : memref<8192xf32, #tpu.memory_space<vmem>>, vector<16xf32>,
      %scan3A_73 = arith.constant 3 : i32
      %scan3A_74 = arith.addi %scan3A_26, %scan3A_73 : i32
      %mul3A_75 = arith.constant 1 : i32
      %mul3A_76 = arith.muli %scan3A_74, %mul3A_75 : i32
      %add3A_77 = arith.constant 0 : i32
      %add3A_78 = arith.addi %add3A_77, %mul3A_76 : i32
      %mul3A_79 = arith.constant 16 : i32
      %mul3A_80 = arith.muli %add3A_78, %mul3A_79 : i32
      %add3A_81 = arith.constant 8192 : i32
      %add3A_82 = arith.addi %add3A_81, %mul3A_80 : i32
      %get3A_83 = arith.index_cast %add3A_82 : i32 to index
      %get3A_84 = tpu.vector_load %arg5[%get3A_83] {strides = array<i32>} : memref<16384xi32, #tpu.memory_space<vmem>>, vector<16xi32>,
      %gather3A_85 = tpu.vector_load_idx %arg6[%get3A_84] : memref<100000xf32, #tpu.memory_space<vmem>>[vector<16xi32>], vector<16xf32>,
      %mul3A_86 = arith.constant 16 : i32
      %mul3A_87 = arith.muli %add3A_78, %mul3A_86 : i32
      %swap3A_88 = arith.index_cast %mul3A_87 : i32 to index
      %swap3A_89 = tpu.vector_load %arg7[%swap3A_88] {strides = array<i32>} : memref<8192xf32, #tpu.memory_space<vmem>>, vector<16xf32>,
      tpu.vector_store %arg7[%swap3A_88], %gather3A_85 {strides = array<i32>} : memref<8192xf32, #tpu.memory_space<vmem>>, vector<16xf32>,
      %scan3A_90 = arith.constant 4 : i32
      %scan3A_91 = arith.addi %scan3A_26, %scan3A_90 : i32
      %mul3A_92 = arith.constant 1 : i32
      %mul3A_93 = arith.muli %scan3A_91, %mul3A_92 : i32
      %add3A_94 = arith.constant 0 : i32
      %add3A_95 = arith.addi %add3A_94, %mul3A_93 : i32
      %mul3A_96 = arith.constant 16 : i32
      %mul3A_97 = arith.muli %add3A_95, %mul3A_96 : i32
      %add3A_98 = arith.constant 8192 : i32
      %add3A_99 = arith.addi %add3A_98, %mul3A_97 : i32
      %get3A_100 = arith.index_cast %add3A_99 : i32 to index
      %get3A_101 = tpu.vector_load %arg5[%get3A_100] {strides = array<i32>} : memref<16384xi32, #tpu.memory_space<vmem>>, vector<16xi32>,
      %gather3A_102 = tpu.vector_load_idx %arg6[%get3A_101] : memref<100000xf32, #tpu.memory_space<vmem>>[vector<16xi32>], vector<16xf32>,
      %mul3A_103 = arith.constant 16 : i32
      %mul3A_104 = arith.muli %add3A_95, %mul3A_103 : i32
      %swap3A_105 = arith.index_cast %mul3A_104 : i32 to index
      %swap3A_106 = tpu.vector_load %arg7[%swap3A_105] {strides = array<i32>} : memref<8192xf32, #tpu.memory_space<vmem>>, vector<16xf32>,
      tpu.vector_store %arg7[%swap3A_105], %gather3A_102 {strides = array<i32>} : memref<8192xf32, #tpu.memory_space<vmem>>, vector<16xf32>,
      %scan3A_107 = arith.constant 5 : i32
      %scan3A_108 = arith.addi %scan3A_26, %scan3A_107 : i32
      %mul3A_109 = arith.constant 1 : i32
      %mul3A_110 = arith.muli %scan3A_108, %mul3A_109 : i32
      %add3A_111 = arith.constant 0 : i32
      %add3A_112 = arith.addi %add3A_111, %mul3A_110 : i32
      %mul3A_113 = arith.constant 16 : i32
      %mul3A_114 = arith.muli %add3A_112, %mul3A_113 : i32
      %add3A_115 = arith.constant 8192 : i32
      %add3A_116 = arith.addi %add3A_115, %mul3A_114 : i32
      %get3A_117 = arith.index_cast %add3A_116 : i32 to index
      %get3A_118 = tpu.vector_load %arg5[%get3A_117] {strides = array<i32>} : memref<16384xi32, #tpu.memory_space<vmem>>, vector<16xi32>,
      %gather3A_119 = tpu.vector_load_idx %arg6[%get3A_118] : memref<100000xf32, #tpu.memory_space<vmem>>[vector<16xi32>], vector<16xf32>,
      %mul3A_120 = arith.constant 16 : i32
      %mul3A_121 = arith.muli %add3A_112, %mul3A_120 : i32
      %swap3A_122 = arith.index_cast %mul3A_121 : i32 to index
      %swap3A_123 = tpu.vector_load %arg7[%swap3A_122] {strides = array<i32>} : memref<8192xf32, #tpu.memory_space<vmem>>, vector<16xf32>,
      tpu.vector_store %arg7[%swap3A_122], %gather3A_119 {strides = array<i32>} : memref<8192xf32, #tpu.memory_space<vmem>>, vector<16xf32>,
      %scan3A_124 = arith.constant 6 : i32
      %scan3A_125 = arith.addi %scan3A_26, %scan3A_124 : i32
      %mul3A_126 = arith.constant 1 : i32
      %mul3A_127 = arith.muli %scan3A_125, %mul3A_126 : i32
      %add3A_128 = arith.constant 0 : i32
      %add3A_129 = arith.addi %add3A_128, %mul3A_127 : i32
      %mul3A_130 = arith.constant 16 : i32
      %mul3A_131 = arith.muli %add3A_129, %mul3A_130 : i32
      %add3A_132 = arith.constant 8192 : i32
      %add3A_133 = arith.addi %add3A_132, %mul3A_131 : i32
      %get3A_134 = arith.index_cast %add3A_133 : i32 to index
      %get3A_135 = tpu.vector_load %arg5[%get3A_134] {strides = array<i32>} : memref<16384xi32, #tpu.memory_space<vmem>>, vector<16xi32>,
      %gather3A_136 = tpu.vector_load_idx %arg6[%get3A_135] : memref<100000xf32, #tpu.memory_space<vmem>>[vector<16xi32>], vector<16xf32>,
      %mul3A_137 = arith.constant 16 : i32
      %mul3A_138 = arith.muli %add3A_129, %mul3A_137 : i32
      %swap3A_139 = arith.index_cast %mul3A_138 : i32 to index
      %swap3A_140 = tpu.vector_load %arg7[%swap3A_139] {strides = array<i32>} : memref<8192xf32, #tpu.memory_space<vmem>>, vector<16xf32>,
      tpu.vector_store %arg7[%swap3A_139], %gather3A_136 {strides = array<i32>} : memref<8192xf32, #tpu.memory_space<vmem>>, vector<16xf32>,
      %scan3A_141 = arith.constant 7 : i32
      %scan3A_142 = arith.addi %scan3A_26, %scan3A_141 : i32
      %mul3A_143 = arith.constant 1 : i32
      %mul3A_144 = arith.muli %scan3A_142, %mul3A_143 : i32
      %add3A_145 = arith.constant 0 : i32
      %add3A_146 = arith.addi %add3A_145, %mul3A_144 : i32
      %mul3A_147 = arith.constant 16 : i32
      %mul3A_148 = arith.muli %add3A_146, %mul3A_147 : i32
      %add3A_149 = arith.constant 8192 : i32
      %add3A_150 = arith.addi %add3A_149, %mul3A_148 : i32
      %get3A_151 = arith.index_cast %add3A_150 : i32 to index
      %get3A_152 = tpu.vector_load %arg5[%get3A_151] {strides = array<i32>} : memref<16384xi32, #tpu.memory_space<vmem>>, vector<16xi32>,
      %gather3A_153 = tpu.vector_load_idx %arg6[%get3A_152] : memref<100000xf32, #tpu.memory_space<vmem>>[vector<16xi32>], vector<16xf32>,
      %mul3A_154 = arith.constant 16 : i32
      %mul3A_155 = arith.muli %add3A_146, %mul3A_154 : i32
      %swap3A_156 = arith.index_cast %mul3A_155 : i32 to index
      %swap3A_157 = tpu.vector_load %arg7[%swap3A_156] {strides = array<i32>} : memref<8192xf32, #tpu.memory_space<vmem>>, vector<16xf32>,
      tpu.vector_store %arg7[%swap3A_156], %gather3A_153 {strides = array<i32>} : memref<8192xf32, #tpu.memory_space<vmem>>, vector<16xf32>,
    }
    %scan3A_25 = arith.constant 512 : i32
    "tpu.region"() ({
      %run_scoped3A = tpu.sem_alloc : memref<!tpu.dma_semaphore, #tpu.memory_space<semaphore_mem>>
      %dma_start3A = arith.constant 8192 : i32
      %dma_start3A_26 = tpu.memref_slice %arg4[%add3A_15, %dma_start3A] : memref<64x16384xf32, #tpu.memory_space<hbm>> -> memref<1x8192xf32, #tpu.memory_space<hbm>>
      %dma_start3A_27 = tpu.memref_squeeze %dma_start3A_26 : memref<1x8192xf32, #tpu.memory_space<hbm>> -> memref<8192xf32, #tpu.memory_space<hbm>>
      %dma_start3A_28 = arith.constant 8192 : i32
      %dma_start3A_29 = tpu.memref_slice %arg4[%add3A_15, %dma_start3A_28] : memref<64x16384xf32, #tpu.memory_space<hbm>> -> memref<1x8192xf32, #tpu.memory_space<hbm>>
      %dma_start3A_30 = tpu.memref_squeeze %dma_start3A_29 : memref<1x8192xf32, #tpu.memory_space<hbm>> -> memref<8192xf32, #tpu.memory_space<hbm>>
      tpu.enqueue_dma source(%arg7 : memref<8192xf32, #tpu.memory_space<vmem>>) target(%dma_start3A_30 : memref<8192xf32, #tpu.memory_space<hbm>>) target_semaphore(%run_scoped3A : memref<!tpu.dma_semaphore, #tpu.memory_space<semaphore_mem>>)
      %dma_wait3A = arith.constant 8192 : i32
      %dma_wait3A_31 = tpu.memref_slice %arg4[%add3A_15, %dma_wait3A] : memref<64x16384xf32, #tpu.memory_space<hbm>> -> memref<1x8192xf32, #tpu.memory_space<hbm>>
      %dma_wait3A_32 = tpu.memref_squeeze %dma_wait3A_31 : memref<1x8192xf32, #tpu.memory_space<hbm>> -> memref<8192xf32, #tpu.memory_space<hbm>>
      %dma_wait3A_33 = arith.constant 8192 : i32
      %dma_wait3A_34 = tpu.memref_slice %arg4[%add3A_15, %dma_wait3A_33] : memref<64x16384xf32, #tpu.memory_space<hbm>> -> memref<1x8192xf32, #tpu.memory_space<hbm>>
      %dma_wait3A_35 = tpu.memref_squeeze %dma_wait3A_34 : memref<1x8192xf32, #tpu.memory_space<hbm>> -> memref<8192xf32, #tpu.memory_space<hbm>>
      tpu.wait_dma2 semaphore(%run_scoped3A : memref<!tpu.dma_semaphore, #tpu.memory_space<semaphore_mem>>) src(%arg7 : memref<8192xf32, #tpu.memory_space<vmem>>) dst(%dma_wait3A_35 : memref<8192xf32, #tpu.memory_space<hbm>>)
      tpu.yield
    }) : () -> ()
    return
  }
}

#map = affine_map<(d0, d1) -> (0)>
#map1 = affine_map<(d0, d1) -> (0, 0)>
module attributes {stable_mosaic.version = 14 : i64} {
  func.func @_sc_small_body(%arg0: i32, %arg1: i32, %arg2: memref<16384xi32, #tpu.memory_space<hbm>>, %arg3: memref<16384xi32, #tpu.memory_space<hbm>>, %arg4: memref<16384xi32, #tpu.memory_space<hbm>>, %arg5: memref<1000x32xf32, #tpu.memory_space<hbm>>, %arg6: memref<100x16xf32, #tpu.memory_space<hbm>>, %arg7: memref<1000x32xf32, #tpu.memory_space<hbm>>, %arg8: memref<16384x32xf32, #tpu.memory_space<hbm>>, %arg9: memref<16384x16xf32, #tpu.memory_space<hbm>>, %arg10: memref<16384x32xf32, #tpu.memory_space<hbm>>, %arg11: memref<512xi32, #tpu.memory_space<vmem>>, %arg12: memref<512xi32, #tpu.memory_space<vmem>>, %arg13: memref<512xi32, #tpu.memory_space<vmem>>, %arg14: memref<512x32xf32, #tpu.memory_space<vmem>>, %arg15: memref<512x16xf32, #tpu.memory_space<vmem>>, %arg16: memref<512x32xf32, #tpu.memory_space<vmem>>, %arg17: memref<!tpu.dma_semaphore, #tpu.memory_space<semaphore_mem>>) attributes {dimension_semantics = [#tpu.dimension_semantics<core_parallel>, #tpu.dimension_semantics<subcore_parallel>], iteration_bounds = array<i64: 2, 16>, scalar_prefetch = 0 : i64, scratch_operands = 7 : i64, tpu.core_type = #tpu.core_type<sc_vector_subcore>, window_params = [{transform_indices = #map}, {transform_indices = #map}, {transform_indices = #map}, {transform_indices = #map1}, {transform_indices = #map1}, {transform_indices = #map1}, {transform_indices = #map1}, {transform_indices = #map1}, {transform_indices = #map1}]} {
    %mul3A = arith.constant 2 : i32
    %mul3A_0 = arith.muli %arg1, %mul3A : i32
    %add3A = arith.addi %mul3A_0, %arg0 : i32
    %mul3A_1 = arith.constant 512 : i32
    %mul3A_2 = arith.muli %add3A, %mul3A_1 : i32
    "tpu.region"() ({
      %run_scoped3A = tpu.sem_alloc : memref<!tpu.dma_semaphore, #tpu.memory_space<semaphore_mem>>
      %dma_start3A_19 = tpu.memref_slice %arg2[%mul3A_2] : memref<16384xi32, #tpu.memory_space<hbm>> -> memref<512xi32, #tpu.memory_space<hbm>>
      %dma_start3A_20 = tpu.memref_slice %arg2[%mul3A_2] : memref<16384xi32, #tpu.memory_space<hbm>> -> memref<512xi32, #tpu.memory_space<hbm>>
      tpu.enqueue_dma source(%dma_start3A_20 : memref<512xi32, #tpu.memory_space<hbm>>) target(%arg11 : memref<512xi32, #tpu.memory_space<vmem>>) target_semaphore(%run_scoped3A : memref<!tpu.dma_semaphore, #tpu.memory_space<semaphore_mem>>)
      %dma_wait3A_21 = tpu.memref_slice %arg2[%mul3A_2] : memref<16384xi32, #tpu.memory_space<hbm>> -> memref<512xi32, #tpu.memory_space<hbm>>
      %dma_wait3A_22 = tpu.memref_slice %arg2[%mul3A_2] : memref<16384xi32, #tpu.memory_space<hbm>> -> memref<512xi32, #tpu.memory_space<hbm>>
      tpu.wait_dma2 semaphore(%run_scoped3A : memref<!tpu.dma_semaphore, #tpu.memory_space<semaphore_mem>>) src(%dma_wait3A_22 : memref<512xi32, #tpu.memory_space<hbm>>) dst(%arg11 : memref<512xi32, #tpu.memory_space<vmem>>)
      tpu.yield
    }) : () -> ()
    "tpu.region"() ({
      %run_scoped3A = tpu.sem_alloc : memref<!tpu.dma_semaphore, #tpu.memory_space<semaphore_mem>>
      %dma_start3A_19 = tpu.memref_slice %arg3[%mul3A_2] : memref<16384xi32, #tpu.memory_space<hbm>> -> memref<512xi32, #tpu.memory_space<hbm>>
      %dma_start3A_20 = tpu.memref_slice %arg3[%mul3A_2] : memref<16384xi32, #tpu.memory_space<hbm>> -> memref<512xi32, #tpu.memory_space<hbm>>
      tpu.enqueue_dma source(%dma_start3A_20 : memref<512xi32, #tpu.memory_space<hbm>>) target(%arg12 : memref<512xi32, #tpu.memory_space<vmem>>) target_semaphore(%run_scoped3A : memref<!tpu.dma_semaphore, #tpu.memory_space<semaphore_mem>>)
      %dma_wait3A_21 = tpu.memref_slice %arg3[%mul3A_2] : memref<16384xi32, #tpu.memory_space<hbm>> -> memref<512xi32, #tpu.memory_space<hbm>>
      %dma_wait3A_22 = tpu.memref_slice %arg3[%mul3A_2] : memref<16384xi32, #tpu.memory_space<hbm>> -> memref<512xi32, #tpu.memory_space<hbm>>
      tpu.wait_dma2 semaphore(%run_scoped3A : memref<!tpu.dma_semaphore, #tpu.memory_space<semaphore_mem>>) src(%dma_wait3A_22 : memref<512xi32, #tpu.memory_space<hbm>>) dst(%arg12 : memref<512xi32, #tpu.memory_space<vmem>>)
      tpu.yield
    }) : () -> ()
    "tpu.region"() ({
      %run_scoped3A = tpu.sem_alloc : memref<!tpu.dma_semaphore, #tpu.memory_space<semaphore_mem>>
      %dma_start3A_19 = tpu.memref_slice %arg4[%mul3A_2] : memref<16384xi32, #tpu.memory_space<hbm>> -> memref<512xi32, #tpu.memory_space<hbm>>
      %dma_start3A_20 = tpu.memref_slice %arg4[%mul3A_2] : memref<16384xi32, #tpu.memory_space<hbm>> -> memref<512xi32, #tpu.memory_space<hbm>>
      tpu.enqueue_dma source(%dma_start3A_20 : memref<512xi32, #tpu.memory_space<hbm>>) target(%arg13 : memref<512xi32, #tpu.memory_space<vmem>>) target_semaphore(%run_scoped3A : memref<!tpu.dma_semaphore, #tpu.memory_space<semaphore_mem>>)
      %dma_wait3A_21 = tpu.memref_slice %arg4[%mul3A_2] : memref<16384xi32, #tpu.memory_space<hbm>> -> memref<512xi32, #tpu.memory_space<hbm>>
      %dma_wait3A_22 = tpu.memref_slice %arg4[%mul3A_2] : memref<16384xi32, #tpu.memory_space<hbm>> -> memref<512xi32, #tpu.memory_space<hbm>>
      tpu.wait_dma2 semaphore(%run_scoped3A : memref<!tpu.dma_semaphore, #tpu.memory_space<semaphore_mem>>) src(%dma_wait3A_22 : memref<512xi32, #tpu.memory_space<hbm>>) dst(%arg13 : memref<512xi32, #tpu.memory_space<vmem>>)
      tpu.yield
    }) : () -> ()
    %dma_start3A = arith.constant 0 : i32
    %dma_start3A_3 = arith.constant 0 : i32
    %dma_start3A_4 = tpu.memref_slice %arg5[%dma_start3A, %dma_start3A_3] : memref<1000x32xf32, #tpu.memory_space<hbm>> -> memref<1000x32xf32, #tpu.memory_space<hbm>>
    tpu.enqueue_indirect_dma source(%dma_start3A_4 : memref<1000x32xf32, #tpu.memory_space<hbm>>) target(%arg14 : memref<512x32xf32, #tpu.memory_space<vmem>>) offsets(%arg11 : memref<512xi32, #tpu.memory_space<vmem>>) semaphore(%arg17 : memref<!tpu.dma_semaphore, #tpu.memory_space<semaphore_mem>>)
    %dma_start3A_5 = arith.constant 0 : i32
    %dma_start3A_6 = arith.constant 0 : i32
    %dma_start3A_7 = tpu.memref_slice %arg6[%dma_start3A_5, %dma_start3A_6] : memref<100x16xf32, #tpu.memory_space<hbm>> -> memref<100x16xf32, #tpu.memory_space<hbm>>
    tpu.enqueue_indirect_dma source(%dma_start3A_7 : memref<100x16xf32, #tpu.memory_space<hbm>>) target(%arg15 : memref<512x16xf32, #tpu.memory_space<vmem>>) offsets(%arg12 : memref<512xi32, #tpu.memory_space<vmem>>) semaphore(%arg17 : memref<!tpu.dma_semaphore, #tpu.memory_space<semaphore_mem>>)
    %dma_start3A_8 = arith.constant 0 : i32
    %dma_start3A_9 = arith.constant 0 : i32
    %dma_start3A_10 = tpu.memref_slice %arg7[%dma_start3A_8, %dma_start3A_9] : memref<1000x32xf32, #tpu.memory_space<hbm>> -> memref<1000x32xf32, #tpu.memory_space<hbm>>
    tpu.enqueue_indirect_dma source(%dma_start3A_10 : memref<1000x32xf32, #tpu.memory_space<hbm>>) target(%arg16 : memref<512x32xf32, #tpu.memory_space<vmem>>) offsets(%arg13 : memref<512xi32, #tpu.memory_space<vmem>>) semaphore(%arg17 : memref<!tpu.dma_semaphore, #tpu.memory_space<semaphore_mem>>)
    %dma_wait3A = arith.constant 0 : i32
    %dma_wait3A_11 = arith.constant 0 : i32
    %dma_wait3A_12 = tpu.memref_slice %arg5[%dma_wait3A, %dma_wait3A_11] : memref<1000x32xf32, #tpu.memory_space<hbm>> -> memref<1000x32xf32, #tpu.memory_space<hbm>>
    tpu.wait_indirect_dma semaphore(%arg17 : memref<!tpu.dma_semaphore, #tpu.memory_space<semaphore_mem>>) src(%dma_wait3A_12 : memref<1000x32xf32, #tpu.memory_space<hbm>>) dst(%arg14 : memref<512x32xf32, #tpu.memory_space<vmem>>)
    %dma_wait3A_13 = arith.constant 0 : i32
    %dma_wait3A_14 = arith.constant 0 : i32
    %dma_wait3A_15 = tpu.memref_slice %arg6[%dma_wait3A_13, %dma_wait3A_14] : memref<100x16xf32, #tpu.memory_space<hbm>> -> memref<100x16xf32, #tpu.memory_space<hbm>>
    tpu.wait_indirect_dma semaphore(%arg17 : memref<!tpu.dma_semaphore, #tpu.memory_space<semaphore_mem>>) src(%dma_wait3A_15 : memref<100x16xf32, #tpu.memory_space<hbm>>) dst(%arg15 : memref<512x16xf32, #tpu.memory_space<vmem>>)
    %dma_wait3A_16 = arith.constant 0 : i32
    %dma_wait3A_17 = arith.constant 0 : i32
    %dma_wait3A_18 = tpu.memref_slice %arg7[%dma_wait3A_16, %dma_wait3A_17] : memref<1000x32xf32, #tpu.memory_space<hbm>> -> memref<1000x32xf32, #tpu.memory_space<hbm>>
    tpu.wait_indirect_dma semaphore(%arg17 : memref<!tpu.dma_semaphore, #tpu.memory_space<semaphore_mem>>) src(%dma_wait3A_18 : memref<1000x32xf32, #tpu.memory_space<hbm>>) dst(%arg16 : memref<512x32xf32, #tpu.memory_space<vmem>>)
    "tpu.region"() ({
      %run_scoped3A = tpu.sem_alloc : memref<!tpu.dma_semaphore, #tpu.memory_space<semaphore_mem>>
      %dma_start3A_19 = arith.constant 0 : i32
      %dma_start3A_20 = tpu.memref_slice %arg8[%mul3A_2, %dma_start3A_19] : memref<16384x32xf32, #tpu.memory_space<hbm>> -> memref<512x32xf32, #tpu.memory_space<hbm>>
      %dma_start3A_21 = arith.constant 0 : i32
      %dma_start3A_22 = tpu.memref_slice %arg8[%mul3A_2, %dma_start3A_21] : memref<16384x32xf32, #tpu.memory_space<hbm>> -> memref<512x32xf32, #tpu.memory_space<hbm>>
      tpu.enqueue_dma source(%arg14 : memref<512x32xf32, #tpu.memory_space<vmem>>) target(%dma_start3A_22 : memref<512x32xf32, #tpu.memory_space<hbm>>) target_semaphore(%run_scoped3A : memref<!tpu.dma_semaphore, #tpu.memory_space<semaphore_mem>>)
      %dma_wait3A_23 = arith.constant 0 : i32
      %dma_wait3A_24 = tpu.memref_slice %arg8[%mul3A_2, %dma_wait3A_23] : memref<16384x32xf32, #tpu.memory_space<hbm>> -> memref<512x32xf32, #tpu.memory_space<hbm>>
      %dma_wait3A_25 = arith.constant 0 : i32
      %dma_wait3A_26 = tpu.memref_slice %arg8[%mul3A_2, %dma_wait3A_25] : memref<16384x32xf32, #tpu.memory_space<hbm>> -> memref<512x32xf32, #tpu.memory_space<hbm>>
      tpu.wait_dma2 semaphore(%run_scoped3A : memref<!tpu.dma_semaphore, #tpu.memory_space<semaphore_mem>>) src(%arg14 : memref<512x32xf32, #tpu.memory_space<vmem>>) dst(%dma_wait3A_26 : memref<512x32xf32, #tpu.memory_space<hbm>>)
      tpu.yield
    }) : () -> ()
    "tpu.region"() ({
      %run_scoped3A = tpu.sem_alloc : memref<!tpu.dma_semaphore, #tpu.memory_space<semaphore_mem>>
      %dma_start3A_19 = arith.constant 0 : i32
      %dma_start3A_20 = tpu.memref_slice %arg9[%mul3A_2, %dma_start3A_19] : memref<16384x16xf32, #tpu.memory_space<hbm>> -> memref<512x16xf32, #tpu.memory_space<hbm>>
      %dma_start3A_21 = arith.constant 0 : i32
      %dma_start3A_22 = tpu.memref_slice %arg9[%mul3A_2, %dma_start3A_21] : memref<16384x16xf32, #tpu.memory_space<hbm>> -> memref<512x16xf32, #tpu.memory_space<hbm>>
      tpu.enqueue_dma source(%arg15 : memref<512x16xf32, #tpu.memory_space<vmem>>) target(%dma_start3A_22 : memref<512x16xf32, #tpu.memory_space<hbm>>) target_semaphore(%run_scoped3A : memref<!tpu.dma_semaphore, #tpu.memory_space<semaphore_mem>>)
      %dma_wait3A_23 = arith.constant 0 : i32
      %dma_wait3A_24 = tpu.memref_slice %arg9[%mul3A_2, %dma_wait3A_23] : memref<16384x16xf32, #tpu.memory_space<hbm>> -> memref<512x16xf32, #tpu.memory_space<hbm>>
      %dma_wait3A_25 = arith.constant 0 : i32
      %dma_wait3A_26 = tpu.memref_slice %arg9[%mul3A_2, %dma_wait3A_25] : memref<16384x16xf32, #tpu.memory_space<hbm>> -> memref<512x16xf32, #tpu.memory_space<hbm>>
      tpu.wait_dma2 semaphore(%run_scoped3A : memref<!tpu.dma_semaphore, #tpu.memory_space<semaphore_mem>>) src(%arg15 : memref<512x16xf32, #tpu.memory_space<vmem>>) dst(%dma_wait3A_26 : memref<512x16xf32, #tpu.memory_space<hbm>>)
      tpu.yield
    }) : () -> ()
    "tpu.region"() ({
      %run_scoped3A = tpu.sem_alloc : memref<!tpu.dma_semaphore, #tpu.memory_space<semaphore_mem>>
      %dma_start3A_19 = arith.constant 0 : i32
      %dma_start3A_20 = tpu.memref_slice %arg10[%mul3A_2, %dma_start3A_19] : memref<16384x32xf32, #tpu.memory_space<hbm>> -> memref<512x32xf32, #tpu.memory_space<hbm>>
      %dma_start3A_21 = arith.constant 0 : i32
      %dma_start3A_22 = tpu.memref_slice %arg10[%mul3A_2, %dma_start3A_21] : memref<16384x32xf32, #tpu.memory_space<hbm>> -> memref<512x32xf32, #tpu.memory_space<hbm>>
      tpu.enqueue_dma source(%arg16 : memref<512x32xf32, #tpu.memory_space<vmem>>) target(%dma_start3A_22 : memref<512x32xf32, #tpu.memory_space<hbm>>) target_semaphore(%run_scoped3A : memref<!tpu.dma_semaphore, #tpu.memory_space<semaphore_mem>>)
      %dma_wait3A_23 = arith.constant 0 : i32
      %dma_wait3A_24 = tpu.memref_slice %arg10[%mul3A_2, %dma_wait3A_23] : memref<16384x32xf32, #tpu.memory_space<hbm>> -> memref<512x32xf32, #tpu.memory_space<hbm>>
      %dma_wait3A_25 = arith.constant 0 : i32
      %dma_wait3A_26 = tpu.memref_slice %arg10[%mul3A_2, %dma_wait3A_25] : memref<16384x32xf32, #tpu.memory_space<hbm>> -> memref<512x32xf32, #tpu.memory_space<hbm>>
      tpu.wait_dma2 semaphore(%run_scoped3A : memref<!tpu.dma_semaphore, #tpu.memory_space<semaphore_mem>>) src(%arg16 : memref<512x32xf32, #tpu.memory_space<vmem>>) dst(%dma_wait3A_26 : memref<512x32xf32, #tpu.memory_space<hbm>>)
      tpu.yield
    }) : () -> ()
    return
  }
}

module attributes {stable_mosaic.version = 14 : i64} {
  func.func @_tc_que_body(%arg0: i32, %arg1: memref<64x4096xf32, #tpu.memory_space<vmem>>, %arg2: memref<4096x32xf32, #tpu.memory_space<vmem>>, %arg3: memref<4096x16xf32, #tpu.memory_space<vmem>>, %arg4: memref<40x4096xf32, #tpu.memory_space<vmem>>, %arg5: memref<145x256xf32, #tpu.memory_space<vmem>>, %arg6: memref<40x256xf32, #tpu.memory_space<vmem>>, %arg7: memref<1x256xf32, #tpu.memory_space<vmem>>, %arg8: memref<256x64xf32, #tpu.memory_space<vmem>>, %arg9: memref<1x64xf32, #tpu.memory_space<vmem>>, %arg10: memref<4096x64xf32, #tpu.memory_space<vmem>>) attributes {dimension_semantics = [#tpu.dimension_semantics<arbitrary>], iteration_bounds = array<i64: 4>, scalar_prefetch = 0 : i64, scratch_operands = 0 : i64, tpu.core_type = #tpu.core_type<tc>, window_params = [{transform_indices = @transform_0, window_bounds = array<i64: 64, 4096>}, {transform_indices = @transform_1, window_bounds = array<i64: 4096, 32>}, {transform_indices = @transform_2, window_bounds = array<i64: 4096, 16>}, {transform_indices = @transform_3, window_bounds = array<i64: 40, 4096>}, {pipeline_mode = #tpu.pipeline_mode<synchronous>, transform_indices = @transform_4, window_bounds = array<i64: 145, 256>}, {pipeline_mode = #tpu.pipeline_mode<synchronous>, transform_indices = @transform_5, window_bounds = array<i64: 40, 256>}, {pipeline_mode = #tpu.pipeline_mode<synchronous>, transform_indices = @transform_6, window_bounds = array<i64: 1, 256>}, {pipeline_mode = #tpu.pipeline_mode<synchronous>, transform_indices = @transform_7, window_bounds = array<i64: 256, 64>}, {pipeline_mode = #tpu.pipeline_mode<synchronous>, transform_indices = @transform_8, window_bounds = array<i64: 1, 64>}, {transform_indices = @transform_9, window_bounds = array<i64: 4096, 64>}]} {
    %get3A = arith.constant 0 : index
    %get3A_0 = arith.constant 0 : index
    %get3A_1 = vector.load %arg1[%get3A, %get3A_0] : memref<64x4096xf32, #tpu.memory_space<vmem>>, vector<64x4096xf32>
    %get3A_2 = arith.constant 0 : index
    %get3A_3 = arith.constant 0 : index
    %get3A_4 = vector.load %arg5[%get3A_2, %get3A_3] : memref<145x256xf32, #tpu.memory_space<vmem>>, vector<64x256xf32>
    %dot_general3A = arith.constant dense<0.000000e+00> : vector<4096x256xf32>
    %dot_general3A_5 = tpu.matmul %get3A_1, %get3A_4, %dot_general3A {dimension_numbers = #tpu.dot_dimension_numbers<[0], [0], [1], [1], [0, 1, 1, 1], [], []>, transpose_lhs_hint = false} : vector<64x4096xf32>, vector<64x256xf32>, vector<4096x256xf32> -> vector<4096x256xf32>
    %get3A_6 = arith.constant 0 : index
    %get3A_7 = arith.constant 0 : index
    %get3A_8 = vector.load %arg2[%get3A_6, %get3A_7] : memref<4096x32xf32, #tpu.memory_space<vmem>>, vector<4096x32xf32>
    %get3A_9 = arith.constant 64 : index
    %get3A_10 = arith.constant 0 : index
    %get3A_11 = vector.load %arg5[%get3A_9, %get3A_10] : memref<145x256xf32, #tpu.memory_space<vmem>>, vector<32x256xf32>
    %dot_general3A_12 = arith.constant dense<0.000000e+00> : vector<4096x256xf32>
    %dot_general3A_13 = tpu.matmul %get3A_8, %get3A_11, %dot_general3A_12 {dimension_numbers = #tpu.dot_dimension_numbers<[1], [0], [0], [1], [0, 0, 1, 1], [], []>, transpose_lhs_hint = false} : vector<4096x32xf32>, vector<32x256xf32>, vector<4096x256xf32> -> vector<4096x256xf32>
    %add3A = arith.addf %dot_general3A_5, %dot_general3A_13 : vector<4096x256xf32>
    %get3A_14 = arith.constant 0 : index
    %get3A_15 = arith.constant 0 : index
    %get3A_16 = vector.load %arg3[%get3A_14, %get3A_15] : memref<4096x16xf32, #tpu.memory_space<vmem>>, vector<4096x16xf32>
    %get3A_17 = arith.constant 96 : index
    %get3A_18 = arith.constant 0 : index
    %get3A_19 = vector.load %arg5[%get3A_17, %get3A_18] : memref<145x256xf32, #tpu.memory_space<vmem>>, vector<16x256xf32>
    %dot_general3A_20 = arith.constant dense<0.000000e+00> : vector<4096x256xf32>
    %dot_general3A_21 = tpu.matmul %get3A_16, %get3A_19, %dot_general3A_20 {dimension_numbers = #tpu.dot_dimension_numbers<[1], [0], [0], [1], [0, 0, 1, 1], [], []>, transpose_lhs_hint = false} : vector<4096x16xf32>, vector<16x256xf32>, vector<4096x256xf32> -> vector<4096x256xf32>
    %add3A_22 = arith.addf %add3A, %dot_general3A_21 : vector<4096x256xf32>
    %get3A_23 = arith.constant 0 : index
    %get3A_24 = arith.constant 0 : index
    %get3A_25 = vector.load %arg4[%get3A_23, %get3A_24] : memref<40x4096xf32, #tpu.memory_space<vmem>>, vector<40x4096xf32>
    %get3A_26 = arith.constant 0 : index
    %get3A_27 = arith.constant 0 : index
    %get3A_28 = vector.load %arg6[%get3A_26, %get3A_27] : memref<40x256xf32, #tpu.memory_space<vmem>>, vector<40x256xf32>
    %dot_general3A_29 = arith.constant dense<0.000000e+00> : vector<4096x256xf32>
    %dot_general3A_30 = tpu.matmul %get3A_25, %get3A_28, %dot_general3A_29 {dimension_numbers = #tpu.dot_dimension_numbers<[0], [0], [1], [1], [0, 1, 1, 1], [], []>, transpose_lhs_hint = false} : vector<40x4096xf32>, vector<40x256xf32>, vector<4096x256xf32> -> vector<4096x256xf32>
    %add3A_31 = arith.addf %add3A_22, %dot_general3A_30 : vector<4096x256xf32>
    %get3A_32 = arith.constant 0 : index
    %get3A_33 = arith.constant 0 : index
    %get3A_34 = vector.load %arg7[%get3A_32, %get3A_33] : memref<1x256xf32, #tpu.memory_space<vmem>>, vector<1x256xf32>
    %add3A_35 = vector.broadcast %get3A_34 : vector<1x256xf32> to vector<4096x256xf32>
    %add3A_36 = arith.addf %add3A_31, %add3A_35 : vector<4096x256xf32>
    %tanh3A = math.tanh %add3A_36 : vector<4096x256xf32>
    %get3A_37 = arith.constant 0 : index
    %get3A_38 = arith.constant 0 : index
    %get3A_39 = vector.load %arg8[%get3A_37, %get3A_38] : memref<256x64xf32, #tpu.memory_space<vmem>>, vector<256x64xf32>
    %dot_general3A_40 = arith.constant dense<0.000000e+00> : vector<4096x64xf32>
    %dot_general3A_41 = tpu.matmul %tanh3A, %get3A_39, %dot_general3A_40 {dimension_numbers = #tpu.dot_dimension_numbers<[1], [0], [0], [1], [0, 0, 1, 1], [], []>, transpose_lhs_hint = false} : vector<4096x256xf32>, vector<256x64xf32>, vector<4096x64xf32> -> vector<4096x64xf32>
    %get3A_42 = arith.constant 0 : index
    %get3A_43 = arith.constant 0 : index
    %get3A_44 = vector.load %arg9[%get3A_42, %get3A_43] : memref<1x64xf32, #tpu.memory_space<vmem>>, vector<1x64xf32>
    %add3A_45 = vector.broadcast %get3A_44 : vector<1x64xf32> to vector<4096x64xf32>
    %add3A_46 = arith.addf %dot_general3A_41, %add3A_45 : vector<4096x64xf32>
    %swap3A = arith.constant 0 : index
    %swap3A_47 = arith.constant 0 : index
    %swap3A_48 = vector.load %arg10[%swap3A, %swap3A_47] : memref<4096x64xf32, #tpu.memory_space<vmem>>, vector<4096x64xf32>
    tpu.vector_store %arg10[%swap3A, %swap3A_47], %add3A_46 {strides = array<i32>} : memref<4096x64xf32, #tpu.memory_space<vmem>>, vector<4096x64xf32>,
    return
  }
  func.func @transform_0(%arg0: i32) -> (i32, i32) {
    %c0_i32 = arith.constant 0 : i32
    %c0_i32_0 = arith.constant 0 : i32
    return %c0_i32, %arg0 : i32, i32
  }
  func.func @transform_1(%arg0: i32) -> (i32, i32) {
    %c0_i32 = arith.constant 0 : i32
    %c0_i32_0 = arith.constant 0 : i32
    return %arg0, %c0_i32 : i32, i32
  }
  func.func @transform_2(%arg0: i32) -> (i32, i32) {
    %c0_i32 = arith.constant 0 : i32
    %c0_i32_0 = arith.constant 0 : i32
    return %arg0, %c0_i32 : i32, i32
  }
  func.func @transform_3(%arg0: i32) -> (i32, i32) {
    %c0_i32 = arith.constant 0 : i32
    %c0_i32_0 = arith.constant 0 : i32
    return %c0_i32, %arg0 : i32, i32
  }
  func.func @transform_4(%arg0: i32) -> (i32, i32) {
    %c0_i32 = arith.constant 0 : i32
    %c0_i32_0 = arith.constant 0 : i32
    %c0_i32_1 = arith.constant 0 : i32
    return %c0_i32, %c0_i32_0 : i32, i32
  }
  func.func @transform_5(%arg0: i32) -> (i32, i32) {
    %c0_i32 = arith.constant 0 : i32
    %c0_i32_0 = arith.constant 0 : i32
    %c0_i32_1 = arith.constant 0 : i32
    return %c0_i32, %c0_i32_0 : i32, i32
  }
  func.func @transform_6(%arg0: i32) -> (i32, i32) {
    %c0_i32 = arith.constant 0 : i32
    %c0_i32_0 = arith.constant 0 : i32
    %c0_i32_1 = arith.constant 0 : i32
    return %c0_i32, %c0_i32_0 : i32, i32
  }
  func.func @transform_7(%arg0: i32) -> (i32, i32) {
    %c0_i32 = arith.constant 0 : i32
    %c0_i32_0 = arith.constant 0 : i32
    %c0_i32_1 = arith.constant 0 : i32
    return %c0_i32, %c0_i32_0 : i32, i32
  }
  func.func @transform_8(%arg0: i32) -> (i32, i32) {
    %c0_i32 = arith.constant 0 : i32
    %c0_i32_0 = arith.constant 0 : i32
    %c0_i32_1 = arith.constant 0 : i32
    return %c0_i32, %c0_i32_0 : i32, i32
  }
  func.func @transform_9(%arg0: i32) -> (i32, i32) {
    %c0_i32 = arith.constant 0 : i32
    %c0_i32_0 = arith.constant 0 : i32
    return %arg0, %c0_i32 : i32, i32
  }
}

module attributes {stable_mosaic.version = 14 : i64} {
  func.func @_tc_pro_body(%arg0: i32, %arg1: memref<64x4096xf32, #tpu.memory_space<vmem>>, %arg2: memref<4096x32xf32, #tpu.memory_space<vmem>>, %arg3: memref<30x4096xf32, #tpu.memory_space<vmem>>, %arg4: memref<4096x64xf32, #tpu.memory_space<vmem>>, %arg5: memref<122x256xf32, #tpu.memory_space<vmem>>, %arg6: memref<30x256xf32, #tpu.memory_space<vmem>>, %arg7: memref<1x256xf32, #tpu.memory_space<vmem>>, %arg8: memref<256x64xf32, #tpu.memory_space<vmem>>, %arg9: memref<1x64xf32, #tpu.memory_space<vmem>>, %arg10: memref<4096x1xf32, #tpu.memory_space<vmem>>) attributes {dimension_semantics = [#tpu.dimension_semantics<arbitrary>], iteration_bounds = array<i64: 4>, scalar_prefetch = 0 : i64, scratch_operands = 0 : i64, tpu.core_type = #tpu.core_type<tc>, window_params = [{transform_indices = @transform_0, window_bounds = array<i64: 64, 4096>}, {transform_indices = @transform_1, window_bounds = array<i64: 4096, 32>}, {transform_indices = @transform_2, window_bounds = array<i64: 30, 4096>}, {transform_indices = @transform_3, window_bounds = array<i64: 4096, 64>}, {pipeline_mode = #tpu.pipeline_mode<synchronous>, transform_indices = @transform_4, window_bounds = array<i64: 122, 256>}, {pipeline_mode = #tpu.pipeline_mode<synchronous>, transform_indices = @transform_5, window_bounds = array<i64: 30, 256>}, {pipeline_mode = #tpu.pipeline_mode<synchronous>, transform_indices = @transform_6, window_bounds = array<i64: 1, 256>}, {pipeline_mode = #tpu.pipeline_mode<synchronous>, transform_indices = @transform_7, window_bounds = array<i64: 256, 64>}, {pipeline_mode = #tpu.pipeline_mode<synchronous>, transform_indices = @transform_8, window_bounds = array<i64: 1, 64>}, {transform_indices = @transform_9, window_bounds = array<i64: 4096, 1>}]} {
    %get3A = arith.constant 0 : index
    %get3A_0 = arith.constant 0 : index
    %get3A_1 = vector.load %arg1[%get3A, %get3A_0] : memref<64x4096xf32, #tpu.memory_space<vmem>>, vector<64x4096xf32>
    %get3A_2 = arith.constant 0 : index
    %get3A_3 = arith.constant 0 : index
    %get3A_4 = vector.load %arg5[%get3A_2, %get3A_3] : memref<122x256xf32, #tpu.memory_space<vmem>>, vector<64x256xf32>
    %dot_general3A = arith.constant dense<0.000000e+00> : vector<4096x256xf32>
    %dot_general3A_5 = tpu.matmul %get3A_1, %get3A_4, %dot_general3A {dimension_numbers = #tpu.dot_dimension_numbers<[0], [0], [1], [1], [0, 1, 1, 1], [], []>, transpose_lhs_hint = false} : vector<64x4096xf32>, vector<64x256xf32>, vector<4096x256xf32> -> vector<4096x256xf32>
    %get3A_6 = arith.constant 0 : index
    %get3A_7 = arith.constant 0 : index
    %get3A_8 = vector.load %arg2[%get3A_6, %get3A_7] : memref<4096x32xf32, #tpu.memory_space<vmem>>, vector<4096x32xf32>
    %get3A_9 = arith.constant 64 : index
    %get3A_10 = arith.constant 0 : index
    %get3A_11 = vector.load %arg5[%get3A_9, %get3A_10] : memref<122x256xf32, #tpu.memory_space<vmem>>, vector<32x256xf32>
    %dot_general3A_12 = arith.constant dense<0.000000e+00> : vector<4096x256xf32>
    %dot_general3A_13 = tpu.matmul %get3A_8, %get3A_11, %dot_general3A_12 {dimension_numbers = #tpu.dot_dimension_numbers<[1], [0], [0], [1], [0, 0, 1, 1], [], []>, transpose_lhs_hint = false} : vector<4096x32xf32>, vector<32x256xf32>, vector<4096x256xf32> -> vector<4096x256xf32>
    %add3A = arith.addf %dot_general3A_5, %dot_general3A_13 : vector<4096x256xf32>
    %get3A_14 = arith.constant 0 : index
    %get3A_15 = arith.constant 0 : index
    %get3A_16 = vector.load %arg3[%get3A_14, %get3A_15] : memref<30x4096xf32, #tpu.memory_space<vmem>>, vector<30x4096xf32>
    %get3A_17 = arith.constant 0 : index
    %get3A_18 = arith.constant 0 : index
    %get3A_19 = vector.load %arg6[%get3A_17, %get3A_18] : memref<30x256xf32, #tpu.memory_space<vmem>>, vector<30x256xf32>
    %dot_general3A_20 = arith.constant dense<0.000000e+00> : vector<4096x256xf32>
    %dot_general3A_21 = tpu.matmul %get3A_16, %get3A_19, %dot_general3A_20 {dimension_numbers = #tpu.dot_dimension_numbers<[0], [0], [1], [1], [0, 1, 1, 1], [], []>, transpose_lhs_hint = false} : vector<30x4096xf32>, vector<30x256xf32>, vector<4096x256xf32> -> vector<4096x256xf32>
    %add3A_22 = arith.addf %add3A, %dot_general3A_21 : vector<4096x256xf32>
    %get3A_23 = arith.constant 0 : index
    %get3A_24 = arith.constant 0 : index
    %get3A_25 = vector.load %arg7[%get3A_23, %get3A_24] : memref<1x256xf32, #tpu.memory_space<vmem>>, vector<1x256xf32>
    %add3A_26 = vector.broadcast %get3A_25 : vector<1x256xf32> to vector<4096x256xf32>
    %add3A_27 = arith.addf %add3A_22, %add3A_26 : vector<4096x256xf32>
    %tanh3A = math.tanh %add3A_27 : vector<4096x256xf32>
    %get3A_28 = arith.constant 0 : index
    %get3A_29 = arith.constant 0 : index
    %get3A_30 = vector.load %arg8[%get3A_28, %get3A_29] : memref<256x64xf32, #tpu.memory_space<vmem>>, vector<256x64xf32>
    %dot_general3A_31 = arith.constant dense<0.000000e+00> : vector<4096x64xf32>
    %dot_general3A_32 = tpu.matmul %tanh3A, %get3A_30, %dot_general3A_31 {dimension_numbers = #tpu.dot_dimension_numbers<[1], [0], [0], [1], [0, 0, 1, 1], [], []>, transpose_lhs_hint = false} : vector<4096x256xf32>, vector<256x64xf32>, vector<4096x64xf32> -> vector<4096x64xf32>
    %get3A_33 = arith.constant 0 : index
    %get3A_34 = arith.constant 0 : index
    %get3A_35 = vector.load %arg9[%get3A_33, %get3A_34] : memref<1x64xf32, #tpu.memory_space<vmem>>, vector<1x64xf32>
    %add3A_36 = vector.broadcast %get3A_35 : vector<1x64xf32> to vector<4096x64xf32>
    %add3A_37 = arith.addf %dot_general3A_32, %add3A_36 : vector<4096x64xf32>
    %get3A_38 = arith.constant 0 : index
    %get3A_39 = arith.constant 0 : index
    %get3A_40 = vector.load %arg4[%get3A_38, %get3A_39] : memref<4096x64xf32, #tpu.memory_space<vmem>>, vector<4096x64xf32>
    %sub3A = arith.subf %get3A_40, %add3A_37 : vector<4096x64xf32>
    %square3A = arith.mulf %sub3A, %sub3A : vector<4096x64xf32>
    %reduce_sum3A = arith.constant dense<0.000000e+00> : vector<4096xf32>
    %reduce_sum3A_41 = vector.multi_reduction <add>, %square3A, %reduce_sum3A [1] : vector<4096x64xf32> to vector<4096xf32>
    %broadcast_in_dim3A = vector.shape_cast %reduce_sum3A_41 : vector<4096xf32> to vector<4096x1xf32>
    %neg3A = arith.constant 0.000000e+00 : f32
    %neg3A_42 = vector.broadcast %neg3A : f32 to vector<4096x1xf32>
    %neg3A_43 = arith.subf %neg3A_42, %broadcast_in_dim3A : vector<4096x1xf32>
    %exp3A = math.exp %neg3A_43 : vector<4096x1xf32>
    %swap3A = arith.constant 0 : index
    %swap3A_44 = arith.constant 0 : index
    %swap3A_45 = vector.load %arg10[%swap3A, %swap3A_44] : memref<4096x1xf32, #tpu.memory_space<vmem>>, vector<4096x1xf32>
    tpu.vector_store %arg10[%swap3A, %swap3A_44], %exp3A {strides = array<i32>} : memref<4096x1xf32, #tpu.memory_space<vmem>>, vector<4096x1xf32>,
    return
  }
  func.func @transform_0(%arg0: i32) -> (i32, i32) {
    %c0_i32 = arith.constant 0 : i32
    %c0_i32_0 = arith.constant 0 : i32
    return %c0_i32, %arg0 : i32, i32
  }
  func.func @transform_1(%arg0: i32) -> (i32, i32) {
    %c0_i32 = arith.constant 0 : i32
    %c0_i32_0 = arith.constant 0 : i32
    return %arg0, %c0_i32 : i32, i32
  }
  func.func @transform_2(%arg0: i32) -> (i32, i32) {
    %c0_i32 = arith.constant 0 : i32
    %c0_i32_0 = arith.constant 0 : i32
    return %c0_i32, %arg0 : i32, i32
  }
  func.func @transform_3(%arg0: i32) -> (i32, i32) {
    %c0_i32 = arith.constant 0 : i32
    %c0_i32_0 = arith.constant 0 : i32
    return %arg0, %c0_i32 : i32, i32
  }
  func.func @transform_4(%arg0: i32) -> (i32, i32) {
    %c0_i32 = arith.constant 0 : i32
    %c0_i32_0 = arith.constant 0 : i32
    %c0_i32_1 = arith.constant 0 : i32
    return %c0_i32, %c0_i32_0 : i32, i32
  }
  func.func @transform_5(%arg0: i32) -> (i32, i32) {
    %c0_i32 = arith.constant 0 : i32
    %c0_i32_0 = arith.constant 0 : i32
    %c0_i32_1 = arith.constant 0 : i32
    return %c0_i32, %c0_i32_0 : i32, i32
  }
  func.func @transform_6(%arg0: i32) -> (i32, i32) {
    %c0_i32 = arith.constant 0 : i32
    %c0_i32_0 = arith.constant 0 : i32
    %c0_i32_1 = arith.constant 0 : i32
    return %c0_i32, %c0_i32_0 : i32, i32
  }
  func.func @transform_7(%arg0: i32) -> (i32, i32) {
    %c0_i32 = arith.constant 0 : i32
    %c0_i32_0 = arith.constant 0 : i32
    %c0_i32_1 = arith.constant 0 : i32
    return %c0_i32, %c0_i32_0 : i32, i32
  }
  func.func @transform_8(%arg0: i32) -> (i32, i32) {
    %c0_i32 = arith.constant 0 : i32
    %c0_i32_0 = arith.constant 0 : i32
    %c0_i32_1 = arith.constant 0 : i32
    return %c0_i32, %c0_i32_0 : i32, i32
  }
  func.func @transform_9(%arg0: i32) -> (i32, i32) {
    %c0_i32 = arith.constant 0 : i32
    %c0_i32_0 = arith.constant 0 : i32
    return %arg0, %c0_i32 : i32, i32
  }
}

</mosaic_0001>

<sc_bundles>
// kernel: kernel.10.cloned.1.call-start
scs
__scs_entry_jumppad:
0x0: {  	(pc) =	sbr.rel $0x88, $3  }
0x1: {  	(tag) =	ssettag $0x0;
	lr =	simm.s32 $0x1  }
0x2: {  	[smem:$0x3F92] =	sst lr;
	_ =	strace $0xD0000000  }
0x3: {  	_ = 	snop  }
0x4: {  	_ = 	snop  }
0x5: {  	_ = 	snop  }
0x6: {  	_ = 	snop  }
0x7: {  	_ = 	snop  }
__scs_overlays_trampoline_lowered:
0x8: {  	[smem:$0x3FA1] =	sst s0  }
0x9: {  	[smem:$0x3FA2] =	sst s1  }
0xa: {  	[smem:$0x3FA3] =	sst s2  }
0xb: {  	[smem:$0x3FA4] =	sst s3  }
0xc: {  	[smem:$0x3FA5] =	sst s4  }
0xd: {  	[smem:$0x3FA6] =	sst s5  }
0xe: {  	[smem:$0x3FA7] =	sst s6  }
0xf: {  	[smem:$0x3FA8] =	sst s7  }
0x10: {  	[smem:$0x3FA9] =	sst s8  }
0x11: {  	[smem:$0x3FAA] =	sst s9;
	s0 =	simm.s32 @!p0 $0x0  }
0x12: {  	s1 =	sld [smem:$0x3F90];
	s0 =	simm.s32 @p0 $0x1  }
0x13: {  	[smem:$0x3FAB] =	sst s0;
	s0 =	simm.s32 @!p1 $0x0  }
0x14: {  	s2 =	sld [smem:$0x3F8F];
	s0 =	simm.s32 @p1 $0x1  }
0x15: {  	[smem:$0x3FAC] =	sst s0;
	s0 =	simm.s32 @!p2 $0x0  }
0x16: {  	s3 =	sld [smem:$0x3FDB];
	s0 =	simm.s32 @p2 $0x1  }
0x17: {  	s4 =	simm.s32 $0x1BF5;
	[smem:$0x3FAE] =	sst s0  }
0x18: {  	s0 =	sld [smem:$0x3F91];
	_ =	swait.ge [sflag:s4], $0x0  }
0x19: {  	s7 =	sld [smem:$0x3F92]  }
0x1a: {  	s8 =	sadd.s32 $0xFFFFE003, lr  }
0x1b: {  	s9 =	sadd.s32 $0xFFFFFEF7, lr;
	s5 =	simm.s32 $0xFFFFFFFF;
	p2 =	slt.u32 s8, $0xFFFFF086  }
0x1c: {  	p1 =	slt.u32 s9, $0xF7A;
	s5 =	simm.s32 @!p2 $0x0  }
0x1d: {  	s5 =	simm.s32 @p1 $0x1;
	p0 =	seq.s32 s7, s2  }
0x1e: {  	s7 =	smul.u32 @!p0 $0xF7A, s2;
	p2 =	seq.s32 @!p0 s5, $0x0  }
0x1f: {  	s9 =	smul.u32 $0xF7A, s1;
	s8 =	simm.s32 @!p0 $0x1BF5;
	p2 =	por !p2, p0  }
0x20: {  	[sflag:s8] =	ssyncset.s32 @!p0 $0xFFFFF086;
	s6 =	sadd.s32 @!p0 s3, s7;
	s7 =	simm.s32 @!p0 $0x108  }
0x21: {  	s3 =	sadd.s32 s3, s9;
	s6 =	sadd.s32 @!p0 $0x88, s6;
	s7 =	simm.s32 @p2 $0x1082  }
0x22: {  	[simem:s7], [sflag:s8] =	dma.local @!p0 [hbm:s6], $0xF7A  }
0x23: {  	s9 =	sor.u32 $0xD0000000, s2;
	s6 =	simm.s32 $0x108;
	_ =	swait.ge @!p0 [sflag:s8], $0x0  }
0x24: {  	s3 =	sadd.s32 $0x88, s3;
	s6 =	simm.s32 @!p1 $0x1082;
	[sflag:s4] =	ssyncset.s32 $0xFFFFF086  }
0x25: {  	[simem:s6], [sflag:s4] =	dma.local [hbm:s3], $0xF7A  }
0x26: {  	[smem:$0x3F92] =	sst s1;
	(tag) =	ssettag s2;
	_ =	strace s9  }
0x27: {  	s1 =	sld [smem:$0x3FA2]  }
0x28: {  	s2 =	sld [smem:$0x3FA3]  }
0x29: {  	s4 =	sld [smem:$0x3FA5]  }
0x2a: {  	p0 =	seq.s32 s5, $0x0;
	s5 =	sld [smem:$0x3FA6]  }
0x2b: {  	s6 =	sld [smem:$0x3FA7]  }
0x2c: {  	s7 =	sld [smem:$0x3FA8]  }
0x2d: {  	s3 =	simm.s32 $0x108;
	s8 =	sld [smem:$0x3FA9]  }
0x2e: {  	s3 =	simm.s32 @!p0 $0x1082;
	s9 =	sld [smem:$0x3FAA]  }
0x2f: {  	lr =	sadd.s32 s0, s3;
	s0 =	sld [smem:$0x3FA1]  }
0x30: {  	s3 =	sld [smem:$0x3FA4]  }
0x31: {  	[smem:$0x3FAD] =	sst s10  }
0x32: {  	s10 =	sld [smem:$0x3FAB];
	_ =	sdelay $0x3  }
0x33: {  	p0 =	seq.s32 s10, $0x1;
	s10 =	sld [smem:$0x3FAD];
	_ =	sdelay $0x3  }
0x34: {  	[smem:$0x3FAD] =	sst s10  }
0x35: {  	s10 =	sld [smem:$0x3FAC];
	_ =	sdelay $0x3  }
0x36: {  	p1 =	seq.s32 s10, $0x1;
	s10 =	sld [smem:$0x3FAD];
	_ =	sdelay $0x3  }
0x37: {  	[smem:$0x3FAD] =	sst s10  }
0x38: {  	s10 =	sld [smem:$0x3FAE]  }
0x39: {  	_ = 	snop;
	(pc) =	sbr.ind lr, $3  }
0x3a: {  	_ = 	snop  }
0x3b: {  	_ = 	snop  }
0x3c: {  	p2 =	seq.s32 s10, $0x1;
	s10 =	sld [smem:$0x3FAD]  }
0x3d: {  	_ =	shalt  }
0x3e: {  	_ =	shalt  }
0x3f: {  	_ =	shalt  }
0x40: {  	_ =	shalt  }
0x41: {  	_ =	shalt  }
0x42: {  	_ =	shalt  }
0x43: {  	_ =	shalt  }
0x44: {  	_ =	shalt  }
0x45: {  	_ =	shalt  }
0x46: {  	_ =	shalt  }
0x47: {  	_ =	shalt  }
0x48: {  	_ =	shalt  }
0x49: {  	_ =	shalt  }
0x4a: {  	_ =	shalt  }
0x4b: {  	_ =	shalt  }
0x4c: {  	_ =	shalt  }
0x4d: {  	_ =	shalt  }
0x4e: {  	_ =	shalt  }
0x4f: {  	_ =	shalt  }
0x50: {  	_ =	shalt  }
0x51: {  	_ =	shalt  }
0x52: {  	_ =	shalt  }
0x53: {  	_ =	shalt  }
0x54: {  	_ =	shalt  }
0x55: {  	_ =	shalt  }
0x56: {  	_ =	shalt  }
0x57: {  	_ =	shalt  }
0x58: {  	_ =	shalt  }
0x59: {  	_ =	shalt  }
0x5a: {  	_ =	shalt  }
0x5b: {  	_ =	shalt  }
0x5c: {  	_ =	shalt  }
0x5d: {  	_ =	shalt  }
0x5e: {  	_ =	shalt  }
0x5f: {  	_ =	shalt  }
0x60: {  	_ =	shalt  }
0x61: {  	_ =	shalt  }
0x62: {  	_ =	shalt  }
0x63: {  	_ =	shalt  }
0x64: {  	_ =	shalt  }
0x65: {  	_ =	shalt  }
0x66: {  	_ =	shalt  }
0x67: {  	_ =	shalt  }
0x68: {  	_ =	shalt  }
0x69: {  	_ =	shalt  }
0x6a: {  	_ =	shalt  }
0x6b: {  	_ =	shalt  }
0x6c: {  	_ =	shalt  }
0x6d: {  	_ =	shalt  }
0x6e: {  	_ =	shalt  }
0x6f: {  	_ =	shalt  }
0x70: {  	_ =	shalt  }
0x71: {  	_ =	shalt  }
0x72: {  	_ =	shalt  }
0x73: {  	_ =	shalt  }
0x74: {  	_ =	shalt  }
0x75: {  	_ =	shalt  }
0x76: {  	_ =	shalt  }
0x77: {  	_ =	shalt  }
0x78: {  	_ =	shalt  }
0x79: {  	_ =	shalt  }
0x7a: {  	_ =	shalt  }
0x7b: {  	_ =	shalt  }
0x7c: {  	_ =	shalt  }
0x7d: {  	_ =	shalt  }
0x7e: {  	_ =	shalt  }
0x7f: {  	_ =	shalt  }
0x80: {  	_ =	shalt  }
0x81: {  	_ =	shalt  }
0x82: {  	_ =	shalt  }
0x83: {  	_ =	shalt  }
0x84: {  	_ =	shalt  }
0x85: {  	_ =	shalt  }
0x86: {  	_ =	shalt  }
0x87: {  	_ =	shalt  }
.Lfunc_end0:
.L_simem_size_0:
called_computation.1_lowered:
.L_overlay_start_0:
0x88: {  	s2 =	sld [smem:$0x3FD9]  }
0x89: {  	s3 =	sld [smem:$0x3FFE];
	_ =	sdelay $0x1  }
0x8a: {  	s1 =	srdreg.scid  }
0x8b: {  	s0 =	sand.u32 $0x1, s1  }
0x8c: {  	s17 =	sshll.u32 s0, $0xA;
	s2 =	sadd.s32 s3, s2  }
0x8d: {  	s2 =	sadd.s32 s2, s17  }
0x8e: {  	[smem:$0x3FB9] =	sst s2  }
0x8f: {  	_ = 	snop  }
0x90: {  	s2 =	sld [smem:$0x3FD0];
	(tm) =	ssettm $0x1  }
0x91: {  	s18 =	sld [smem:$0x3FFB];
	_ =	sdelay $0x3  }
0x92: {  	_ =	strace s18  }
0x93: {  	s3 =	sld [smem:$0x3FFC];
	_ =	sdelay $0x3  }
0x94: {  	_ =	strace s3  }
0x95: {  	s3 =	sld [smem:$0x3FFD];
	_ =	sdelay $0x3  }
0x96: {  	_ =	strace s3  }
0x97: {  	_ =	strace $0x8FFFFFFF  }
0x98: {  	s19 =	sld [smem:$0x3FDB];
	_ =	sdelay $0x1  }
0x99: {  	s4 =	simm.s32 $_scs_section_size  }
0x9a: {  	s5 =	simm.s32 $_size__tile_overlayer_lowered;
	s6 =	simm.s32 $_tile_overlayer_lowered  }
0x9b: {  	s22 =	simm.s32 $0x1BFF;
	s21 =	sshll.u32 s6, $0x1;
	s3 =	sadd.s32 s4, s19  }
0x9c: {  	s7 =	simm.s32 $0x0;
	s20 =	sshll.u32 s5, $0x1;
	s5 =	sadd.s32 s21, s3  }
0x9d: {  	[timem:s7], [sflag:s22] =	dma.local [hbm:s5], s20  }
0x9e: {  	_ =	swait.ge [sflag:s22], s20  }
0x9f: {  	s4 =	ssub.s32 $0x0, s20;
	[sflag:s22] =	ssyncset.done $0x0  }
0xa0: {  	[sflag:s22] =	ssyncadd.s32 s4;
	_ =	sdelay $0x1  }
0xa1: {  	s23 =	simm.s32 $0x1B8B  }
0xa2: {  	_ =	swait.ge [sflag:s23], $0x1  }
0xa3: {  	[sflag:s23] =	ssyncset.done $0x0  }
0xa4: {  	s25 =	simm.s32 $0x1B8E;
	s24 =	sld [smem:$0x3FFE];
	[sflag:s23] =	ssyncadd.s32 $0xFFFFFFFF  }
0xa5: {  	s26 =	simm.s32 $execute0_lowered;
	[smem:$0x3FD2] =	sst s25  }
0xa6: {  	s5 =	sshll.u32 s26, $0x1;
	_ =	strace $0x80000046;
	[dreg:$0x1] =	wrdreg $0xFFFFFFFF  }
0xa7: {  	s28 =	simm.s32 $_size_execute0_lowered;
	s3 =	sadd.s32 s3, s5;
	[dreg:$0x0] =	wrdreg $0x0  }
0xa8: {  	s5 =	sshll.u32 s28, $0x1;
	[dreg:$0x2] =	wrdreg s3  }
0xa9: {  	[dreg:$0x3] =	wrdreg s5  }
0xaa: {  	[dreg:$0x4] =	wrdreg $0xC0  }
0xab: {  	_ =	task [dreg:s7], $0x5FFFF  }
0xac: {  	[dreg:$0x1] =	wrdreg $0xFFFFFFFF  }
0xad: {  	[dreg:$0x0] =	wrdreg $0x60  }
0xae: {  	[dreg:$0x2] =	wrdreg s24  }
0xaf: {  	[dreg:$0x3] =	wrdreg s2  }
0xb0: {  	[dreg:$0x4] =	wrdreg $0xA  }
0xb1: {  	_ =	task.clear_ibuf [dreg:s7], $0x5FFFF;
	_ =	strace $0x90000046  }
0xb2: {  	s29 =	simm.s32 $0xA;
	_ =	strace $0x80000048  }
0xb3: {  	_ =	swait.ge [sflag:s29], $0x1  }
0xb4: {  	[sflag:s29] =	ssyncadd.s32 $0xFFFFFFFF  }
0xb5: {  	_ =	strace $0x90000048  }
0xb6: {  	_ =	sfence  }
0xb7: {  	s30 =	sld [smem:$0x0];
	_ =	sdelay $0x2  }
0xb8: {  	s31 =	sshll.u32 s1, $0xD;
	s1 =	sshrl.u32 s1, $0x2  }
0xb9: {  	s3 =	sand.u32 $0x4000, s31;
	s1 =	sadd.s32 s1, s30  }
0xba: {  	s0 =	sor.u32 s3, s0;
	s1 =	sshll.u32 s1, $0x11  }
0xbb: {  	s0 =	sor.u32 s1, s0  }
0xbc: {  	s0 =	sadd.s32 $0x8F2B, s0  }
0xbd: {  	[sflag:s0] =	ssyncadd.remote.s32 $0x1  }
0xbe: {  	_ =	sfence.sel $0xFFFF  }
0xbf: {  	[dreg:$0x0] =	wrdreg $0xFFFFFFFF;
	(pc) =	sbr.abs _section_cstart, $3  }
0xc0: {  	[dreg:$0x1] =	wrdreg $0xFFFFFFFF  }
0xc1: {  	_ =	task.clear_ibuf [dreg:s7], $0x2FFFF;
	_ =	strace $0x9FFFFFFF  }
0xc2: {  	(tm) =	ssettm $0x7FFFFFFF  }
0xc3: {  	_ =	shalt  }
tec
execute0_lowered:
.L_overlay_start_1:
0x0: {  	(tag) =	ssettag $0x1  }
0x1: {  	s1 =	srdreg.scid  }
0x2: {  	s0 =	stileid.u32;
	s17 =	sand.u32 $0x1, s1  }
0x3: {  	s29 =	sshll.u32 s0, $0xA;
	s2 =	sshll.u32 s17, $0x9  }
0x4: {  	s18 =	rddreg [dreg:$0x0];
	s19 =	sor.u32 s2, s29  }
0x5: {  	s7 =	rddreg [dreg:$0x1];
	s2 =	simm.s32 $0x0;
	s8 =	sshrl.u32 s19, $0x3  }
0x6: {  	s3 =	simm.s32 $0x2;
	[smem:$0x7FF] =	sst s2;
	s5 =	sadd.s32 s8, s18  }
0x7: {  	s1 =	rddreg [dreg:$0x2];
	_ =	strace $0x80000047;
	s4 =	sadd.s32 $0x4200, s5  }
0x8: {  	[tilespmem:s2], [sflag:$0x2] =	stream.linear.gather [hbm4b:s4+s2], $0x200, $0x38;
	[tilespmem:$0xA600] =	vst v63  }
0x9: {  	_ =	swait.ge [sflag:s3], $0x200  }
0xa: {  	[sflag:s3] =	ssyncset.done $0x0  }
0xb: {  	s6 =	simm.s32 $0x200;
	s5 =	sadd.s32 $0x3A00, s5;
	[sflag:s3] =	ssyncadd.s32 $0xFFFFFE00  }
0xc: {  	[tilespmem:s6], [sflag:$0x2] =	stream.linear.gather [hbm4b:s5+s2], $0x200, $0x38;
	[tilespmem:$0xA600] =	vst v63  }
0xd: {  	_ =	swait.ge [sflag:s3], $0x200  }
0xe: {  	[sflag:s3] =	ssyncset.done $0x0  }
0xf: {  	s7 =	sadd.s32 s7, s8;
	s8 =	simm.s32 $0x400;
	[sflag:s3] =	ssyncadd.s32 $0xFFFFFE00  }
0x10: {  	[tilespmem:s8], [sflag:$0x2] =	stream.linear.gather [hbm4b:s7+s2], $0x200, $0x38;
	[tilespmem:$0xA600] =	vst v63  }
0x11: {  	_ =	swait.ge [sflag:s3], $0x200  }
0x12: {  	[sflag:s3] =	ssyncset.done $0x0  }
0x13: {  	s10 =	simm.s32 $0x600;
	s9 =	sadd.s32 $0x6A00, s18;
	[sflag:s3] =	ssyncadd.s32 $0xFFFFFE00  }
0x14: {  	[tilespmem:s10], [sflag:$0x1] =	stream.indirect.gather [hbm4b:s9+s6], $0x20, s2, s6, $0xb8;
	[tilespmem:$0xA600] =	vst v63  }
0x15: {  	s12 =	simm.s32 $0x4600;
	s11 =	sadd.s32 $0x7A00, s18  }
0x16: {  	[tilespmem:s12], [sflag:$0x1] =	stream.indirect.gather [hbm4b:s11+s6], $0x10, s6, s6, $0xb8;
	[tilespmem:$0xA600] =	vst v63  }
0x17: {  	s14 =	simm.s32 $0x6600;
	s15 =	simm.s32 $0x1;
	s13 =	sadd.s32 $0x5A00, s18  }
0x18: {  	[tilespmem:s14], [sflag:$0x1] =	stream.indirect.gather [hbm4b:s13+s6], $0x20, s8, s6, $0xb8;
	[tilespmem:$0xA600] =	vst v63  }
0x19: {  	_ =	swait.ge [sflag:s15], $0x4000  }
0x1a: {  	[sflag:s15] =	ssyncset.done $0x0  }
0x1b: {  	[sflag:s15] =	ssyncadd.s32 $0xFFFFC000  }
0x1c: {  	_ =	swait.ge [sflag:s15], $0x2000  }
0x1d: {  	[sflag:s15] =	ssyncset.done $0x0  }
0x1e: {  	[sflag:s15] =	ssyncadd.s32 $0xFFFFE000  }
0x1f: {  	s16 =	sshll.u32 s19, $0x2;
	_ =	swait.ge [sflag:s15], $0x4000  }
0x20: {  	s20 =	sadd.s32 s16, s18;
	[sflag:s15] =	ssyncset.done $0x0  }
0x21: {  	s30 =	ssub.s32 $0x2, s17;
	s16 =	sadd.s32 $0xFC00, s20;
	[sflag:s15] =	ssyncadd.s32 $0xFFFFC000  }
0x22: {  	[hbm4b:s16+s2] =	stream.linear.scatter [tilespmem:s10], [sflag:$0x2], $0x4000, $0x38;
	[tilespmem:$0xA600] =	vst v63  }
0x23: {  	s31 =	sshrl.u32 s30, $0x1;
	s19 =	sshll.u32 s19, $0x1;
	_ =	swait.ge [sflag:s3], $0x4000  }
0x24: {  	s18 =	sadd.s32 s19, s18;
	s19 =	ssub.s32 s30, s31;
	[sflag:s3] =	ssyncset.done $0x0  }
0x25: {  	s17 =	sadd.s32 $0x7C00, s18;
	s19 =	smax.u32 s19, $0x1;
	[sflag:s3] =	ssyncadd.s32 $0xFFFFC000  }
0x26: {  	[hbm4b:s17+s2] =	stream.linear.scatter [tilespmem:s12], [sflag:$0x2], $0x2000, $0x38;
	[tilespmem:$0xA600] =	vst v63  }
0x27: {  	p0 =	sne.s32 s19, $0x1;
	_ =	swait.ge [sflag:s3], $0x2000  }
.Ltmp0:
0x28: {  	[sflag:s3] =	ssyncset.done $0x0;
	(pc) =	sbr.rel @!p0 .LBB2_2-.Ltmp0, $4  }
0x29: {  	s18 =	sadd.s32 $0x1FC00, s20;
	[sflag:s3] =	ssyncadd.s32 $0xFFFFE000  }
0x2a: {  	[hbm4b:s18+s2] =	stream.linear.scatter [tilespmem:s14], [sflag:$0x2], $0x4000, $0x38;
	[tilespmem:$0xA600] =	vst v63  }
0x2b: {  	_ =	swait.ge [sflag:s3], $0x4000  }
0x2c: {  	s19 =	sadd.s32 $0xFFFFFFFF, s19;
	[sflag:s3] =	ssyncset.done $0x0  }
.LBB2_1:
0x2d: {  	p0 =	sne.s32 s19, $0x1;
	s19 =	sadd.s32 $0xFFFFFFFF, s19;
	[sflag:s3] =	ssyncadd.s32 $0xFFFFC000  }
0x2e: {  	[tilespmem:s2], [sflag:$0x2] =	stream.linear.gather [hbm4b:s4+s2], $0x200, $0x38;
	[tilespmem:$0xA600] =	vst v63  }
0x2f: {  	_ =	swait.ge [sflag:s3], $0x200  }
0x30: {  	[sflag:s3] =	ssyncset.done $0x0  }
0x31: {  	[sflag:s3] =	ssyncadd.s32 $0xFFFFFE00  }
0x32: {  	[tilespmem:s6], [sflag:$0x2] =	stream.linear.gather [hbm4b:s5+s2], $0x200, $0x38;
	[tilespmem:$0xA600] =	vst v63  }
0x33: {  	_ =	swait.ge [sflag:s3], $0x200  }
0x34: {  	[sflag:s3] =	ssyncset.done $0x0  }
0x35: {  	[sflag:s3] =	ssyncadd.s32 $0xFFFFFE00  }
0x36: {  	[tilespmem:s8], [sflag:$0x2] =	stream.linear.gather [hbm4b:s7+s2], $0x200, $0x38;
	[tilespmem:$0xA600] =	vst v63  }
0x37: {  	_ =	swait.ge [sflag:s3], $0x200  }
0x38: {  	[sflag:s3] =	ssyncset.done $0x0  }
0x39: {  	[sflag:s3] =	ssyncadd.s32 $0xFFFFFE00  }
0x3a: {  	[tilespmem:s10], [sflag:$0x1] =	stream.indirect.gather [hbm4b:s9+s6], $0x20, s2, s6, $0xb8;
	[tilespmem:$0xA600] =	vst v63  }
0x3b: {  	_ = 	snop  }
0x3c: {  	[tilespmem:s12], [sflag:$0x1] =	stream.indirect.gather [hbm4b:s11+s6], $0x10, s6, s6, $0xb8;
	[tilespmem:$0xA600] =	vst v63  }
0x3d: {  	_ = 	snop  }
0x3e: {  	[tilespmem:s14], [sflag:$0x1] =	stream.indirect.gather [hbm4b:s13+s6], $0x20, s8, s6, $0xb8;
	[tilespmem:$0xA600] =	vst v63  }
0x3f: {  	_ =	swait.ge [sflag:s15], $0x4000  }
0x40: {  	[sflag:s15] =	ssyncset.done $0x0  }
0x41: {  	[sflag:s15] =	ssyncadd.s32 $0xFFFFC000  }
0x42: {  	_ =	swait.ge [sflag:s15], $0x2000  }
0x43: {  	[sflag:s15] =	ssyncset.done $0x0  }
0x44: {  	[sflag:s15] =	ssyncadd.s32 $0xFFFFE000  }
0x45: {  	_ =	swait.ge [sflag:s15], $0x4000  }
0x46: {  	[sflag:s15] =	ssyncset.done $0x0  }
0x47: {  	[sflag:s15] =	ssyncadd.s32 $0xFFFFC000  }
0x48: {  	[hbm4b:s16+s2] =	stream.linear.scatter [tilespmem:s10], [sflag:$0x2], $0x4000, $0x38;
	[tilespmem:$0xA600] =	vst v63  }
0x49: {  	_ =	swait.ge [sflag:s3], $0x4000  }
0x4a: {  	[sflag:s3] =	ssyncset.done $0x0  }
0x4b: {  	[sflag:s3] =	ssyncadd.s32 $0xFFFFC000  }
0x4c: {  	[hbm4b:s17+s2] =	stream.linear.scatter [tilespmem:s12], [sflag:$0x2], $0x2000, $0x38;
	[tilespmem:$0xA600] =	vst v63  }
0x4d: {  	_ =	swait.ge [sflag:s3], $0x2000  }
.Ltmp1:
0x4e: {  	[sflag:s3] =	ssyncset.done $0x0;
	(pc) =	sbr.rel @p0 .LBB2_1-.Ltmp1, $4  }
0x4f: {  	[sflag:s3] =	ssyncadd.s32 $0xFFFFE000  }
0x50: {  	[hbm4b:s18+s2] =	stream.linear.scatter [tilespmem:s14], [sflag:$0x2], $0x4000, $0x38;
	[tilespmem:$0xA600] =	vst v63  }
0x51: {  	_ =	swait.ge [sflag:s3], $0x4000  }
0x52: {  	[sflag:s3] =	ssyncset.done $0x0  }
.LBB2_2:
0x53: {  	[sflag:s3] =	ssyncadd.s32 $0xFFFFC000  }
0x54: {  	_ =	sfence.sel $0x180000  }
0x55: {  	[bflag:$0x0] =	sbarrier.arrive $0xFFFF  }
0x56: {  	p0 =	sne.s32 s0, $0x0;
	_ =	strace $0x90000047  }
0x57: {  	s0 =	sadd.s32 @!p0 $0x100000, s1;
	[bflag:$0x2] =	sbarrier.arrive $0xFFFF  }
0x58: {  	[sflag:s0] =	ssyncadd.tile.s32 @!p0 $0x1;
	_ =	shalt  }
.Lfunc_end2:
_tile_overlayer_lowered:
.L_overlay_start_2:
0x59: {  	(tag) =	ssettag $0x2  }
0x5a: {  	s0 =	rddreg [dreg:$0x0];
	s2 =	stileid.u32  }
0x5b: {  	s1 =	rddreg [dreg:$0x1];
	p0 =	sne.s32 s2, $0x0  }
0x5c: {  	s3 =	rddreg [dreg:$0x2];
	[bflag:$0x3] =	sbarrier.arrive $0xFFFF;
	s2 =	simm.s32 @!p0 $0x1C02  }
0x5d: {  	[timem:s3], [sflag:s2] =	dma.local @!p0 [hbm:s0], s1  }
0x5e: {  	s0 =	simm.s32 @!p0 $0x2  }
0x5f: {  	_ =	swait.ge @!p0 [sflag:s0], s1  }
0x60: {  	s1 =	ssub.s32 @!p0 $0x0, s1;
	[sflag:s0] =	ssyncset.done @!p0 $0x0  }
0x61: {  	[sflag:s0] =	ssyncadd.s32 @!p0 s1  }
0x62: {  	[bflag:$0x3] =	sbarrier.arrive $0xFFFF  }
0x63: {  	_ =	shalt  }

// kernel: kernel.13.cloned.1.call-start
scs
__scs_entry_jumppad:
0x0: {  	(pc) =	sbr.rel $0x88, $3  }
0x1: {  	(tag) =	ssettag $0x0;
	lr =	simm.s32 $0x1  }
0x2: {  	[smem:$0x3F92] =	sst lr;
	_ =	strace $0xD0000000  }
0x3: {  	_ = 	snop  }
0x4: {  	_ = 	snop  }
0x5: {  	_ = 	snop  }
0x6: {  	_ = 	snop  }
0x7: {  	_ = 	snop  }
__scs_overlays_trampoline_lowered:
0x8: {  	[smem:$0x3FA1] =	sst s0  }
0x9: {  	[smem:$0x3FA2] =	sst s1  }
0xa: {  	[smem:$0x3FA3] =	sst s2  }
0xb: {  	[smem:$0x3FA4] =	sst s3  }
0xc: {  	[smem:$0x3FA5] =	sst s4  }
0xd: {  	[smem:$0x3FA6] =	sst s5  }
0xe: {  	[smem:$0x3FA7] =	sst s6  }
0xf: {  	[smem:$0x3FA8] =	sst s7  }
0x10: {  	[smem:$0x3FA9] =	sst s8  }
0x11: {  	[smem:$0x3FAA] =	sst s9;
	s0 =	simm.s32 @!p0 $0x0  }
0x12: {  	s1 =	sld [smem:$0x3F90];
	s0 =	simm.s32 @p0 $0x1  }
0x13: {  	[smem:$0x3FAB] =	sst s0;
	s0 =	simm.s32 @!p1 $0x0  }
0x14: {  	s2 =	sld [smem:$0x3F8F];
	s0 =	simm.s32 @p1 $0x1  }
0x15: {  	[smem:$0x3FAC] =	sst s0;
	s0 =	simm.s32 @!p2 $0x0  }
0x16: {  	s3 =	sld [smem:$0x3FDB];
	s0 =	simm.s32 @p2 $0x1  }
0x17: {  	s4 =	simm.s32 $0x1BF5;
	[smem:$0x3FAE] =	sst s0  }
0x18: {  	s0 =	sld [smem:$0x3F91];
	_ =	swait.ge [sflag:s4], $0x0  }
0x19: {  	s7 =	sld [smem:$0x3F92]  }
0x1a: {  	s8 =	sadd.s32 $0xFFFFE003, lr  }
0x1b: {  	s9 =	sadd.s32 $0xFFFFFEF7, lr;
	s5 =	simm.s32 $0xFFFFFFFF;
	p2 =	slt.u32 s8, $0xFFFFF086  }
0x1c: {  	p1 =	slt.u32 s9, $0xF7A;
	s5 =	simm.s32 @!p2 $0x0  }
0x1d: {  	s5 =	simm.s32 @p1 $0x1;
	p0 =	seq.s32 s7, s2  }
0x1e: {  	s7 =	smul.u32 @!p0 $0xF7A, s2;
	p2 =	seq.s32 @!p0 s5, $0x0  }
0x1f: {  	s9 =	smul.u32 $0xF7A, s1;
	s8 =	simm.s32 @!p0 $0x1BF5;
	p2 =	por !p2, p0  }
0x20: {  	[sflag:s8] =	ssyncset.s32 @!p0 $0xFFFFF086;
	s6 =	sadd.s32 @!p0 s3, s7;
	s7 =	simm.s32 @!p0 $0x108  }
0x21: {  	s3 =	sadd.s32 s3, s9;
	s6 =	sadd.s32 @!p0 $0x88, s6;
	s7 =	simm.s32 @p2 $0x1082  }
0x22: {  	[simem:s7], [sflag:s8] =	dma.local @!p0 [hbm:s6], $0xF7A  }
0x23: {  	s9 =	sor.u32 $0xD0000000, s2;
	s6 =	simm.s32 $0x108;
	_ =	swait.ge @!p0 [sflag:s8], $0x0  }
0x24: {  	s3 =	sadd.s32 $0x88, s3;
	s6 =	simm.s32 @!p1 $0x1082;
	[sflag:s4] =	ssyncset.s32 $0xFFFFF086  }
0x25: {  	[simem:s6], [sflag:s4] =	dma.local [hbm:s3], $0xF7A  }
0x26: {  	[smem:$0x3F92] =	sst s1;
	(tag) =	ssettag s2;
	_ =	strace s9  }
0x27: {  	s1 =	sld [smem:$0x3FA2]  }
0x28: {  	s2 =	sld [smem:$0x3FA3]  }
0x29: {  	s4 =	sld [smem:$0x3FA5]  }
0x2a: {  	p0 =	seq.s32 s5, $0x0;
	s5 =	sld [smem:$0x3FA6]  }
0x2b: {  	s6 =	sld [smem:$0x3FA7]  }
0x2c: {  	s7 =	sld [smem:$0x3FA8]  }
0x2d: {  	s3 =	simm.s32 $0x108;
	s8 =	sld [smem:$0x3FA9]  }
0x2e: {  	s3 =	simm.s32 @!p0 $0x1082;
	s9 =	sld [smem:$0x3FAA]  }
0x2f: {  	lr =	sadd.s32 s0, s3;
	s0 =	sld [smem:$0x3FA1]  }
0x30: {  	s3 =	sld [smem:$0x3FA4]  }
0x31: {  	[smem:$0x3FAD] =	sst s10  }
0x32: {  	s10 =	sld [smem:$0x3FAB];
	_ =	sdelay $0x3  }
0x33: {  	p0 =	seq.s32 s10, $0x1;
	s10 =	sld [smem:$0x3FAD];
	_ =	sdelay $0x3  }
0x34: {  	[smem:$0x3FAD] =	sst s10  }
0x35: {  	s10 =	sld [smem:$0x3FAC];
	_ =	sdelay $0x3  }
0x36: {  	p1 =	seq.s32 s10, $0x1;
	s10 =	sld [smem:$0x3FAD];
	_ =	sdelay $0x3  }
0x37: {  	[smem:$0x3FAD] =	sst s10  }
0x38: {  	s10 =	sld [smem:$0x3FAE]  }
0x39: {  	_ = 	snop;
	(pc) =	sbr.ind lr, $3  }
0x3a: {  	_ = 	snop  }
0x3b: {  	_ = 	snop  }
0x3c: {  	p2 =	seq.s32 s10, $0x1;
	s10 =	sld [smem:$0x3FAD]  }
0x3d: {  	_ =	shalt  }
0x3e: {  	_ =	shalt  }
0x3f: {  	_ =	shalt  }
0x40: {  	_ =	shalt  }
0x41: {  	_ =	shalt  }
0x42: {  	_ =	shalt  }
0x43: {  	_ =	shalt  }
0x44: {  	_ =	shalt  }
0x45: {  	_ =	shalt  }
0x46: {  	_ =	shalt  }
0x47: {  	_ =	shalt  }
0x48: {  	_ =	shalt  }
0x49: {  	_ =	shalt  }
0x4a: {  	_ =	shalt  }
0x4b: {  	_ =	shalt  }
0x4c: {  	_ =	shalt  }
0x4d: {  	_ =	shalt  }
0x4e: {  	_ =	shalt  }
0x4f: {  	_ =	shalt  }
0x50: {  	_ =	shalt  }
0x51: {  	_ =	shalt  }
0x52: {  	_ =	shalt  }
0x53: {  	_ =	shalt  }
0x54: {  	_ =	shalt  }
0x55: {  	_ =	shalt  }
0x56: {  	_ =	shalt  }
0x57: {  	_ =	shalt  }
0x58: {  	_ =	shalt  }
0x59: {  	_ =	shalt  }
0x5a: {  	_ =	shalt  }
0x5b: {  	_ =	shalt  }
0x5c: {  	_ =	shalt  }
0x5d: {  	_ =	shalt  }
0x5e: {  	_ =	shalt  }
0x5f: {  	_ =	shalt  }
0x60: {  	_ =	shalt  }
0x61: {  	_ =	shalt  }
0x62: {  	_ =	shalt  }
0x63: {  	_ =	shalt  }
0x64: {  	_ =	shalt  }
0x65: {  	_ =	shalt  }
0x66: {  	_ =	shalt  }
0x67: {  	_ =	shalt  }
0x68: {  	_ =	shalt  }
0x69: {  	_ =	shalt  }
0x6a: {  	_ =	shalt  }
0x6b: {  	_ =	shalt  }
0x6c: {  	_ =	shalt  }
0x6d: {  	_ =	shalt  }
0x6e: {  	_ =	shalt  }
0x6f: {  	_ =	shalt  }
0x70: {  	_ =	shalt  }
0x71: {  	_ =	shalt  }
0x72: {  	_ =	shalt  }
0x73: {  	_ =	shalt  }
0x74: {  	_ =	shalt  }
0x75: {  	_ =	shalt  }
0x76: {  	_ =	shalt  }
0x77: {  	_ =	shalt  }
0x78: {  	_ =	shalt  }
0x79: {  	_ =	shalt  }
0x7a: {  	_ =	shalt  }
0x7b: {  	_ =	shalt  }
0x7c: {  	_ =	shalt  }
0x7d: {  	_ =	shalt  }
0x7e: {  	_ =	shalt  }
0x7f: {  	_ =	shalt  }
0x80: {  	_ =	shalt  }
0x81: {  	_ =	shalt  }
0x82: {  	_ =	shalt  }
0x83: {  	_ =	shalt  }
0x84: {  	_ =	shalt  }
0x85: {  	_ =	shalt  }
0x86: {  	_ =	shalt  }
0x87: {  	_ =	shalt  }
.Lfunc_end0:
.L_simem_size_0:
called_computation.2_lowered:
.L_overlay_start_0:
0x88: {  	s2 =	sld [smem:$0x3FD9]  }
0x89: {  	s3 =	sld [smem:$0x3FFE];
	_ =	sdelay $0x1  }
0x8a: {  	s1 =	srdreg.scid  }
0x8b: {  	s0 =	sand.u32 $0x1, s1  }
0x8c: {  	s17 =	sshll.u32 s0, $0xA;
	s2 =	sadd.s32 s3, s2  }
0x8d: {  	s2 =	sadd.s32 s2, s17  }
0x8e: {  	[smem:$0x3FB9] =	sst s2  }
0x8f: {  	_ = 	snop  }
0x90: {  	s18 =	sld [smem:$0x3FC4];
	(tm) =	ssettm $0x1  }
0x91: {  	s19 =	sld [smem:$0x3FFB];
	_ =	sdelay $0x3  }
0x92: {  	_ =	strace s19  }
0x93: {  	s2 =	sld [smem:$0x3FFC];
	_ =	sdelay $0x3  }
0x94: {  	_ =	strace s2  }
0x95: {  	s2 =	sld [smem:$0x3FFD];
	_ =	sdelay $0x3  }
0x96: {  	_ =	strace s2  }
0x97: {  	_ =	strace $0x8FFFFFFF  }
0x98: {  	s20 =	sld [smem:$0x3FDB];
	_ =	sdelay $0x1  }
0x99: {  	s4 =	simm.s32 $_scs_section_size  }
0x9a: {  	s5 =	simm.s32 $_size__tile_overlayer_lowered;
	s6 =	simm.s32 $_tile_overlayer_lowered  }
0x9b: {  	s7 =	simm.s32 $0x1BFF;
	s21 =	sshll.u32 s6, $0x1;
	s4 =	sadd.s32 s4, s20  }
0x9c: {  	s22 =	simm.s32 $0x0;
	s5 =	sshll.u32 s5, $0x1;
	s6 =	sadd.s32 s21, s4  }
0x9d: {  	[timem:s22], [sflag:s7] =	dma.local [hbm:s6], s5  }
0x9e: {  	_ =	swait.ge [sflag:s7], s5  }
0x9f: {  	s5 =	ssub.s32 $0x0, s5;
	[sflag:s7] =	ssyncset.done $0x0  }
0xa0: {  	[sflag:s7] =	ssyncadd.s32 s5;
	_ =	sdelay $0x1  }
0xa1: {  	s23 =	simm.s32 $0x1B8B  }
0xa2: {  	_ =	swait.ge [sflag:s23], $0x1  }
0xa3: {  	[sflag:s23] =	ssyncset.done $0x0  }
0xa4: {  	[sflag:s23] =	ssyncadd.s32 $0xFFFFFFFF  }
0xa5: {  	s5 =	sld [smem:$0x0]  }
0xa6: {  	s6 =	sand.u32 $0xFFFFFFFE, s1  }
0xa7: {  	p0 =	sne.s32 s1, s6  }
0xa8: {  	s6 =	sshll.u32 @p0 s6, $0xE  }
0xa9: {  	s6 =	sadd.s32 @p0 $0x11B8D, s6;
	s7 =	sshll.u32 @p0 s5, $0x11  }
0xaa: {  	s6 =	sor.u32 @p0 s7, s6  }
0xab: {  	[sflag:s6] =	ssyncadd.remote.s32 @p0 $0x1;
	_ =	sdelay $0x1  }
0xac: {  	s6 =	simm.s32 @p0 $0x1B8D  }
0xad: {  	_ =	swait.eq @p0 [sflag:s6], $0x1  }
0xae: {  	[sflag:s6] =	ssyncadd.s32 @p0 $0xFFFFFFFF  }
0xaf: {  	s7 =	sshll.u32 @!p0 s1, $0xE  }
0xb0: {  	s7 =	sor.u32 @!p0 $0x4000, s7;
	s6 =	simm.s32 @!p0 $0x1B8D  }
0xb1: {  	s5 =	sshll.u32 @!p0 s5, $0x11;
	s7 =	sadd.s32 @!p0 $0x11B8D, s7;
	_ =	swait.eq @!p0 [sflag:s6], $0x1  }
0xb2: {  	s5 =	sor.u32 @!p0 s5, s7;
	[sflag:s6] =	ssyncadd.s32 @!p0 $0xFFFFFFFF  }
0xb3: {  	s25 =	simm.s32 $0x1B8E;
	s24 =	sld [smem:$0x3FFE];
	[sflag:s5] =	ssyncadd.remote.s32 @!p0 $0x1  }
0xb4: {  	s26 =	simm.s32 $execute0_lowered;
	[smem:$0x3FD2] =	sst s25  }
0xb5: {  	s6 =	sshll.u32 s26, $0x1;
	_ =	strace $0x8000004C;
	[dreg:$0x1] =	wrdreg $0xFFFFFFFF  }
0xb6: {  	s28 =	simm.s32 $_size_execute0_lowered;
	s4 =	sadd.s32 s4, s6;
	[dreg:$0x0] =	wrdreg $0x0  }
0xb7: {  	s6 =	sshll.u32 s28, $0x1;
	[dreg:$0x2] =	wrdreg s4  }
0xb8: {  	[dreg:$0x3] =	wrdreg s6  }
0xb9: {  	[dreg:$0x4] =	wrdreg $0xC0  }
0xba: {  	_ =	task [dreg:s22], $0x5FFFF  }
0xbb: {  	[dreg:$0x1] =	wrdreg $0xFFFFFFFF  }
0xbc: {  	[dreg:$0x0] =	wrdreg $0x60  }
0xbd: {  	[dreg:$0x2] =	wrdreg s24  }
0xbe: {  	[dreg:$0x3] =	wrdreg s18  }
0xbf: {  	[dreg:$0x4] =	wrdreg $0xB  }
0xc0: {  	_ =	task.clear_ibuf [dreg:s22], $0x5FFFF;
	_ =	strace $0x9000004C  }
0xc1: {  	s29 =	simm.s32 $0xB;
	_ =	strace $0x8000004E  }
0xc2: {  	_ =	swait.ge [sflag:s29], $0x1  }
0xc3: {  	[sflag:s29] =	ssyncadd.s32 $0xFFFFFFFF  }
0xc4: {  	_ =	strace $0x9000004E  }
0xc5: {  	_ =	sfence  }
0xc6: {  	s30 =	sld [smem:$0x0];
	_ =	sdelay $0x2  }
0xc7: {  	s31 =	sshll.u32 s1, $0xD;
	s1 =	sshrl.u32 s1, $0x2  }
0xc8: {  	s4 =	sand.u32 $0x4000, s31;
	s1 =	sadd.s32 s1, s30  }
0xc9: {  	s0 =	sor.u32 s4, s0;
	s1 =	sshll.u32 s1, $0x11  }
0xca: {  	s0 =	sor.u32 s1, s0  }
0xcb: {  	s0 =	sadd.s32 $0x8F2B, s0  }
0xcc: {  	[sflag:s0] =	ssyncadd.remote.s32 $0x1  }
0xcd: {  	_ =	sfence.sel $0xFFFF  }
0xce: {  	[dreg:$0x0] =	wrdreg $0xFFFFFFFF;
	(pc) =	sbr.abs _section_cstart, $3  }
0xcf: {  	[dreg:$0x1] =	wrdreg $0xFFFFFFFF  }
0xd0: {  	_ =	task.clear_ibuf [dreg:s22], $0x2FFFF;
	_ =	strace $0x9FFFFFFF  }
0xd1: {  	(tm) =	ssettm $0x7FFFFFFF  }
tec
execute0_lowered:
.L_overlay_start_1:
0x0: {  	(tag) =	ssettag $0x1  }
0x1: {  	s6 =	rddreg [dreg:$0x0]  }
0x2: {  	s7 =	rddreg [dreg:$0x1]  }
0x3: {  	s0 =	rddreg [dreg:$0x2];
	s1 =	simm.s32 $0x0;
	s4 =	srdreg.scid  }
0x4: {  	s2 =	stileid.u32;
	s15 =	simm.s32 $0x1C700;
	s16 =	simm.s32 $0x0  }
0x5: {  	[smem:$0x7FF] =	sst s1;
	s3 =	sadd.s32 $0x5200, s6;
	s8 =	sadd.s32 $0x4FC00, s6  }
0x6: {  	s4 =	sand.u32 $0x1, s4;
	s9 =	sshll.u32 s2, $0x9;
	s10 =	sshrl.u32 s2, $0x1  }
0x7: {  	s14 =	sadd.s32 $0x51C00, s6;
	_ =	strace $0x8000004D;
	s5 =	ssub.s32 $0x2, s4  }
0x8: {  	s4 =	sshll.u32 s4, $0x8;
	s9 =	sand.u32 $0x200, s9;
	s11 =	smul.u32 $0xC3800, s10  }
0x9: {  	s28 =	sshll.u32 s10, $0x11;
	s12 =	sshrl.u32 s5, $0x1;
	s4 =	sor.u32 s4, s9  }
0xa: {  	s29 =	ssub.s32 s5, s12;
	s30 =	sor.u32 s11, s4;
	s31 =	sor.u32 s28, s4  }
0xb: {  	s13 =	sor.u32 $0x80, s4;
	s5 =	sshrl.u32 s30, $0x3;
	s12 =	sshrl.u32 s31, $0x3  }
0xc: {  	s11 =	sor.u32 s11, s13;
	s9 =	sor.u32 s28, s13;
	s10 =	smax.u32 s29, $0x1  }
0xd: {  	s13 =	simm.s32 $0x400;
	s4 =	sadd.s32 s7, s5;
	s5 =	sadd.s32 s8, s12  }
0xe: {  	s11 =	sshrl.u32 s11, $0x3;
	s6 =	sadd.s32 s12, s14;
	s9 =	sshrl.u32 s9, $0x3  }
0xf: {  	s12 =	simm.s32 $0x80;
	s7 =	sadd.s32 s7, s11;
	s8 =	sadd.s32 s8, s9  }
0x10: {  	s9 =	sadd.s32 s9, s14;
	s11 =	simm.s32 $0x1;
	s14 =	simm.s32 $0x4000  }
.LBB2_1:
0x11: {  	[tilespmem:s1], [sflag:$0x1] =	stream.linear.gather [hbm4b:s3+s1], $0x4000, $0x38;
	[tilespmem:$0x1E700] =	vst v63  }
0x12: {  	_ =	swait.ge [sflag:s11], $0x4000  }
0x13: {  	[sflag:s11] =	ssyncset.done $0x0  }
0x14: {  	[sflag:s11] =	ssyncadd.s32 $0xFFFFC000  }
0x15: {  	[tilespmem:s14], [sflag:$0x1] =	stream.strided.gather [hbm4b:s4+s12], $0x18700, s13, s12, $0x38;
	[tilespmem:$0x1E700] =	vst v63  }
0x16: {  	_ =	swait.ge [sflag:s11], $0x18700  }
0x17: {  	s17 =	simm.s32 $0xFFFFFFF8;
	[sflag:s11] =	ssyncset.done $0x0  }
0x18: {  	s18 =	simm.s32 $0x40;
	s19 =	simm.s32 $0x1C740;
	[sflag:s11] =	ssyncadd.s32 $0xFFFE7900  }
.LBB2_2:
0x19: {  	v0 =	vld [tilespmem:s18+$0xFFFFFFC0];
	_ =	sdelay $0x7  }
0x1a: {  	v0 =	vld.idx.msk [tilespmem:v0+s14+$0x0], $0xffff;
	_ =	sdelay $0x4  }
0x1b: {  	[tilespmem:s19+$0xFFFFFFC0] =	vst v0  }
0x1c: {  	v0 =	vld [tilespmem:s18+$0xFFFFFFD0];
	_ =	sdelay $0x7  }
0x1d: {  	v0 =	vld.idx.msk [tilespmem:v0+s14+$0x0], $0xffff;
	_ =	sdelay $0x4  }
0x1e: {  	[tilespmem:s19+$0xFFFFFFD0] =	vst v0  }
0x1f: {  	v0 =	vld [tilespmem:s18+$0xFFFFFFE0];
	_ =	sdelay $0x7  }
0x20: {  	v0 =	vld.idx.msk [tilespmem:v0+s14+$0x0], $0xffff;
	_ =	sdelay $0x4  }
0x21: {  	[tilespmem:s19+$0xFFFFFFE0] =	vst v0  }
0x22: {  	v0 =	vld [tilespmem:s18+$0xFFFFFFF0];
	_ =	sdelay $0x7  }
0x23: {  	v0 =	vld.idx.msk [tilespmem:v0+s14+$0x0], $0xffff;
	_ =	sdelay $0x4  }
0x24: {  	[tilespmem:s19+$0xFFFFFFF0] =	vst v0  }
0x25: {  	v0 =	vld [tilespmem:s18+$0x0];
	_ =	sdelay $0x7  }
0x26: {  	v0 =	vld.idx.msk [tilespmem:v0+s14+$0x0], $0xffff;
	_ =	sdelay $0x4  }
0x27: {  	[tilespmem:s19+$0x0] =	vst v0  }
0x28: {  	v0 =	vld [tilespmem:s18+$0x10];
	_ =	sdelay $0x7  }
0x29: {  	v0 =	vld.idx.msk [tilespmem:v0+s14+$0x0], $0xffff;
	_ =	sdelay $0x4  }
0x2a: {  	[tilespmem:s19+$0x10] =	vst v0  }
0x2b: {  	v0 =	vld [tilespmem:s18+$0x20];
	_ =	sdelay $0x7  }
0x2c: {  	v0 =	vld.idx.msk [tilespmem:v0+s14+$0x0], $0xffff;
	_ =	sdelay $0x4  }
0x2d: {  	[tilespmem:s19+$0x20] =	vst v0  }
0x2e: {  	v0 =	vld [tilespmem:s18+$0x30];
	_ =	sdelay $0x6  }
0x2f: {  	s17 =	sadd.s32 $0x8, s17  }
0x30: {  	p0 =	slt.u32 s17, $0x1F8;
	v0 =	vld.idx.msk [tilespmem:v0+s14+$0x0], $0xffff  }
.Ltmp0:
0x31: {  	_ = 	snop;
	(pc) =	sbr.rel @p0 .LBB2_2-.Ltmp0, $2  }
0x32: {  	_ =	sdelay $0x2  }
0x33: {  	s18 =	sadd.s32 $0x80, s18;
	[tilespmem:s19+$0x30] =	vst v0;
	s19 =	sadd.s32 $0x80, s19  }
0x34: {  	[hbm4b:s5+s12] =	stream.strided.scatter [tilespmem:s15], [sflag:$0x1], $0x2000, s13, s12, $0x38;
	[tilespmem:$0x1E700] =	vst v63  }
0x35: {  	_ =	swait.ge [sflag:s11], $0x2000  }
0x36: {  	s17 =	simm.s32 $0xFFFFFFF8;
	[sflag:s11] =	ssyncset.done $0x0  }
0x37: {  	s18 =	simm.s32 $0x2070;
	s19 =	simm.s32 $0x1C740;
	[sflag:s11] =	ssyncadd.s32 $0xFFFFE000  }
.LBB2_4:
0x38: {  	v0 =	vld [tilespmem:s18+$0xFFFFFF90];
	_ =	sdelay $0x7  }
0x39: {  	v0 =	vld.idx.msk [tilespmem:v0+s14+$0x0], $0xffff;
	_ =	sdelay $0x4  }
0x3a: {  	[tilespmem:s19+$0xFFFFFFC0] =	vst v0  }
0x3b: {  	v0 =	vld [tilespmem:s18+$0xFFFFFFA0];
	_ =	sdelay $0x7  }
0x3c: {  	v0 =	vld.idx.msk [tilespmem:v0+s14+$0x0], $0xffff;
	_ =	sdelay $0x4  }
0x3d: {  	[tilespmem:s19+$0xFFFFFFD0] =	vst v0  }
0x3e: {  	v0 =	vld [tilespmem:s18+$0xFFFFFFB0];
	_ =	sdelay $0x7  }
0x3f: {  	v0 =	vld.idx.msk [tilespmem:v0+s14+$0x0], $0xffff;
	_ =	sdelay $0x4  }
0x40: {  	[tilespmem:s19+$0xFFFFFFE0] =	vst v0  }
0x41: {  	v0 =	vld [tilespmem:s18+$0xFFFFFFC0];
	_ =	sdelay $0x7  }
0x42: {  	v0 =	vld.idx.msk [tilespmem:v0+s14+$0x0], $0xffff;
	_ =	sdelay $0x4  }
0x43: {  	[tilespmem:s19+$0xFFFFFFF0] =	vst v0  }
0x44: {  	v0 =	vld [tilespmem:s18+$0xFFFFFFD0];
	_ =	sdelay $0x7  }
0x45: {  	v0 =	vld.idx.msk [tilespmem:v0+s14+$0x0], $0xffff;
	_ =	sdelay $0x4  }
0x46: {  	[tilespmem:s19+$0x0] =	vst v0  }
0x47: {  	v0 =	vld [tilespmem:s18+$0xFFFFFFE0];
	_ =	sdelay $0x7  }
0x48: {  	v0 =	vld.idx.msk [tilespmem:v0+s14+$0x0], $0xffff;
	_ =	sdelay $0x4  }
0x49: {  	[tilespmem:s19+$0x10] =	vst v0  }
0x4a: {  	v0 =	vld [tilespmem:s18+$0xFFFFFFF0];
	_ =	sdelay $0x7  }
0x4b: {  	v0 =	vld.idx.msk [tilespmem:v0+s14+$0x0], $0xffff;
	_ =	sdelay $0x4  }
0x4c: {  	[tilespmem:s19+$0x20] =	vst v0  }
0x4d: {  	v0 =	vld [tilespmem:s18+$0x0];
	_ =	sdelay $0x6  }
0x4e: {  	s17 =	sadd.s32 $0x8, s17  }
0x4f: {  	p0 =	slt.u32 s17, $0x1F8;
	v0 =	vld.idx.msk [tilespmem:v0+s14+$0x0], $0xffff  }
.Ltmp1:
0x50: {  	_ = 	snop;
	(pc) =	sbr.rel @p0 .LBB2_4-.Ltmp1, $2  }
0x51: {  	_ =	sdelay $0x2  }
0x52: {  	s18 =	sadd.s32 $0x80, s18;
	[tilespmem:s19+$0x30] =	vst v0;
	s19 =	sadd.s32 $0x80, s19  }
0x53: {  	[hbm4b:s6+s12] =	stream.strided.scatter [tilespmem:s15], [sflag:$0x1], $0x2000, s13, s12, $0x38;
	[tilespmem:$0x1E700] =	vst v63  }
0x54: {  	_ =	swait.ge [sflag:s11], $0x2000  }
0x55: {  	[sflag:s11] =	ssyncset.done $0x0  }
0x56: {  	[sflag:s11] =	ssyncadd.s32 $0xFFFFE000  }
0x57: {  	[tilespmem:s14], [sflag:$0x1] =	stream.strided.gather [hbm4b:s7+s12], $0x18700, s13, s12, $0x38;
	[tilespmem:$0x1E700] =	vst v63  }
0x58: {  	_ =	swait.ge [sflag:s11], $0x18700  }
0x59: {  	s17 =	simm.s32 $0xFFFFFFF8;
	[sflag:s11] =	ssyncset.done $0x0  }
0x5a: {  	s18 =	simm.s32 $0x40;
	s19 =	simm.s32 $0x1C740;
	[sflag:s11] =	ssyncadd.s32 $0xFFFE7900  }
.LBB2_6:
0x5b: {  	v0 =	vld [tilespmem:s18+$0xFFFFFFC0];
	_ =	sdelay $0x7  }
0x5c: {  	v0 =	vld.idx.msk [tilespmem:v0+s14+$0x0], $0xffff;
	_ =	sdelay $0x4  }
0x5d: {  	[tilespmem:s19+$0xFFFFFFC0] =	vst v0  }
0x5e: {  	v0 =	vld [tilespmem:s18+$0xFFFFFFD0];
	_ =	sdelay $0x7  }
0x5f: {  	v0 =	vld.idx.msk [tilespmem:v0+s14+$0x0], $0xffff;
	_ =	sdelay $0x4  }
0x60: {  	[tilespmem:s19+$0xFFFFFFD0] =	vst v0  }
0x61: {  	v0 =	vld [tilespmem:s18+$0xFFFFFFE0];
	_ =	sdelay $0x7  }
0x62: {  	v0 =	vld.idx.msk [tilespmem:v0+s14+$0x0], $0xffff;
	_ =	sdelay $0x4  }
0x63: {  	[tilespmem:s19+$0xFFFFFFE0] =	vst v0  }
0x64: {  	v0 =	vld [tilespmem:s18+$0xFFFFFFF0];
	_ =	sdelay $0x7  }
0x65: {  	v0 =	vld.idx.msk [tilespmem:v0+s14+$0x0], $0xffff;
	_ =	sdelay $0x4  }
0x66: {  	[tilespmem:s19+$0xFFFFFFF0] =	vst v0  }
0x67: {  	v0 =	vld [tilespmem:s18+$0x0];
	_ =	sdelay $0x7  }
0x68: {  	v0 =	vld.idx.msk [tilespmem:v0+s14+$0x0], $0xffff;
	_ =	sdelay $0x4  }
0x69: {  	[tilespmem:s19+$0x0] =	vst v0  }
0x6a: {  	v0 =	vld [tilespmem:s18+$0x10];
	_ =	sdelay $0x7  }
0x6b: {  	v0 =	vld.idx.msk [tilespmem:v0+s14+$0x0], $0xffff;
	_ =	sdelay $0x4  }
0x6c: {  	[tilespmem:s19+$0x10] =	vst v0  }
0x6d: {  	v0 =	vld [tilespmem:s18+$0x20];
	_ =	sdelay $0x7  }
0x6e: {  	v0 =	vld.idx.msk [tilespmem:v0+s14+$0x0], $0xffff;
	_ =	sdelay $0x4  }
0x6f: {  	[tilespmem:s19+$0x20] =	vst v0  }
0x70: {  	v0 =	vld [tilespmem:s18+$0x30];
	_ =	sdelay $0x6  }
0x71: {  	s17 =	sadd.s32 $0x8, s17  }
0x72: {  	p0 =	slt.u32 s17, $0x1F8;
	v0 =	vld.idx.msk [tilespmem:v0+s14+$0x0], $0xffff  }
.Ltmp2:
0x73: {  	_ = 	snop;
	(pc) =	sbr.rel @p0 .LBB2_6-.Ltmp2, $2  }
0x74: {  	_ =	sdelay $0x2  }
0x75: {  	s18 =	sadd.s32 $0x80, s18;
	[tilespmem:s19+$0x30] =	vst v0;
	s19 =	sadd.s32 $0x80, s19  }
0x76: {  	[hbm4b:s8+s12] =	stream.strided.scatter [tilespmem:s15], [sflag:$0x1], $0x2000, s13, s12, $0x38;
	[tilespmem:$0x1E700] =	vst v63  }
0x77: {  	_ =	swait.ge [sflag:s11], $0x2000  }
0x78: {  	s17 =	simm.s32 $0xFFFFFFF8;
	[sflag:s11] =	ssyncset.done $0x0  }
0x79: {  	s18 =	simm.s32 $0x2070;
	s19 =	simm.s32 $0x1C740;
	[sflag:s11] =	ssyncadd.s32 $0xFFFFE000  }
.LBB2_8:
0x7a: {  	v0 =	vld [tilespmem:s18+$0xFFFFFF90];
	_ =	sdelay $0x7  }
0x7b: {  	v0 =	vld.idx.msk [tilespmem:v0+s14+$0x0], $0xffff;
	_ =	sdelay $0x4  }
0x7c: {  	[tilespmem:s19+$0xFFFFFFC0] =	vst v0  }
0x7d: {  	v0 =	vld [tilespmem:s18+$0xFFFFFFA0];
	_ =	sdelay $0x7  }
0x7e: {  	v0 =	vld.idx.msk [tilespmem:v0+s14+$0x0], $0xffff;
	_ =	sdelay $0x4  }
0x7f: {  	[tilespmem:s19+$0xFFFFFFD0] =	vst v0  }
0x80: {  	v0 =	vld [tilespmem:s18+$0xFFFFFFB0];
	_ =	sdelay $0x7  }
0x81: {  	v0 =	vld.idx.msk [tilespmem:v0+s14+$0x0], $0xffff;
	_ =	sdelay $0x4  }
0x82: {  	[tilespmem:s19+$0xFFFFFFE0] =	vst v0  }
0x83: {  	v0 =	vld [tilespmem:s18+$0xFFFFFFC0];
	_ =	sdelay $0x7  }
0x84: {  	v0 =	vld.idx.msk [tilespmem:v0+s14+$0x0], $0xffff;
	_ =	sdelay $0x4  }
0x85: {  	[tilespmem:s19+$0xFFFFFFF0] =	vst v0  }
0x86: {  	v0 =	vld [tilespmem:s18+$0xFFFFFFD0];
	_ =	sdelay $0x7  }
0x87: {  	v0 =	vld.idx.msk [tilespmem:v0+s14+$0x0], $0xffff;
	_ =	sdelay $0x4  }
0x88: {  	[tilespmem:s19+$0x0] =	vst v0  }
0x89: {  	v0 =	vld [tilespmem:s18+$0xFFFFFFE0];
	_ =	sdelay $0x7  }
0x8a: {  	v0 =	vld.idx.msk [tilespmem:v0+s14+$0x0], $0xffff;
	_ =	sdelay $0x4  }
0x8b: {  	[tilespmem:s19+$0x10] =	vst v0  }
0x8c: {  	v0 =	vld [tilespmem:s18+$0xFFFFFFF0];
	_ =	sdelay $0x7  }
0x8d: {  	v0 =	vld.idx.msk [tilespmem:v0+s14+$0x0], $0xffff;
	_ =	sdelay $0x4  }
0x8e: {  	[tilespmem:s19+$0x20] =	vst v0  }
0x8f: {  	v0 =	vld [tilespmem:s18+$0x0];
	_ =	sdelay $0x6  }
0x90: {  	s17 =	sadd.s32 $0x8, s17  }
0x91: {  	p0 =	slt.u32 s17, $0x1F8;
	v0 =	vld.idx.msk [tilespmem:v0+s14+$0x0], $0xffff  }
.Ltmp3:
0x92: {  	_ = 	snop;
	(pc) =	sbr.rel @p0 .LBB2_8-.Ltmp3, $2  }
0x93: {  	_ =	sdelay $0x2  }
0x94: {  	s18 =	sadd.s32 $0x80, s18;
	[tilespmem:s19+$0x30] =	vst v0;
	s19 =	sadd.s32 $0x80, s19  }
0x95: {  	s16 =	sadd.s32 $0x1, s16  }
0x96: {  	p0 =	sne.s32 s16, s10  }
.Ltmp4:
0x97: {  	_ = 	snop;
	(pc) =	sbr.rel @p0 .LBB2_1-.Ltmp4, $4  }
0x98: {  	[hbm4b:s9+s12] =	stream.strided.scatter [tilespmem:s15], [sflag:$0x1], $0x2000, s13, s12, $0x38;
	[tilespmem:$0x1E700] =	vst v63  }
0x99: {  	_ =	swait.ge [sflag:s11], $0x2000  }
0x9a: {  	[sflag:s11] =	ssyncset.done $0x0  }
0x9b: {  	[sflag:s11] =	ssyncadd.s32 $0xFFFFE000  }
0x9c: {  	_ =	sfence.sel $0x180000  }
0x9d: {  	[bflag:$0x0] =	sbarrier.arrive $0xFFFF  }
0x9e: {  	p0 =	sne.s32 s2, $0x0;
	_ =	strace $0x9000004D  }
0x9f: {  	s0 =	sadd.s32 @!p0 $0x100000, s0;
	[bflag:$0x2] =	sbarrier.arrive $0xFFFF  }
0xa0: {  	[sflag:s0] =	ssyncadd.tile.s32 @!p0 $0x1;
	_ =	shalt  }
.Lfunc_end2:
_tile_overlayer_lowered:
.L_overlay_start_2:
0xa1: {  	(tag) =	ssettag $0x2  }
0xa2: {  	s0 =	rddreg [dreg:$0x0];
	s2 =	stileid.u32  }
0xa3: {  	s1 =	rddreg [dreg:$0x1];
	p0 =	sne.s32 s2, $0x0  }
0xa4: {  	s3 =	rddreg [dreg:$0x2];
	[bflag:$0x3] =	sbarrier.arrive $0xFFFF;
	s2 =	simm.s32 @!p0 $0x1C01  }
0xa5: {  	[timem:s3], [sflag:s2] =	dma.local @!p0 [hbm:s0], s1  }
0xa6: {  	s0 =	simm.s32 @!p0 $0x1  }
0xa7: {  	_ =	swait.ge @!p0 [sflag:s0], s1  }
0xa8: {  	s1 =	ssub.s32 @!p0 $0x0, s1;
	[sflag:s0] =	ssyncset.done @!p0 $0x0  }
0xa9: {  	[sflag:s0] =	ssyncadd.s32 @!p0 s1  }
0xaa: {  	[bflag:$0x3] =	sbarrier.arrive $0xFFFF  }
0xab: {  	_ =	shalt  }

// kernel: kernel.7.cloned.1.call-start
scs
__scs_entry_jumppad:
0x0: {  	(pc) =	sbr.rel $0x88, $3  }
0x1: {  	(tag) =	ssettag $0x0;
	lr =	simm.s32 $0x1  }
0x2: {  	[smem:$0x3F92] =	sst lr;
	_ =	strace $0xD0000000  }
0x3: {  	_ = 	snop  }
0x4: {  	_ = 	snop  }
0x5: {  	_ = 	snop  }
0x6: {  	_ = 	snop  }
0x7: {  	_ = 	snop  }
__scs_overlays_trampoline_lowered:
0x8: {  	[smem:$0x3FA1] =	sst s0  }
0x9: {  	[smem:$0x3FA2] =	sst s1  }
0xa: {  	[smem:$0x3FA3] =	sst s2  }
0xb: {  	[smem:$0x3FA4] =	sst s3  }
0xc: {  	[smem:$0x3FA5] =	sst s4  }
0xd: {  	[smem:$0x3FA6] =	sst s5  }
0xe: {  	[smem:$0x3FA7] =	sst s6  }
0xf: {  	[smem:$0x3FA8] =	sst s7  }
0x10: {  	[smem:$0x3FA9] =	sst s8  }
0x11: {  	[smem:$0x3FAA] =	sst s9;
	s0 =	simm.s32 @!p0 $0x0  }
0x12: {  	s1 =	sld [smem:$0x3F90];
	s0 =	simm.s32 @p0 $0x1  }
0x13: {  	[smem:$0x3FAB] =	sst s0;
	s0 =	simm.s32 @!p1 $0x0  }
0x14: {  	s2 =	sld [smem:$0x3F8F];
	s0 =	simm.s32 @p1 $0x1  }
0x15: {  	[smem:$0x3FAC] =	sst s0;
	s0 =	simm.s32 @!p2 $0x0  }
0x16: {  	s3 =	sld [smem:$0x3FDB];
	s0 =	simm.s32 @p2 $0x1  }
0x17: {  	s4 =	simm.s32 $0x1BF5;
	[smem:$0x3FAE] =	sst s0  }
0x18: {  	s0 =	sld [smem:$0x3F91];
	_ =	swait.ge [sflag:s4], $0x0  }
0x19: {  	s7 =	sld [smem:$0x3F92]  }
0x1a: {  	s8 =	sadd.s32 $0xFFFFE003, lr  }
0x1b: {  	s9 =	sadd.s32 $0xFFFFFEF7, lr;
	s5 =	simm.s32 $0xFFFFFFFF;
	p2 =	slt.u32 s8, $0xFFFFF086  }
0x1c: {  	p1 =	slt.u32 s9, $0xF7A;
	s5 =	simm.s32 @!p2 $0x0  }
0x1d: {  	s5 =	simm.s32 @p1 $0x1;
	p0 =	seq.s32 s7, s2  }
0x1e: {  	s7 =	smul.u32 @!p0 $0xF7A, s2;
	p2 =	seq.s32 @!p0 s5, $0x0  }
0x1f: {  	s9 =	smul.u32 $0xF7A, s1;
	s8 =	simm.s32 @!p0 $0x1BF5;
	p2 =	por !p2, p0  }
0x20: {  	[sflag:s8] =	ssyncset.s32 @!p0 $0xFFFFF086;
	s6 =	sadd.s32 @!p0 s3, s7;
	s7 =	simm.s32 @!p0 $0x108  }
0x21: {  	s3 =	sadd.s32 s3, s9;
	s6 =	sadd.s32 @!p0 $0x88, s6;
	s7 =	simm.s32 @p2 $0x1082  }
0x22: {  	[simem:s7], [sflag:s8] =	dma.local @!p0 [hbm:s6], $0xF7A  }
0x23: {  	s9 =	sor.u32 $0xD0000000, s2;
	s6 =	simm.s32 $0x108;
	_ =	swait.ge @!p0 [sflag:s8], $0x0  }
0x24: {  	s3 =	sadd.s32 $0x88, s3;
	s6 =	simm.s32 @!p1 $0x1082;
	[sflag:s4] =	ssyncset.s32 $0xFFFFF086  }
0x25: {  	[simem:s6], [sflag:s4] =	dma.local [hbm:s3], $0xF7A  }
0x26: {  	[smem:$0x3F92] =	sst s1;
	(tag) =	ssettag s2;
	_ =	strace s9  }
0x27: {  	s1 =	sld [smem:$0x3FA2]  }
0x28: {  	s2 =	sld [smem:$0x3FA3]  }
0x29: {  	s4 =	sld [smem:$0x3FA5]  }
0x2a: {  	p0 =	seq.s32 s5, $0x0;
	s5 =	sld [smem:$0x3FA6]  }
0x2b: {  	s6 =	sld [smem:$0x3FA7]  }
0x2c: {  	s7 =	sld [smem:$0x3FA8]  }
0x2d: {  	s3 =	simm.s32 $0x108;
	s8 =	sld [smem:$0x3FA9]  }
0x2e: {  	s3 =	simm.s32 @!p0 $0x1082;
	s9 =	sld [smem:$0x3FAA]  }
0x2f: {  	lr =	sadd.s32 s0, s3;
	s0 =	sld [smem:$0x3FA1]  }
0x30: {  	s3 =	sld [smem:$0x3FA4]  }
0x31: {  	[smem:$0x3FAD] =	sst s10  }
0x32: {  	s10 =	sld [smem:$0x3FAB];
	_ =	sdelay $0x3  }
0x33: {  	p0 =	seq.s32 s10, $0x1;
	s10 =	sld [smem:$0x3FAD];
	_ =	sdelay $0x3  }
0x34: {  	[smem:$0x3FAD] =	sst s10  }
0x35: {  	s10 =	sld [smem:$0x3FAC];
	_ =	sdelay $0x3  }
0x36: {  	p1 =	seq.s32 s10, $0x1;
	s10 =	sld [smem:$0x3FAD];
	_ =	sdelay $0x3  }
0x37: {  	[smem:$0x3FAD] =	sst s10  }
0x38: {  	s10 =	sld [smem:$0x3FAE]  }
0x39: {  	_ = 	snop;
	(pc) =	sbr.ind lr, $3  }
0x3a: {  	_ = 	snop  }
0x3b: {  	_ = 	snop  }
0x3c: {  	p2 =	seq.s32 s10, $0x1;
	s10 =	sld [smem:$0x3FAD]  }
0x3d: {  	_ =	shalt  }
0x3e: {  	_ =	shalt  }
0x3f: {  	_ =	shalt  }
0x40: {  	_ =	shalt  }
0x41: {  	_ =	shalt  }
0x42: {  	_ =	shalt  }
0x43: {  	_ =	shalt  }
0x44: {  	_ =	shalt  }
0x45: {  	_ =	shalt  }
0x46: {  	_ =	shalt  }
0x47: {  	_ =	shalt  }
0x48: {  	_ =	shalt  }
0x49: {  	_ =	shalt  }
0x4a: {  	_ =	shalt  }
0x4b: {  	_ =	shalt  }
0x4c: {  	_ =	shalt  }
0x4d: {  	_ =	shalt  }
0x4e: {  	_ =	shalt  }
0x4f: {  	_ =	shalt  }
0x50: {  	_ =	shalt  }
0x51: {  	_ =	shalt  }
0x52: {  	_ =	shalt  }
0x53: {  	_ =	shalt  }
0x54: {  	_ =	shalt  }
0x55: {  	_ =	shalt  }
0x56: {  	_ =	shalt  }
0x57: {  	_ =	shalt  }
0x58: {  	_ =	shalt  }
0x59: {  	_ =	shalt  }
0x5a: {  	_ =	shalt  }
0x5b: {  	_ =	shalt  }
0x5c: {  	_ =	shalt  }
0x5d: {  	_ =	shalt  }
0x5e: {  	_ =	shalt  }
0x5f: {  	_ =	shalt  }
0x60: {  	_ =	shalt  }
0x61: {  	_ =	shalt  }
0x62: {  	_ =	shalt  }
0x63: {  	_ =	shalt  }
0x64: {  	_ =	shalt  }
0x65: {  	_ =	shalt  }
0x66: {  	_ =	shalt  }
0x67: {  	_ =	shalt  }
0x68: {  	_ =	shalt  }
0x69: {  	_ =	shalt  }
0x6a: {  	_ =	shalt  }
0x6b: {  	_ =	shalt  }
0x6c: {  	_ =	shalt  }
0x6d: {  	_ =	shalt  }
0x6e: {  	_ =	shalt  }
0x6f: {  	_ =	shalt  }
0x70: {  	_ =	shalt  }
0x71: {  	_ =	shalt  }
0x72: {  	_ =	shalt  }
0x73: {  	_ =	shalt  }
0x74: {  	_ =	shalt  }
0x75: {  	_ =	shalt  }
0x76: {  	_ =	shalt  }
0x77: {  	_ =	shalt  }
0x78: {  	_ =	shalt  }
0x79: {  	_ =	shalt  }
0x7a: {  	_ =	shalt  }
0x7b: {  	_ =	shalt  }
0x7c: {  	_ =	shalt  }
0x7d: {  	_ =	shalt  }
0x7e: {  	_ =	shalt  }
0x7f: {  	_ =	shalt  }
0x80: {  	_ =	shalt  }
0x81: {  	_ =	shalt  }
0x82: {  	_ =	shalt  }
0x83: {  	_ =	shalt  }
0x84: {  	_ =	shalt  }
0x85: {  	_ =	shalt  }
0x86: {  	_ =	shalt  }
0x87: {  	_ =	shalt  }
.Lfunc_end0:
.L_simem_size_0:
called_computation_lowered:
.L_overlay_start_0:
0x88: {  	s2 =	sld [smem:$0x3FD9]  }
0x89: {  	s3 =	sld [smem:$0x3FFE];
	_ =	sdelay $0x1  }
0x8a: {  	s1 =	srdreg.scid  }
0x8b: {  	s0 =	sand.u32 $0x1, s1  }
0x8c: {  	s17 =	sshll.u32 s0, $0xA;
	s2 =	sadd.s32 s3, s2  }
0x8d: {  	s2 =	sadd.s32 s2, s17  }
0x8e: {  	[smem:$0x3FB9] =	sst s2  }
0x8f: {  	_ = 	snop  }
0x90: {  	s18 =	sld [smem:$0x3FC7];
	(tm) =	ssettm $0x1  }
0x91: {  	s19 =	sld [smem:$0x3FFB];
	_ =	sdelay $0x3  }
0x92: {  	_ =	strace s19  }
0x93: {  	s2 =	sld [smem:$0x3FFC];
	_ =	sdelay $0x3  }
0x94: {  	_ =	strace s2  }
0x95: {  	s2 =	sld [smem:$0x3FFD];
	_ =	sdelay $0x3  }
0x96: {  	_ =	strace s2  }
0x97: {  	_ =	strace $0x8FFFFFFF  }
0x98: {  	s20 =	sld [smem:$0x3FDB];
	_ =	sdelay $0x1  }
0x99: {  	s4 =	simm.s32 $_scs_section_size  }
0x9a: {  	s5 =	simm.s32 $_size__tile_overlayer_lowered;
	s6 =	simm.s32 $_tile_overlayer_lowered  }
0x9b: {  	s7 =	simm.s32 $0x1BFF;
	s21 =	sshll.u32 s6, $0x1;
	s4 =	sadd.s32 s4, s20  }
0x9c: {  	s22 =	simm.s32 $0x0;
	s5 =	sshll.u32 s5, $0x1;
	s6 =	sadd.s32 s21, s4  }
0x9d: {  	[timem:s22], [sflag:s7] =	dma.local [hbm:s6], s5  }
0x9e: {  	_ =	swait.ge [sflag:s7], s5  }
0x9f: {  	s5 =	ssub.s32 $0x0, s5;
	[sflag:s7] =	ssyncset.done $0x0  }
0xa0: {  	[sflag:s7] =	ssyncadd.s32 s5;
	_ =	sdelay $0x1  }
0xa1: {  	s23 =	simm.s32 $0x1B8B  }
0xa2: {  	_ =	swait.ge [sflag:s23], $0x1  }
0xa3: {  	[sflag:s23] =	ssyncset.done $0x0  }
0xa4: {  	[sflag:s23] =	ssyncadd.s32 $0xFFFFFFFF  }
0xa5: {  	s5 =	sld [smem:$0x0]  }
0xa6: {  	s6 =	sand.u32 $0xFFFFFFFE, s1  }
0xa7: {  	p0 =	sne.s32 s1, s6  }
0xa8: {  	s6 =	sshll.u32 @p0 s6, $0xE  }
0xa9: {  	s6 =	sadd.s32 @p0 $0x11B8D, s6;
	s7 =	sshll.u32 @p0 s5, $0x11  }
0xaa: {  	s6 =	sor.u32 @p0 s7, s6  }
0xab: {  	[sflag:s6] =	ssyncadd.remote.s32 @p0 $0x1;
	_ =	sdelay $0x1  }
0xac: {  	s6 =	simm.s32 @p0 $0x1B8D  }
0xad: {  	_ =	swait.eq @p0 [sflag:s6], $0x1  }
0xae: {  	[sflag:s6] =	ssyncadd.s32 @p0 $0xFFFFFFFF  }
0xaf: {  	s7 =	sshll.u32 @!p0 s1, $0xE  }
0xb0: {  	s7 =	sor.u32 @!p0 $0x4000, s7;
	s6 =	simm.s32 @!p0 $0x1B8D  }
0xb1: {  	s5 =	sshll.u32 @!p0 s5, $0x11;
	s7 =	sadd.s32 @!p0 $0x11B8D, s7;
	_ =	swait.eq @!p0 [sflag:s6], $0x1  }
0xb2: {  	s5 =	sor.u32 @!p0 s5, s7;
	[sflag:s6] =	ssyncadd.s32 @!p0 $0xFFFFFFFF  }
0xb3: {  	s25 =	simm.s32 $0x1B8E;
	s24 =	sld [smem:$0x3FFE];
	[sflag:s5] =	ssyncadd.remote.s32 @!p0 $0x1  }
0xb4: {  	s26 =	simm.s32 $execute0_lowered;
	[smem:$0x3FD2] =	sst s25  }
0xb5: {  	s6 =	sshll.u32 s26, $0x1;
	_ =	strace $0x80000049;
	[dreg:$0x1] =	wrdreg $0xFFFFFFFF  }
0xb6: {  	s28 =	simm.s32 $_size_execute0_lowered;
	s4 =	sadd.s32 s4, s6;
	[dreg:$0x0] =	wrdreg $0x0  }
0xb7: {  	s6 =	sshll.u32 s28, $0x1;
	[dreg:$0x2] =	wrdreg s4  }
0xb8: {  	[dreg:$0x3] =	wrdreg s6  }
0xb9: {  	[dreg:$0x4] =	wrdreg $0xC0  }
0xba: {  	_ =	task [dreg:s22], $0x5FFFF  }
0xbb: {  	[dreg:$0x1] =	wrdreg $0xFFFFFFFF  }
0xbc: {  	[dreg:$0x0] =	wrdreg $0x60  }
0xbd: {  	[dreg:$0x2] =	wrdreg s24  }
0xbe: {  	[dreg:$0x3] =	wrdreg s18  }
0xbf: {  	[dreg:$0x4] =	wrdreg $0x9  }
0xc0: {  	_ =	task.clear_ibuf [dreg:s22], $0x5FFFF;
	_ =	strace $0x90000049  }
0xc1: {  	s29 =	simm.s32 $0x9;
	_ =	strace $0x8000004B  }
0xc2: {  	_ =	swait.ge [sflag:s29], $0x1  }
0xc3: {  	[sflag:s29] =	ssyncadd.s32 $0xFFFFFFFF  }
0xc4: {  	_ =	strace $0x9000004B  }
0xc5: {  	_ =	sfence  }
0xc6: {  	s30 =	sld [smem:$0x0];
	_ =	sdelay $0x2  }
0xc7: {  	s31 =	sshll.u32 s1, $0xD;
	s1 =	sshrl.u32 s1, $0x2  }
0xc8: {  	s4 =	sand.u32 $0x4000, s31;
	s1 =	sadd.s32 s1, s30  }
0xc9: {  	s0 =	sor.u32 s4, s0;
	s1 =	sshll.u32 s1, $0x11  }
0xca: {  	s0 =	sor.u32 s1, s0  }
0xcb: {  	s0 =	sadd.s32 $0x8F2B, s0  }
0xcc: {  	[sflag:s0] =	ssyncadd.remote.s32 $0x1  }
0xcd: {  	_ =	sfence.sel $0xFFFF  }
0xce: {  	[dreg:$0x0] =	wrdreg $0xFFFFFFFF;
	(pc) =	sbr.abs _section_cstart, $3  }
0xcf: {  	[dreg:$0x1] =	wrdreg $0xFFFFFFFF  }
0xd0: {  	_ =	task.clear_ibuf [dreg:s22], $0x2FFFF;
	_ =	strace $0x9FFFFFFF  }
0xd1: {  	(tm) =	ssettm $0x7FFFFFFF  }
tec
execute0_lowered:
.L_overlay_start_1:
0x0: {  	(tag) =	ssettag $0x1  }
0x1: {  	s6 =	rddreg [dreg:$0x0]  }
0x2: {  	s7 =	rddreg [dreg:$0x1]  }
0x3: {  	s0 =	rddreg [dreg:$0x2];
	s1 =	simm.s32 $0x0;
	s4 =	srdreg.scid  }
0x4: {  	s2 =	stileid.u32;
	s15 =	simm.s32 $0x1C700;
	s16 =	simm.s32 $0x0  }
0x5: {  	[smem:$0x7FF] =	sst s1;
	s3 =	sadd.s32 $0x4A00, s6;
	s8 =	sadd.s32 $0x2FC00, s6  }
0x6: {  	s4 =	sand.u32 $0x1, s4;
	s9 =	sshll.u32 s2, $0x9;
	s10 =	sshrl.u32 s2, $0x1  }
0x7: {  	s14 =	sadd.s32 $0x31C00, s6;
	_ =	strace $0x8000004A;
	s5 =	ssub.s32 $0x2, s4  }
0x8: {  	s4 =	sshll.u32 s4, $0x8;
	s9 =	sand.u32 $0x200, s9;
	s11 =	smul.u32 $0xC3800, s10  }
0x9: {  	s28 =	sshll.u32 s10, $0x11;
	s12 =	sshrl.u32 s5, $0x1;
	s4 =	sor.u32 s4, s9  }
0xa: {  	s29 =	ssub.s32 s5, s12;
	s30 =	sor.u32 s11, s4;
	s31 =	sor.u32 s28, s4  }
0xb: {  	s13 =	sor.u32 $0x80, s4;
	s5 =	sshrl.u32 s30, $0x3;
	s12 =	sshrl.u32 s31, $0x3  }
0xc: {  	s11 =	sor.u32 s11, s13;
	s9 =	sor.u32 s28, s13;
	s10 =	smax.u32 s29, $0x1  }
0xd: {  	s13 =	simm.s32 $0x400;
	s4 =	sadd.s32 s7, s5;
	s5 =	sadd.s32 s8, s12  }
0xe: {  	s11 =	sshrl.u32 s11, $0x3;
	s6 =	sadd.s32 s12, s14;
	s9 =	sshrl.u32 s9, $0x3  }
0xf: {  	s12 =	simm.s32 $0x80;
	s7 =	sadd.s32 s7, s11;
	s8 =	sadd.s32 s8, s9  }
0x10: {  	s9 =	sadd.s32 s9, s14;
	s11 =	simm.s32 $0x1;
	s14 =	simm.s32 $0x4000  }
.LBB2_1:
0x11: {  	[tilespmem:s1], [sflag:$0x1] =	stream.linear.gather [hbm4b:s3+s1], $0x4000, $0x38;
	[tilespmem:$0x1E700] =	vst v63  }
0x12: {  	_ =	swait.ge [sflag:s11], $0x4000  }
0x13: {  	[sflag:s11] =	ssyncset.done $0x0  }
0x14: {  	[sflag:s11] =	ssyncadd.s32 $0xFFFFC000  }
0x15: {  	[tilespmem:s14], [sflag:$0x1] =	stream.strided.gather [hbm4b:s4+s12], $0x18700, s13, s12, $0x38;
	[tilespmem:$0x1E700] =	vst v63  }
0x16: {  	_ =	swait.ge [sflag:s11], $0x18700  }
0x17: {  	s17 =	simm.s32 $0xFFFFFFF8;
	[sflag:s11] =	ssyncset.done $0x0  }
0x18: {  	s18 =	simm.s32 $0x40;
	s19 =	simm.s32 $0x1C740;
	[sflag:s11] =	ssyncadd.s32 $0xFFFE7900  }
.LBB2_2:
0x19: {  	v0 =	vld [tilespmem:s18+$0xFFFFFFC0];
	_ =	sdelay $0x7  }
0x1a: {  	v0 =	vld.idx.msk [tilespmem:v0+s14+$0x0], $0xffff;
	_ =	sdelay $0x4  }
0x1b: {  	[tilespmem:s19+$0xFFFFFFC0] =	vst v0  }
0x1c: {  	v0 =	vld [tilespmem:s18+$0xFFFFFFD0];
	_ =	sdelay $0x7  }
0x1d: {  	v0 =	vld.idx.msk [tilespmem:v0+s14+$0x0], $0xffff;
	_ =	sdelay $0x4  }
0x1e: {  	[tilespmem:s19+$0xFFFFFFD0] =	vst v0  }
0x1f: {  	v0 =	vld [tilespmem:s18+$0xFFFFFFE0];
	_ =	sdelay $0x7  }
0x20: {  	v0 =	vld.idx.msk [tilespmem:v0+s14+$0x0], $0xffff;
	_ =	sdelay $0x4  }
0x21: {  	[tilespmem:s19+$0xFFFFFFE0] =	vst v0  }
0x22: {  	v0 =	vld [tilespmem:s18+$0xFFFFFFF0];
	_ =	sdelay $0x7  }
0x23: {  	v0 =	vld.idx.msk [tilespmem:v0+s14+$0x0], $0xffff;
	_ =	sdelay $0x4  }
0x24: {  	[tilespmem:s19+$0xFFFFFFF0] =	vst v0  }
0x25: {  	v0 =	vld [tilespmem:s18+$0x0];
	_ =	sdelay $0x7  }
0x26: {  	v0 =	vld.idx.msk [tilespmem:v0+s14+$0x0], $0xffff;
	_ =	sdelay $0x4  }
0x27: {  	[tilespmem:s19+$0x0] =	vst v0  }
0x28: {  	v0 =	vld [tilespmem:s18+$0x10];
	_ =	sdelay $0x7  }
0x29: {  	v0 =	vld.idx.msk [tilespmem:v0+s14+$0x0], $0xffff;
	_ =	sdelay $0x4  }
0x2a: {  	[tilespmem:s19+$0x10] =	vst v0  }
0x2b: {  	v0 =	vld [tilespmem:s18+$0x20];
	_ =	sdelay $0x7  }
0x2c: {  	v0 =	vld.idx.msk [tilespmem:v0+s14+$0x0], $0xffff;
	_ =	sdelay $0x4  }
0x2d: {  	[tilespmem:s19+$0x20] =	vst v0  }
0x2e: {  	v0 =	vld [tilespmem:s18+$0x30];
	_ =	sdelay $0x6  }
0x2f: {  	s17 =	sadd.s32 $0x8, s17  }
0x30: {  	p0 =	slt.u32 s17, $0x1F8;
	v0 =	vld.idx.msk [tilespmem:v0+s14+$0x0], $0xffff  }
.Ltmp0:
0x31: {  	_ = 	snop;
	(pc) =	sbr.rel @p0 .LBB2_2-.Ltmp0, $2  }
0x32: {  	_ =	sdelay $0x2  }
0x33: {  	s18 =	sadd.s32 $0x80, s18;
	[tilespmem:s19+$0x30] =	vst v0;
	s19 =	sadd.s32 $0x80, s19  }
0x34: {  	[hbm4b:s5+s12] =	stream.strided.scatter [tilespmem:s15], [sflag:$0x1], $0x2000, s13, s12, $0x38;
	[tilespmem:$0x1E700] =	vst v63  }
0x35: {  	_ =	swait.ge [sflag:s11], $0x2000  }
0x36: {  	s17 =	simm.s32 $0xFFFFFFF8;
	[sflag:s11] =	ssyncset.done $0x0  }
0x37: {  	s18 =	simm.s32 $0x2070;
	s19 =	simm.s32 $0x1C740;
	[sflag:s11] =	ssyncadd.s32 $0xFFFFE000  }
.LBB2_4:
0x38: {  	v0 =	vld [tilespmem:s18+$0xFFFFFF90];
	_ =	sdelay $0x7  }
0x39: {  	v0 =	vld.idx.msk [tilespmem:v0+s14+$0x0], $0xffff;
	_ =	sdelay $0x4  }
0x3a: {  	[tilespmem:s19+$0xFFFFFFC0] =	vst v0  }
0x3b: {  	v0 =	vld [tilespmem:s18+$0xFFFFFFA0];
	_ =	sdelay $0x7  }
0x3c: {  	v0 =	vld.idx.msk [tilespmem:v0+s14+$0x0], $0xffff;
	_ =	sdelay $0x4  }
0x3d: {  	[tilespmem:s19+$0xFFFFFFD0] =	vst v0  }
0x3e: {  	v0 =	vld [tilespmem:s18+$0xFFFFFFB0];
	_ =	sdelay $0x7  }
0x3f: {  	v0 =	vld.idx.msk [tilespmem:v0+s14+$0x0], $0xffff;
	_ =	sdelay $0x4  }
0x40: {  	[tilespmem:s19+$0xFFFFFFE0] =	vst v0  }
0x41: {  	v0 =	vld [tilespmem:s18+$0xFFFFFFC0];
	_ =	sdelay $0x7  }
0x42: {  	v0 =	vld.idx.msk [tilespmem:v0+s14+$0x0], $0xffff;
	_ =	sdelay $0x4  }
0x43: {  	[tilespmem:s19+$0xFFFFFFF0] =	vst v0  }
0x44: {  	v0 =	vld [tilespmem:s18+$0xFFFFFFD0];
	_ =	sdelay $0x7  }
0x45: {  	v0 =	vld.idx.msk [tilespmem:v0+s14+$0x0], $0xffff;
	_ =	sdelay $0x4  }
0x46: {  	[tilespmem:s19+$0x0] =	vst v0  }
0x47: {  	v0 =	vld [tilespmem:s18+$0xFFFFFFE0];
	_ =	sdelay $0x7  }
0x48: {  	v0 =	vld.idx.msk [tilespmem:v0+s14+$0x0], $0xffff;
	_ =	sdelay $0x4  }
0x49: {  	[tilespmem:s19+$0x10] =	vst v0  }
0x4a: {  	v0 =	vld [tilespmem:s18+$0xFFFFFFF0];
	_ =	sdelay $0x7  }
0x4b: {  	v0 =	vld.idx.msk [tilespmem:v0+s14+$0x0], $0xffff;
	_ =	sdelay $0x4  }
0x4c: {  	[tilespmem:s19+$0x20] =	vst v0  }
0x4d: {  	v0 =	vld [tilespmem:s18+$0x0];
	_ =	sdelay $0x6  }
0x4e: {  	s17 =	sadd.s32 $0x8, s17  }
0x4f: {  	p0 =	slt.u32 s17, $0x1F8;
	v0 =	vld.idx.msk [tilespmem:v0+s14+$0x0], $0xffff  }
.Ltmp1:
0x50: {  	_ = 	snop;
	(pc) =	sbr.rel @p0 .LBB2_4-.Ltmp1, $2  }
0x51: {  	_ =	sdelay $0x2  }
0x52: {  	s18 =	sadd.s32 $0x80, s18;
	[tilespmem:s19+$0x30] =	vst v0;
	s19 =	sadd.s32 $0x80, s19  }
0x53: {  	[hbm4b:s6+s12] =	stream.strided.scatter [tilespmem:s15], [sflag:$0x1], $0x2000, s13, s12, $0x38;
	[tilespmem:$0x1E700] =	vst v63  }
0x54: {  	_ =	swait.ge [sflag:s11], $0x2000  }
0x55: {  	[sflag:s11] =	ssyncset.done $0x0  }
0x56: {  	[sflag:s11] =	ssyncadd.s32 $0xFFFFE000  }
0x57: {  	[tilespmem:s14], [sflag:$0x1] =	stream.strided.gather [hbm4b:s7+s12], $0x18700, s13, s12, $0x38;
	[tilespmem:$0x1E700] =	vst v63  }
0x58: {  	_ =	swait.ge [sflag:s11], $0x18700  }
0x59: {  	s17 =	simm.s32 $0xFFFFFFF8;
	[sflag:s11] =	ssyncset.done $0x0  }
0x5a: {  	s18 =	simm.s32 $0x40;
	s19 =	simm.s32 $0x1C740;
	[sflag:s11] =	ssyncadd.s32 $0xFFFE7900  }
.LBB2_6:
0x5b: {  	v0 =	vld [tilespmem:s18+$0xFFFFFFC0];
	_ =	sdelay $0x7  }
0x5c: {  	v0 =	vld.idx.msk [tilespmem:v0+s14+$0x0], $0xffff;
	_ =	sdelay $0x4  }
0x5d: {  	[tilespmem:s19+$0xFFFFFFC0] =	vst v0  }
0x5e: {  	v0 =	vld [tilespmem:s18+$0xFFFFFFD0];
	_ =	sdelay $0x7  }
0x5f: {  	v0 =	vld.idx.msk [tilespmem:v0+s14+$0x0], $0xffff;
	_ =	sdelay $0x4  }
0x60: {  	[tilespmem:s19+$0xFFFFFFD0] =	vst v0  }
0x61: {  	v0 =	vld [tilespmem:s18+$0xFFFFFFE0];
	_ =	sdelay $0x7  }
0x62: {  	v0 =	vld.idx.msk [tilespmem:v0+s14+$0x0], $0xffff;
	_ =	sdelay $0x4  }
0x63: {  	[tilespmem:s19+$0xFFFFFFE0] =	vst v0  }
0x64: {  	v0 =	vld [tilespmem:s18+$0xFFFFFFF0];
	_ =	sdelay $0x7  }
0x65: {  	v0 =	vld.idx.msk [tilespmem:v0+s14+$0x0], $0xffff;
	_ =	sdelay $0x4  }
0x66: {  	[tilespmem:s19+$0xFFFFFFF0] =	vst v0  }
0x67: {  	v0 =	vld [tilespmem:s18+$0x0];
	_ =	sdelay $0x7  }
0x68: {  	v0 =	vld.idx.msk [tilespmem:v0+s14+$0x0], $0xffff;
	_ =	sdelay $0x4  }
0x69: {  	[tilespmem:s19+$0x0] =	vst v0  }
0x6a: {  	v0 =	vld [tilespmem:s18+$0x10];
	_ =	sdelay $0x7  }
0x6b: {  	v0 =	vld.idx.msk [tilespmem:v0+s14+$0x0], $0xffff;
	_ =	sdelay $0x4  }
0x6c: {  	[tilespmem:s19+$0x10] =	vst v0  }
0x6d: {  	v0 =	vld [tilespmem:s18+$0x20];
	_ =	sdelay $0x7  }
0x6e: {  	v0 =	vld.idx.msk [tilespmem:v0+s14+$0x0], $0xffff;
	_ =	sdelay $0x4  }
0x6f: {  	[tilespmem:s19+$0x20] =	vst v0  }
0x70: {  	v0 =	vld [tilespmem:s18+$0x30];
	_ =	sdelay $0x6  }
0x71: {  	s17 =	sadd.s32 $0x8, s17  }
0x72: {  	p0 =	slt.u32 s17, $0x1F8;
	v0 =	vld.idx.msk [tilespmem:v0+s14+$0x0], $0xffff  }
.Ltmp2:
0x73: {  	_ = 	snop;
	(pc) =	sbr.rel @p0 .LBB2_6-.Ltmp2, $2  }
0x74: {  	_ =	sdelay $0x2  }
0x75: {  	s18 =	sadd.s32 $0x80, s18;
	[tilespmem:s19+$0x30] =	vst v0;
	s19 =	sadd.s32 $0x80, s19  }
0x76: {  	[hbm4b:s8+s12] =	stream.strided.scatter [tilespmem:s15], [sflag:$0x1], $0x2000, s13, s12, $0x38;
	[tilespmem:$0x1E700] =	vst v63  }
0x77: {  	_ =	swait.ge [sflag:s11], $0x2000  }
0x78: {  	s17 =	simm.s32 $0xFFFFFFF8;
	[sflag:s11] =	ssyncset.done $0x0  }
0x79: {  	s18 =	simm.s32 $0x2070;
	s19 =	simm.s32 $0x1C740;
	[sflag:s11] =	ssyncadd.s32 $0xFFFFE000  }
.LBB2_8:
0x7a: {  	v0 =	vld [tilespmem:s18+$0xFFFFFF90];
	_ =	sdelay $0x7  }
0x7b: {  	v0 =	vld.idx.msk [tilespmem:v0+s14+$0x0], $0xffff;
	_ =	sdelay $0x4  }
0x7c: {  	[tilespmem:s19+$0xFFFFFFC0] =	vst v0  }
0x7d: {  	v0 =	vld [tilespmem:s18+$0xFFFFFFA0];
	_ =	sdelay $0x7  }
0x7e: {  	v0 =	vld.idx.msk [tilespmem:v0+s14+$0x0], $0xffff;
	_ =	sdelay $0x4  }
0x7f: {  	[tilespmem:s19+$0xFFFFFFD0] =	vst v0  }
0x80: {  	v0 =	vld [tilespmem:s18+$0xFFFFFFB0];
	_ =	sdelay $0x7  }
0x81: {  	v0 =	vld.idx.msk [tilespmem:v0+s14+$0x0], $0xffff;
	_ =	sdelay $0x4  }
0x82: {  	[tilespmem:s19+$0xFFFFFFE0] =	vst v0  }
0x83: {  	v0 =	vld [tilespmem:s18+$0xFFFFFFC0];
	_ =	sdelay $0x7  }
0x84: {  	v0 =	vld.idx.msk [tilespmem:v0+s14+$0x0], $0xffff;
	_ =	sdelay $0x4  }
0x85: {  	[tilespmem:s19+$0xFFFFFFF0] =	vst v0  }
0x86: {  	v0 =	vld [tilespmem:s18+$0xFFFFFFD0];
	_ =	sdelay $0x7  }
0x87: {  	v0 =	vld.idx.msk [tilespmem:v0+s14+$0x0], $0xffff;
	_ =	sdelay $0x4  }
0x88: {  	[tilespmem:s19+$0x0] =	vst v0  }
0x89: {  	v0 =	vld [tilespmem:s18+$0xFFFFFFE0];
	_ =	sdelay $0x7  }
0x8a: {  	v0 =	vld.idx.msk [tilespmem:v0+s14+$0x0], $0xffff;
	_ =	sdelay $0x4  }
0x8b: {  	[tilespmem:s19+$0x10] =	vst v0  }
0x8c: {  	v0 =	vld [tilespmem:s18+$0xFFFFFFF0];
	_ =	sdelay $0x7  }
0x8d: {  	v0 =	vld.idx.msk [tilespmem:v0+s14+$0x0], $0xffff;
	_ =	sdelay $0x4  }
0x8e: {  	[tilespmem:s19+$0x20] =	vst v0  }
0x8f: {  	v0 =	vld [tilespmem:s18+$0x0];
	_ =	sdelay $0x6  }
0x90: {  	s17 =	sadd.s32 $0x8, s17  }
0x91: {  	p0 =	slt.u32 s17, $0x1F8;
	v0 =	vld.idx.msk [tilespmem:v0+s14+$0x0], $0xffff  }
.Ltmp3:
0x92: {  	_ = 	snop;
	(pc) =	sbr.rel @p0 .LBB2_8-.Ltmp3, $2  }
0x93: {  	_ =	sdelay $0x2  }
0x94: {  	s18 =	sadd.s32 $0x80, s18;
	[tilespmem:s19+$0x30] =	vst v0;
	s19 =	sadd.s32 $0x80, s19  }
0x95: {  	s16 =	sadd.s32 $0x1, s16  }
0x96: {  	p0 =	sne.s32 s16, s10  }
.Ltmp4:
0x97: {  	_ = 	snop;
	(pc) =	sbr.rel @p0 .LBB2_1-.Ltmp4, $4  }
0x98: {  	[hbm4b:s9+s12] =	stream.strided.scatter [tilespmem:s15], [sflag:$0x1], $0x2000, s13, s12, $0x38;
	[tilespmem:$0x1E700] =	vst v63  }
0x99: {  	_ =	swait.ge [sflag:s11], $0x2000  }
0x9a: {  	[sflag:s11] =	ssyncset.done $0x0  }
0x9b: {  	[sflag:s11] =	ssyncadd.s32 $0xFFFFE000  }
0x9c: {  	_ =	sfence.sel $0x180000  }
0x9d: {  	[bflag:$0x0] =	sbarrier.arrive $0xFFFF  }
0x9e: {  	p0 =	sne.s32 s2, $0x0;
	_ =	strace $0x9000004A  }
0x9f: {  	s0 =	sadd.s32 @!p0 $0x100000, s0;
	[bflag:$0x2] =	sbarrier.arrive $0xFFFF  }
0xa0: {  	[sflag:s0] =	ssyncadd.tile.s32 @!p0 $0x1;
	_ =	shalt  }
.Lfunc_end2:
_tile_overlayer_lowered:
.L_overlay_start_2:
0xa1: {  	(tag) =	ssettag $0x2  }
0xa2: {  	s0 =	rddreg [dreg:$0x0];
	s2 =	stileid.u32  }
0xa3: {  	s1 =	rddreg [dreg:$0x1];
	p0 =	sne.s32 s2, $0x0  }
0xa4: {  	s3 =	rddreg [dreg:$0x2];
	[bflag:$0x3] =	sbarrier.arrive $0xFFFF;
	s2 =	simm.s32 @!p0 $0x1C01  }
0xa5: {  	[timem:s3], [sflag:s2] =	dma.local @!p0 [hbm:s0], s1  }
0xa6: {  	s0 =	simm.s32 @!p0 $0x1  }
0xa7: {  	_ =	swait.ge @!p0 [sflag:s0], s1  }
0xa8: {  	s1 =	ssub.s32 @!p0 $0x0, s1;
	[sflag:s0] =	ssyncset.done @!p0 $0x0  }
0xa9: {  	[sflag:s0] =	ssyncadd.s32 @!p0 s1  }
0xaa: {  	[bflag:$0x3] =	sbarrier.arrive $0xFFFF  }
0xab: {  	_ =	shalt  }

</sc_bundles>
